<compile_context>
chip_gen: v7x
topology: tpu7x:2x2x1
jax: 0.10.2.dev20260603
libtpu: 0.0.44.dev20260713+nightly
codegen_flags: <defaults>
</compile_context>

<pallas_src>
import jax
import jax.numpy as jnp
from jax import lax
from jax.experimental import pallas as pl
from jax.experimental.pallas import tpu as pltpu
from jax.experimental.pallas import tpu_sc as plsc

BATCH = 16384
EMBED = 128
LANES = 16

NUM_CORES = 2
NUM_SUBCORES = 16
NUM_WORKERS = NUM_CORES * NUM_SUBCORES
B_PER_W = BATCH // NUM_WORKERS
CHUNK = 64
N_CHUNKS = B_PER_W // CHUNK
NBUF = 4


def _body(uid_hbm, iid_hbm, p_hbm, q_hbm, y_hbm,
          uidx_v, iidx_v, p_rows, q_rows, out_v, sem_idx, sem_p, sem_q,
          sem_out):
  wid = lax.axis_index("s") * NUM_CORES + lax.axis_index("c")
  base = wid * B_PER_W

  cu0 = pltpu.async_copy(uid_hbm.at[pl.ds(base, CHUNK)],
                         uidx_v.at[pl.ds(0, CHUNK)], sem_idx)
  ci0 = pltpu.async_copy(iid_hbm.at[pl.ds(base, CHUNK)],
                         iidx_v.at[pl.ds(0, CHUNK)], sem_idx)
  REST = B_PER_W - CHUNK
  cur = pltpu.async_copy(uid_hbm.at[pl.ds(base + CHUNK, REST)],
                         uidx_v.at[pl.ds(CHUNK, REST)], sem_idx)
  cir = pltpu.async_copy(iid_hbm.at[pl.ds(base + CHUNK, REST)],
                         iidx_v.at[pl.ds(CHUNK, REST)], sem_idx)

  def start_gather(k):
    buf = k % NBUF
    cp = pltpu.async_copy(p_hbm.at[uidx_v.at[pl.ds(k * CHUNK, CHUNK)]],
                          p_rows.at[buf], sem_p.at[buf])
    cq = pltpu.async_copy(q_hbm.at[iidx_v.at[pl.ds(k * CHUNK, CHUNK)]],
                          q_rows.at[buf], sem_q.at[buf])
    return cp, cq

  cu0.wait()
  ci0.wait()
  inflight = {0: start_gather(0)}
  cur.wait()
  cir.wait()
  for k in range(1, NBUF):
    inflight[k] = start_gather(k)
  lane = lax.iota(jnp.int32, LANES)
  out_copies = []

  for k in range(N_CHUNKS):
    cp, cq = inflight.pop(k)
    cp.wait()
    cq.wait()
    buf = k % NBUF

    def group(g, carry, k=k, buf=buf):
      rvec = g * LANES + lane

      def col(d, acc):
        cvec = (jnp.full((LANES,), d, jnp.int32) + lane) & (EMBED - 1)
        pv = plsc.load_gather(p_rows.at[buf], [rvec, cvec])
        qv = plsc.load_gather(q_rows.at[buf], [rvec, cvec])
        return acc + pv * qv

      acc = lax.fori_loop(0, EMBED, col, jnp.zeros((LANES,), jnp.float32),
                          unroll=8)
      out_v[pl.ds(k * CHUNK + g * LANES, LANES)] = acc
      return carry

    lax.fori_loop(0, CHUNK // LANES, group, None)

    if k + NBUF < N_CHUNKS:
      inflight[k + NBUF] = start_gather(k + NBUF)

    out_copies.append(pltpu.async_copy(
        out_v.at[pl.ds(k * CHUNK, CHUNK)],
        y_hbm.at[pl.ds(base + k * CHUNK, CHUNK)], sem_out))

  for c in out_copies:
    c.wait()


@jax.jit
def kernel(user_ids, item_ids, P, Q):
  user_ids = user_ids.astype(jnp.int32)
  item_ids = item_ids.astype(jnp.int32)
  mesh = plsc.VectorSubcoreMesh(core_axis_name="c", subcore_axis_name="s")
  run = pl.kernel(
      _body,
      out_type=jax.ShapeDtypeStruct((BATCH,), jnp.float32),
      mesh=mesh,
      scratch_types=[
          pltpu.VMEM((B_PER_W,), jnp.int32),
          pltpu.VMEM((B_PER_W,), jnp.int32),
          pltpu.VMEM((NBUF, CHUNK, EMBED), jnp.float32),
          pltpu.VMEM((NBUF, CHUNK, EMBED), jnp.float32),
          pltpu.VMEM((B_PER_W,), jnp.float32),
          pltpu.SemaphoreType.DMA,
          pltpu.SemaphoreType.DMA((NBUF,)),
          pltpu.SemaphoreType.DMA((NBUF,)),
          pltpu.SemaphoreType.DMA,
      ],
      compiler_params=pltpu.CompilerParams(
          needs_layout_passes=False,
          skip_device_barrier=True,
          disable_bounds_checks=True,
      ),
  )
  return run(user_ids, item_ids, P, Q)

# --- scband reference (transcript-rebuilt; emitter-appended) ---
"""Pipeline reference for scband-funk-svdrecommender-16140487099101 (READ-ONLY COPY).

The authoritative reference and input builder live on the scoring server;
editing this copy changes nothing except your own understanding.
"""

import jax, jax.numpy as jnp
import numpy as np

M_USERS = 100000
N_ITEMS = 100000
EMBED = 128
BATCH = 16384

def setup_inputs(seed: int = 0) -> dict:
    key = jax.random.key(seed)
    k1, k2, k3, k4 = jax.random.split(key, 4)
    user_ids = jax.random.randint(k1, (BATCH,), 0, M_USERS, dtype=jnp.int64 if jax.config.jax_enable_x64 else jnp.int32)
    item_ids = jax.random.randint(k2, (BATCH,), 0, N_ITEMS, dtype=jnp.int64 if jax.config.jax_enable_x64 else jnp.int32)
    # Keras RandomNormal initializer default: mean=0.0, stddev=0.05
    P = jax.random.normal(k3, (M_USERS, EMBED), dtype=jnp.float32) * 0.05
    Q = jax.random.normal(k4, (N_ITEMS, EMBED), dtype=jnp.float32) * 0.05
    return {"user_ids": user_ids, "item_ids": item_ids, "P": P, "Q": Q}

def reference(user_ids, item_ids, P, Q):
    # y_pred = sum(gather(P, user_ids) * gather(Q, item_ids), axis=1)
    p = jnp.take(P, user_ids, axis=0)
    q = jnp.take(Q, item_ids, axis=0)
    y_pred = jnp.sum(p * q, axis=1)
    return y_pred

if __name__ == "__main__":
    import jax
    _d = setup_inputs()
    print(jax.jit(kernel)(*tuple(_d.values())))

</pallas_src>

<mosaic_0001>
#map = affine_map<(d0, d1) -> (0)>
#map1 = affine_map<(d0, d1) -> (0, 0)>
module attributes {stable_mosaic.version = 14 : i64} {
  func.func @_body(%arg0: i32, %arg1: i32, %arg2: memref<16384xi32, #tpu.memory_space<hbm>>, %arg3: memref<16384xi32, #tpu.memory_space<hbm>>, %arg4: memref<100000x128xf32, #tpu.memory_space<hbm>>, %arg5: memref<100000x128xf32, #tpu.memory_space<hbm>>, %arg6: memref<16384xf32, #tpu.memory_space<hbm>>, %arg7: memref<512xi32, #tpu.memory_space<vmem>>, %arg8: memref<512xi32, #tpu.memory_space<vmem>>, %arg9: memref<4x64x128xf32, #tpu.memory_space<vmem>>, %arg10: memref<4x64x128xf32, #tpu.memory_space<vmem>>, %arg11: memref<512xf32, #tpu.memory_space<vmem>>, %arg12: memref<!tpu.dma_semaphore, #tpu.memory_space<semaphore_mem>>, %arg13: memref<4x!tpu.dma_semaphore, #tpu.memory_space<semaphore_mem>>, %arg14: memref<4x!tpu.dma_semaphore, #tpu.memory_space<semaphore_mem>>, %arg15: memref<!tpu.dma_semaphore, #tpu.memory_space<semaphore_mem>>) attributes {dimension_semantics = [#tpu.dimension_semantics<core_parallel>, #tpu.dimension_semantics<subcore_parallel>], iteration_bounds = array<i64: 2, 16>, scalar_prefetch = 0 : i64, scratch_operands = 9 : i64, tpu.core_type = #tpu.core_type<sc_vector_subcore>, window_params = [{transform_indices = #map}, {transform_indices = #map}, {transform_indices = #map1}, {transform_indices = #map1}, {transform_indices = #map}]} {
    %mul3A = arith.constant 2 : i32
    %mul3A_0 = arith.muli %arg1, %mul3A : i32
    %add3A = arith.addi %mul3A_0, %arg0 : i32
    %mul3A_1 = arith.constant 512 : i32
    %mul3A_2 = arith.muli %add3A, %mul3A_1 : i32
    %dma_start3A = arith.constant 0 : i32
    %dma_start3A_3 = tpu.memref_slice %arg7[%dma_start3A] : memref<512xi32, #tpu.memory_space<vmem>> -> memref<64xi32, #tpu.memory_space<vmem>>
    %dma_start3A_4 = tpu.memref_slice %arg2[%mul3A_2] : memref<16384xi32, #tpu.memory_space<hbm>> -> memref<64xi32, #tpu.memory_space<hbm>>
    %dma_start3A_5 = arith.constant 0 : i32
    %dma_start3A_6 = tpu.memref_slice %arg7[%dma_start3A_5] : memref<512xi32, #tpu.memory_space<vmem>> -> memref<64xi32, #tpu.memory_space<vmem>>
    %dma_start3A_7 = tpu.memref_slice %arg2[%mul3A_2] : memref<16384xi32, #tpu.memory_space<hbm>> -> memref<64xi32, #tpu.memory_space<hbm>>
    tpu.enqueue_dma source(%dma_start3A_7 : memref<64xi32, #tpu.memory_space<hbm>>) target(%dma_start3A_6 : memref<64xi32, #tpu.memory_space<vmem>>) target_semaphore(%arg12 : memref<!tpu.dma_semaphore, #tpu.memory_space<semaphore_mem>>)
    %dma_start3A_8 = arith.constant 0 : i32
    %dma_start3A_9 = tpu.memref_slice %arg8[%dma_start3A_8] : memref<512xi32, #tpu.memory_space<vmem>> -> memref<64xi32, #tpu.memory_space<vmem>>
    %dma_start3A_10 = tpu.memref_slice %arg3[%mul3A_2] : memref<16384xi32, #tpu.memory_space<hbm>> -> memref<64xi32, #tpu.memory_space<hbm>>
    %dma_start3A_11 = arith.constant 0 : i32
    %dma_start3A_12 = tpu.memref_slice %arg8[%dma_start3A_11] : memref<512xi32, #tpu.memory_space<vmem>> -> memref<64xi32, #tpu.memory_space<vmem>>
    %dma_start3A_13 = tpu.memref_slice %arg3[%mul3A_2] : memref<16384xi32, #tpu.memory_space<hbm>> -> memref<64xi32, #tpu.memory_space<hbm>>
    tpu.enqueue_dma source(%dma_start3A_13 : memref<64xi32, #tpu.memory_space<hbm>>) target(%dma_start3A_12 : memref<64xi32, #tpu.memory_space<vmem>>) target_semaphore(%arg12 : memref<!tpu.dma_semaphore, #tpu.memory_space<semaphore_mem>>)
    %add3A_14 = arith.constant 64 : i32
    %add3A_15 = arith.addi %mul3A_2, %add3A_14 : i32
    %dma_start3A_16 = arith.constant 64 : i32
    %dma_start3A_17 = tpu.memref_slice %arg7[%dma_start3A_16] : memref<512xi32, #tpu.memory_space<vmem>> -> memref<448xi32, #tpu.memory_space<vmem>>
    %dma_start3A_18 = tpu.memref_slice %arg2[%add3A_15] : memref<16384xi32, #tpu.memory_space<hbm>> -> memref<448xi32, #tpu.memory_space<hbm>>
    %dma_start3A_19 = arith.constant 64 : i32
    %dma_start3A_20 = tpu.memref_slice %arg7[%dma_start3A_19] : memref<512xi32, #tpu.memory_space<vmem>> -> memref<448xi32, #tpu.memory_space<vmem>>
    %dma_start3A_21 = tpu.memref_slice %arg2[%add3A_15] : memref<16384xi32, #tpu.memory_space<hbm>> -> memref<448xi32, #tpu.memory_space<hbm>>
    tpu.enqueue_dma source(%dma_start3A_21 : memref<448xi32, #tpu.memory_space<hbm>>) target(%dma_start3A_20 : memref<448xi32, #tpu.memory_space<vmem>>) target_semaphore(%arg12 : memref<!tpu.dma_semaphore, #tpu.memory_space<semaphore_mem>>)
    %add3A_22 = arith.constant 64 : i32
    %add3A_23 = arith.addi %mul3A_2, %add3A_22 : i32
    %dma_start3A_24 = arith.constant 64 : i32
    %dma_start3A_25 = tpu.memref_slice %arg8[%dma_start3A_24] : memref<512xi32, #tpu.memory_space<vmem>> -> memref<448xi32, #tpu.memory_space<vmem>>
    %dma_start3A_26 = tpu.memref_slice %arg3[%add3A_23] : memref<16384xi32, #tpu.memory_space<hbm>> -> memref<448xi32, #tpu.memory_space<hbm>>
    %dma_start3A_27 = arith.constant 64 : i32
    %dma_start3A_28 = tpu.memref_slice %arg8[%dma_start3A_27] : memref<512xi32, #tpu.memory_space<vmem>> -> memref<448xi32, #tpu.memory_space<vmem>>
    %dma_start3A_29 = tpu.memref_slice %arg3[%add3A_23] : memref<16384xi32, #tpu.memory_space<hbm>> -> memref<448xi32, #tpu.memory_space<hbm>>
    tpu.enqueue_dma source(%dma_start3A_29 : memref<448xi32, #tpu.memory_space<hbm>>) target(%dma_start3A_28 : memref<448xi32, #tpu.memory_space<vmem>>) target_semaphore(%arg12 : memref<!tpu.dma_semaphore, #tpu.memory_space<semaphore_mem>>)
    %dma_wait3A = arith.constant 0 : i32
    %dma_wait3A_30 = tpu.memref_slice %arg7[%dma_wait3A] : memref<512xi32, #tpu.memory_space<vmem>> -> memref<64xi32, #tpu.memory_space<vmem>>
    %dma_wait3A_31 = tpu.memref_slice %arg2[%mul3A_2] : memref<16384xi32, #tpu.memory_space<hbm>> -> memref<64xi32, #tpu.memory_space<hbm>>
    %dma_wait3A_32 = arith.constant 0 : i32
    %dma_wait3A_33 = tpu.memref_slice %arg7[%dma_wait3A_32] : memref<512xi32, #tpu.memory_space<vmem>> -> memref<64xi32, #tpu.memory_space<vmem>>
    %dma_wait3A_34 = tpu.memref_slice %arg2[%mul3A_2] : memref<16384xi32, #tpu.memory_space<hbm>> -> memref<64xi32, #tpu.memory_space<hbm>>
    tpu.wait_dma2 semaphore(%arg12 : memref<!tpu.dma_semaphore, #tpu.memory_space<semaphore_mem>>) src(%dma_wait3A_34 : memref<64xi32, #tpu.memory_space<hbm>>) dst(%dma_wait3A_33 : memref<64xi32, #tpu.memory_space<vmem>>)
    %dma_wait3A_35 = arith.constant 0 : i32
    %dma_wait3A_36 = tpu.memref_slice %arg8[%dma_wait3A_35] : memref<512xi32, #tpu.memory_space<vmem>> -> memref<64xi32, #tpu.memory_space<vmem>>
    %dma_wait3A_37 = tpu.memref_slice %arg3[%mul3A_2] : memref<16384xi32, #tpu.memory_space<hbm>> -> memref<64xi32, #tpu.memory_space<hbm>>
    %dma_wait3A_38 = arith.constant 0 : i32
    %dma_wait3A_39 = tpu.memref_slice %arg8[%dma_wait3A_38] : memref<512xi32, #tpu.memory_space<vmem>> -> memref<64xi32, #tpu.memory_space<vmem>>
    %dma_wait3A_40 = tpu.memref_slice %arg3[%mul3A_2] : memref<16384xi32, #tpu.memory_space<hbm>> -> memref<64xi32, #tpu.memory_space<hbm>>
    tpu.wait_dma2 semaphore(%arg12 : memref<!tpu.dma_semaphore, #tpu.memory_space<semaphore_mem>>) src(%dma_wait3A_40 : memref<64xi32, #tpu.memory_space<hbm>>) dst(%dma_wait3A_39 : memref<64xi32, #tpu.memory_space<vmem>>)
    %dma_start3A_41 = arith.constant 0 : i32
    %dma_start3A_42 = arith.constant 0 : i32
    %dma_start3A_43 = arith.constant 0 : i32
    %dma_start3A_44 = arith.constant 0 : i32
    %dma_start3A_45 = tpu.memref_slice %arg9[%dma_start3A_41, %dma_start3A_43, %dma_start3A_44] : memref<4x64x128xf32, #tpu.memory_space<vmem>> -> memref<1x64x128xf32, #tpu.memory_space<vmem>>
    %dma_start3A_46 = tpu.memref_squeeze %dma_start3A_45 : memref<1x64x128xf32, #tpu.memory_space<vmem>> -> memref<64x128xf32, #tpu.memory_space<vmem>>
    %dma_start3A_47 = arith.constant 0 : i32
    %dma_start3A_48 = tpu.memref_slice %arg7[%dma_start3A_47] : memref<512xi32, #tpu.memory_space<vmem>> -> memref<64xi32, #tpu.memory_space<vmem>>
    %dma_start3A_49 = arith.constant 0 : i32
    %dma_start3A_50 = arith.constant 0 : i32
    %dma_start3A_51 = tpu.memref_slice %arg4[%dma_start3A_49, %dma_start3A_50] : memref<100000x128xf32, #tpu.memory_space<hbm>> -> memref<100000x128xf32, #tpu.memory_space<hbm>>
    %dma_start3A_52 = tpu.memref_slice %arg13[%dma_start3A_42] : memref<4x!tpu.dma_semaphore, #tpu.memory_space<semaphore_mem>> -> memref<1x!tpu.dma_semaphore, #tpu.memory_space<semaphore_mem>>
    %dma_start3A_53 = tpu.memref_squeeze %dma_start3A_52 : memref<1x!tpu.dma_semaphore, #tpu.memory_space<semaphore_mem>> -> memref<!tpu.dma_semaphore, #tpu.memory_space<semaphore_mem>>
    tpu.enqueue_indirect_dma source(%dma_start3A_51 : memref<100000x128xf32, #tpu.memory_space<hbm>>) target(%dma_start3A_46 : memref<64x128xf32, #tpu.memory_space<vmem>>) offsets(%dma_start3A_48 : memref<64xi32, #tpu.memory_space<vmem>>) semaphore(%dma_start3A_53 : memref<!tpu.dma_semaphore, #tpu.memory_space<semaphore_mem>>)
    %dma_start3A_54 = arith.constant 0 : i32
    %dma_start3A_55 = arith.constant 0 : i32
    %dma_start3A_56 = arith.constant 0 : i32
    %dma_start3A_57 = arith.constant 0 : i32
    %dma_start3A_58 = tpu.memref_slice %arg10[%dma_start3A_54, %dma_start3A_56, %dma_start3A_57] : memref<4x64x128xf32, #tpu.memory_space<vmem>> -> memref<1x64x128xf32, #tpu.memory_space<vmem>>
    %dma_start3A_59 = tpu.memref_squeeze %dma_start3A_58 : memref<1x64x128xf32, #tpu.memory_space<vmem>> -> memref<64x128xf32, #tpu.memory_space<vmem>>
    %dma_start3A_60 = arith.constant 0 : i32
    %dma_start3A_61 = tpu.memref_slice %arg8[%dma_start3A_60] : memref<512xi32, #tpu.memory_space<vmem>> -> memref<64xi32, #tpu.memory_space<vmem>>
    %dma_start3A_62 = arith.constant 0 : i32
    %dma_start3A_63 = arith.constant 0 : i32
    %dma_start3A_64 = tpu.memref_slice %arg5[%dma_start3A_62, %dma_start3A_63] : memref<100000x128xf32, #tpu.memory_space<hbm>> -> memref<100000x128xf32, #tpu.memory_space<hbm>>
    %dma_start3A_65 = tpu.memref_slice %arg14[%dma_start3A_55] : memref<4x!tpu.dma_semaphore, #tpu.memory_space<semaphore_mem>> -> memref<1x!tpu.dma_semaphore, #tpu.memory_space<semaphore_mem>>
    %dma_start3A_66 = tpu.memref_squeeze %dma_start3A_65 : memref<1x!tpu.dma_semaphore, #tpu.memory_space<semaphore_mem>> -> memref<!tpu.dma_semaphore, #tpu.memory_space<semaphore_mem>>
    tpu.enqueue_indirect_dma source(%dma_start3A_64 : memref<100000x128xf32, #tpu.memory_space<hbm>>) target(%dma_start3A_59 : memref<64x128xf32, #tpu.memory_space<vmem>>) offsets(%dma_start3A_61 : memref<64xi32, #tpu.memory_space<vmem>>) semaphore(%dma_start3A_66 : memref<!tpu.dma_semaphore, #tpu.memory_space<semaphore_mem>>)
    %dma_wait3A_67 = arith.constant 64 : i32
    %dma_wait3A_68 = tpu.memref_slice %arg7[%dma_wait3A_67] : memref<512xi32, #tpu.memory_space<vmem>> -> memref<448xi32, #tpu.memory_space<vmem>>
    %dma_wait3A_69 = tpu.memref_slice %arg2[%add3A_15] : memref<16384xi32, #tpu.memory_space<hbm>> -> memref<448xi32, #tpu.memory_space<hbm>>
    %dma_wait3A_70 = arith.constant 64 : i32
    %dma_wait3A_71 = tpu.memref_slice %arg7[%dma_wait3A_70] : memref<512xi32, #tpu.memory_space<vmem>> -> memref<448xi32, #tpu.memory_space<vmem>>
    %dma_wait3A_72 = tpu.memref_slice %arg2[%add3A_15] : memref<16384xi32, #tpu.memory_space<hbm>> -> memref<448xi32, #tpu.memory_space<hbm>>
    tpu.wait_dma2 semaphore(%arg12 : memref<!tpu.dma_semaphore, #tpu.memory_space<semaphore_mem>>) src(%dma_wait3A_72 : memref<448xi32, #tpu.memory_space<hbm>>) dst(%dma_wait3A_71 : memref<448xi32, #tpu.memory_space<vmem>>)
    %dma_wait3A_73 = arith.constant 64 : i32
    %dma_wait3A_74 = tpu.memref_slice %arg8[%dma_wait3A_73] : memref<512xi32, #tpu.memory_space<vmem>> -> memref<448xi32, #tpu.memory_space<vmem>>
    %dma_wait3A_75 = tpu.memref_slice %arg3[%add3A_23] : memref<16384xi32, #tpu.memory_space<hbm>> -> memref<448xi32, #tpu.memory_space<hbm>>
    %dma_wait3A_76 = arith.constant 64 : i32
    %dma_wait3A_77 = tpu.memref_slice %arg8[%dma_wait3A_76] : memref<512xi32, #tpu.memory_space<vmem>> -> memref<448xi32, #tpu.memory_space<vmem>>
    %dma_wait3A_78 = tpu.memref_slice %arg3[%add3A_23] : memref<16384xi32, #tpu.memory_space<hbm>> -> memref<448xi32, #tpu.memory_space<hbm>>
    tpu.wait_dma2 semaphore(%arg12 : memref<!tpu.dma_semaphore, #tpu.memory_space<semaphore_mem>>) src(%dma_wait3A_78 : memref<448xi32, #tpu.memory_space<hbm>>) dst(%dma_wait3A_77 : memref<448xi32, #tpu.memory_space<vmem>>)
    %dma_start3A_79 = arith.constant 1 : i32
    %dma_start3A_80 = arith.constant 1 : i32
    %dma_start3A_81 = arith.constant 0 : i32
    %dma_start3A_82 = arith.constant 0 : i32
    %dma_start3A_83 = tpu.memref_slice %arg9[%dma_start3A_79, %dma_start3A_81, %dma_start3A_82] : memref<4x64x128xf32, #tpu.memory_space<vmem>> -> memref<1x64x128xf32, #tpu.memory_space<vmem>>
    %dma_start3A_84 = tpu.memref_squeeze %dma_start3A_83 : memref<1x64x128xf32, #tpu.memory_space<vmem>> -> memref<64x128xf32, #tpu.memory_space<vmem>>
    %dma_start3A_85 = arith.constant 64 : i32
    %dma_start3A_86 = tpu.memref_slice %arg7[%dma_start3A_85] : memref<512xi32, #tpu.memory_space<vmem>> -> memref<64xi32, #tpu.memory_space<vmem>>
    %dma_start3A_87 = arith.constant 0 : i32
    %dma_start3A_88 = arith.constant 0 : i32
    %dma_start3A_89 = tpu.memref_slice %arg4[%dma_start3A_87, %dma_start3A_88] : memref<100000x128xf32, #tpu.memory_space<hbm>> -> memref<100000x128xf32, #tpu.memory_space<hbm>>
    %dma_start3A_90 = tpu.memref_slice %arg13[%dma_start3A_80] : memref<4x!tpu.dma_semaphore, #tpu.memory_space<semaphore_mem>> -> memref<1x!tpu.dma_semaphore, #tpu.memory_space<semaphore_mem>>
    %dma_start3A_91 = tpu.memref_squeeze %dma_start3A_90 : memref<1x!tpu.dma_semaphore, #tpu.memory_space<semaphore_mem>> -> memref<!tpu.dma_semaphore, #tpu.memory_space<semaphore_mem>>
    tpu.enqueue_indirect_dma source(%dma_start3A_89 : memref<100000x128xf32, #tpu.memory_space<hbm>>) target(%dma_start3A_84 : memref<64x128xf32, #tpu.memory_space<vmem>>) offsets(%dma_start3A_86 : memref<64xi32, #tpu.memory_space<vmem>>) semaphore(%dma_start3A_91 : memref<!tpu.dma_semaphore, #tpu.memory_space<semaphore_mem>>)
    %dma_start3A_92 = arith.constant 1 : i32
    %dma_start3A_93 = arith.constant 1 : i32
    %dma_start3A_94 = arith.constant 0 : i32
    %dma_start3A_95 = arith.constant 0 : i32
    %dma_start3A_96 = tpu.memref_slice %arg10[%dma_start3A_92, %dma_start3A_94, %dma_start3A_95] : memref<4x64x128xf32, #tpu.memory_space<vmem>> -> memref<1x64x128xf32, #tpu.memory_space<vmem>>
    %dma_start3A_97 = tpu.memref_squeeze %dma_start3A_96 : memref<1x64x128xf32, #tpu.memory_space<vmem>> -> memref<64x128xf32, #tpu.memory_space<vmem>>
    %dma_start3A_98 = arith.constant 64 : i32
    %dma_start3A_99 = tpu.memref_slice %arg8[%dma_start3A_98] : memref<512xi32, #tpu.memory_space<vmem>> -> memref<64xi32, #tpu.memory_space<vmem>>
    %dma_start3A_100 = arith.constant 0 : i32
    %dma_start3A_101 = arith.constant 0 : i32
    %dma_start3A_102 = tpu.memref_slice %arg5[%dma_start3A_100, %dma_start3A_101] : memref<100000x128xf32, #tpu.memory_space<hbm>> -> memref<100000x128xf32, #tpu.memory_space<hbm>>
    %dma_start3A_103 = tpu.memref_slice %arg14[%dma_start3A_93] : memref<4x!tpu.dma_semaphore, #tpu.memory_space<semaphore_mem>> -> memref<1x!tpu.dma_semaphore, #tpu.memory_space<semaphore_mem>>
    %dma_start3A_104 = tpu.memref_squeeze %dma_start3A_103 : memref<1x!tpu.dma_semaphore, #tpu.memory_space<semaphore_mem>> -> memref<!tpu.dma_semaphore, #tpu.memory_space<semaphore_mem>>
    tpu.enqueue_indirect_dma source(%dma_start3A_102 : memref<100000x128xf32, #tpu.memory_space<hbm>>) target(%dma_start3A_97 : memref<64x128xf32, #tpu.memory_space<vmem>>) offsets(%dma_start3A_99 : memref<64xi32, #tpu.memory_space<vmem>>) semaphore(%dma_start3A_104 : memref<!tpu.dma_semaphore, #tpu.memory_space<semaphore_mem>>)
    %dma_start3A_105 = arith.constant 2 : i32
    %dma_start3A_106 = arith.constant 2 : i32
    %dma_start3A_107 = arith.constant 0 : i32
    %dma_start3A_108 = arith.constant 0 : i32
    %dma_start3A_109 = tpu.memref_slice %arg9[%dma_start3A_105, %dma_start3A_107, %dma_start3A_108] : memref<4x64x128xf32, #tpu.memory_space<vmem>> -> memref<1x64x128xf32, #tpu.memory_space<vmem>>
    %dma_start3A_110 = tpu.memref_squeeze %dma_start3A_109 : memref<1x64x128xf32, #tpu.memory_space<vmem>> -> memref<64x128xf32, #tpu.memory_space<vmem>>
    %dma_start3A_111 = arith.constant 128 : i32
    %dma_start3A_112 = tpu.memref_slice %arg7[%dma_start3A_111] : memref<512xi32, #tpu.memory_space<vmem>> -> memref<64xi32, #tpu.memory_space<vmem>>
    %dma_start3A_113 = arith.constant 0 : i32
    %dma_start3A_114 = arith.constant 0 : i32
    %dma_start3A_115 = tpu.memref_slice %arg4[%dma_start3A_113, %dma_start3A_114] : memref<100000x128xf32, #tpu.memory_space<hbm>> -> memref<100000x128xf32, #tpu.memory_space<hbm>>
    %dma_start3A_116 = tpu.memref_slice %arg13[%dma_start3A_106] : memref<4x!tpu.dma_semaphore, #tpu.memory_space<semaphore_mem>> -> memref<1x!tpu.dma_semaphore, #tpu.memory_space<semaphore_mem>>
    %dma_start3A_117 = tpu.memref_squeeze %dma_start3A_116 : memref<1x!tpu.dma_semaphore, #tpu.memory_space<semaphore_mem>> -> memref<!tpu.dma_semaphore, #tpu.memory_space<semaphore_mem>>
    tpu.enqueue_indirect_dma source(%dma_start3A_115 : memref<100000x128xf32, #tpu.memory_space<hbm>>) target(%dma_start3A_110 : memref<64x128xf32, #tpu.memory_space<vmem>>) offsets(%dma_start3A_112 : memref<64xi32, #tpu.memory_space<vmem>>) semaphore(%dma_start3A_117 : memref<!tpu.dma_semaphore, #tpu.memory_space<semaphore_mem>>)
    %dma_start3A_118 = arith.constant 2 : i32
    %dma_start3A_119 = arith.constant 2 : i32
    %dma_start3A_120 = arith.constant 0 : i32
    %dma_start3A_121 = arith.constant 0 : i32
    %dma_start3A_122 = tpu.memref_slice %arg10[%dma_start3A_118, %dma_start3A_120, %dma_start3A_121] : memref<4x64x128xf32, #tpu.memory_space<vmem>> -> memref<1x64x128xf32, #tpu.memory_space<vmem>>
    %dma_start3A_123 = tpu.memref_squeeze %dma_start3A_122 : memref<1x64x128xf32, #tpu.memory_space<vmem>> -> memref<64x128xf32, #tpu.memory_space<vmem>>
    %dma_start3A_124 = arith.constant 128 : i32
    %dma_start3A_125 = tpu.memref_slice %arg8[%dma_start3A_124] : memref<512xi32, #tpu.memory_space<vmem>> -> memref<64xi32, #tpu.memory_space<vmem>>
    %dma_start3A_126 = arith.constant 0 : i32
    %dma_start3A_127 = arith.constant 0 : i32
    %dma_start3A_128 = tpu.memref_slice %arg5[%dma_start3A_126, %dma_start3A_127] : memref<100000x128xf32, #tpu.memory_space<hbm>> -> memref<100000x128xf32, #tpu.memory_space<hbm>>
    %dma_start3A_129 = tpu.memref_slice %arg14[%dma_start3A_119] : memref<4x!tpu.dma_semaphore, #tpu.memory_space<semaphore_mem>> -> memref<1x!tpu.dma_semaphore, #tpu.memory_space<semaphore_mem>>
    %dma_start3A_130 = tpu.memref_squeeze %dma_start3A_129 : memref<1x!tpu.dma_semaphore, #tpu.memory_space<semaphore_mem>> -> memref<!tpu.dma_semaphore, #tpu.memory_space<semaphore_mem>>
    tpu.enqueue_indirect_dma source(%dma_start3A_128 : memref<100000x128xf32, #tpu.memory_space<hbm>>) target(%dma_start3A_123 : memref<64x128xf32, #tpu.memory_space<vmem>>) offsets(%dma_start3A_125 : memref<64xi32, #tpu.memory_space<vmem>>) semaphore(%dma_start3A_130 : memref<!tpu.dma_semaphore, #tpu.memory_space<semaphore_mem>>)
    %dma_start3A_131 = arith.constant 3 : i32
    %dma_start3A_132 = arith.constant 3 : i32
    %dma_start3A_133 = arith.constant 0 : i32
    %dma_start3A_134 = arith.constant 0 : i32
    %dma_start3A_135 = tpu.memref_slice %arg9[%dma_start3A_131, %dma_start3A_133, %dma_start3A_134] : memref<4x64x128xf32, #tpu.memory_space<vmem>> -> memref<1x64x128xf32, #tpu.memory_space<vmem>>
    %dma_start3A_136 = tpu.memref_squeeze %dma_start3A_135 : memref<1x64x128xf32, #tpu.memory_space<vmem>> -> memref<64x128xf32, #tpu.memory_space<vmem>>
    %dma_start3A_137 = arith.constant 192 : i32
    %dma_start3A_138 = tpu.memref_slice %arg7[%dma_start3A_137] : memref<512xi32, #tpu.memory_space<vmem>> -> memref<64xi32, #tpu.memory_space<vmem>>
    %dma_start3A_139 = arith.constant 0 : i32
    %dma_start3A_140 = arith.constant 0 : i32
    %dma_start3A_141 = tpu.memref_slice %arg4[%dma_start3A_139, %dma_start3A_140] : memref<100000x128xf32, #tpu.memory_space<hbm>> -> memref<100000x128xf32, #tpu.memory_space<hbm>>
    %dma_start3A_142 = tpu.memref_slice %arg13[%dma_start3A_132] : memref<4x!tpu.dma_semaphore, #tpu.memory_space<semaphore_mem>> -> memref<1x!tpu.dma_semaphore, #tpu.memory_space<semaphore_mem>>
    %dma_start3A_143 = tpu.memref_squeeze %dma_start3A_142 : memref<1x!tpu.dma_semaphore, #tpu.memory_space<semaphore_mem>> -> memref<!tpu.dma_semaphore, #tpu.memory_space<semaphore_mem>>
    tpu.enqueue_indirect_dma source(%dma_start3A_141 : memref<100000x128xf32, #tpu.memory_space<hbm>>) target(%dma_start3A_136 : memref<64x128xf32, #tpu.memory_space<vmem>>) offsets(%dma_start3A_138 : memref<64xi32, #tpu.memory_space<vmem>>) semaphore(%dma_start3A_143 : memref<!tpu.dma_semaphore, #tpu.memory_space<semaphore_mem>>)
    %dma_start3A_144 = arith.constant 3 : i32
    %dma_start3A_145 = arith.constant 3 : i32
    %dma_start3A_146 = arith.constant 0 : i32
    %dma_start3A_147 = arith.constant 0 : i32
    %dma_start3A_148 = tpu.memref_slice %arg10[%dma_start3A_144, %dma_start3A_146, %dma_start3A_147] : memref<4x64x128xf32, #tpu.memory_space<vmem>> -> memref<1x64x128xf32, #tpu.memory_space<vmem>>
    %dma_start3A_149 = tpu.memref_squeeze %dma_start3A_148 : memref<1x64x128xf32, #tpu.memory_space<vmem>> -> memref<64x128xf32, #tpu.memory_space<vmem>>
    %dma_start3A_150 = arith.constant 192 : i32
    %dma_start3A_151 = tpu.memref_slice %arg8[%dma_start3A_150] : memref<512xi32, #tpu.memory_space<vmem>> -> memref<64xi32, #tpu.memory_space<vmem>>
    %dma_start3A_152 = arith.constant 0 : i32
    %dma_start3A_153 = arith.constant 0 : i32
    %dma_start3A_154 = tpu.memref_slice %arg5[%dma_start3A_152, %dma_start3A_153] : memref<100000x128xf32, #tpu.memory_space<hbm>> -> memref<100000x128xf32, #tpu.memory_space<hbm>>
    %dma_start3A_155 = tpu.memref_slice %arg14[%dma_start3A_145] : memref<4x!tpu.dma_semaphore, #tpu.memory_space<semaphore_mem>> -> memref<1x!tpu.dma_semaphore, #tpu.memory_space<semaphore_mem>>
    %dma_start3A_156 = tpu.memref_squeeze %dma_start3A_155 : memref<1x!tpu.dma_semaphore, #tpu.memory_space<semaphore_mem>> -> memref<!tpu.dma_semaphore, #tpu.memory_space<semaphore_mem>>
    tpu.enqueue_indirect_dma source(%dma_start3A_154 : memref<100000x128xf32, #tpu.memory_space<hbm>>) target(%dma_start3A_149 : memref<64x128xf32, #tpu.memory_space<vmem>>) offsets(%dma_start3A_151 : memref<64xi32, #tpu.memory_space<vmem>>) semaphore(%dma_start3A_156 : memref<!tpu.dma_semaphore, #tpu.memory_space<semaphore_mem>>)
    %iota3A = tpu.iota {dimensions = array<i32: 0>} : vector<16xi32>
    %dma_wait3A_157 = arith.constant 0 : i32
    %dma_wait3A_158 = arith.constant 0 : i32
    %dma_wait3A_159 = arith.constant 0 : i32
    %dma_wait3A_160 = arith.constant 0 : i32
    %dma_wait3A_161 = tpu.memref_slice %arg9[%dma_wait3A_157, %dma_wait3A_159, %dma_wait3A_160] : memref<4x64x128xf32, #tpu.memory_space<vmem>> -> memref<1x64x128xf32, #tpu.memory_space<vmem>>
    %dma_wait3A_162 = tpu.memref_squeeze %dma_wait3A_161 : memref<1x64x128xf32, #tpu.memory_space<vmem>> -> memref<64x128xf32, #tpu.memory_space<vmem>>
    %dma_wait3A_163 = arith.constant 0 : i32
    %dma_wait3A_164 = tpu.memref_slice %arg7[%dma_wait3A_163] : memref<512xi32, #tpu.memory_space<vmem>> -> memref<64xi32, #tpu.memory_space<vmem>>
    %dma_wait3A_165 = arith.constant 0 : i32
    %dma_wait3A_166 = arith.constant 0 : i32
    %dma_wait3A_167 = tpu.memref_slice %arg4[%dma_wait3A_165, %dma_wait3A_166] : memref<100000x128xf32, #tpu.memory_space<hbm>> -> memref<100000x128xf32, #tpu.memory_space<hbm>>
    %dma_wait3A_168 = tpu.memref_slice %arg13[%dma_wait3A_158] : memref<4x!tpu.dma_semaphore, #tpu.memory_space<semaphore_mem>> -> memref<1x!tpu.dma_semaphore, #tpu.memory_space<semaphore_mem>>
    %dma_wait3A_169 = tpu.memref_squeeze %dma_wait3A_168 : memref<1x!tpu.dma_semaphore, #tpu.memory_space<semaphore_mem>> -> memref<!tpu.dma_semaphore, #tpu.memory_space<semaphore_mem>>
    tpu.wait_indirect_dma semaphore(%dma_wait3A_169 : memref<!tpu.dma_semaphore, #tpu.memory_space<semaphore_mem>>) src(%dma_wait3A_167 : memref<100000x128xf32, #tpu.memory_space<hbm>>) dst(%dma_wait3A_162 : memref<64x128xf32, #tpu.memory_space<vmem>>)
    %dma_wait3A_170 = arith.constant 0 : i32
    %dma_wait3A_171 = arith.constant 0 : i32
    %dma_wait3A_172 = arith.constant 0 : i32
    %dma_wait3A_173 = arith.constant 0 : i32
    %dma_wait3A_174 = tpu.memref_slice %arg10[%dma_wait3A_170, %dma_wait3A_172, %dma_wait3A_173] : memref<4x64x128xf32, #tpu.memory_space<vmem>> -> memref<1x64x128xf32, #tpu.memory_space<vmem>>
    %dma_wait3A_175 = tpu.memref_squeeze %dma_wait3A_174 : memref<1x64x128xf32, #tpu.memory_space<vmem>> -> memref<64x128xf32, #tpu.memory_space<vmem>>
    %dma_wait3A_176 = arith.constant 0 : i32
    %dma_wait3A_177 = tpu.memref_slice %arg8[%dma_wait3A_176] : memref<512xi32, #tpu.memory_space<vmem>> -> memref<64xi32, #tpu.memory_space<vmem>>
    %dma_wait3A_178 = arith.constant 0 : i32
    %dma_wait3A_179 = arith.constant 0 : i32
    %dma_wait3A_180 = tpu.memref_slice %arg5[%dma_wait3A_178, %dma_wait3A_179] : memref<100000x128xf32, #tpu.memory_space<hbm>> -> memref<100000x128xf32, #tpu.memory_space<hbm>>
    %dma_wait3A_181 = tpu.memref_slice %arg14[%dma_wait3A_171] : memref<4x!tpu.dma_semaphore, #tpu.memory_space<semaphore_mem>> -> memref<1x!tpu.dma_semaphore, #tpu.memory_space<semaphore_mem>>
    %dma_wait3A_182 = tpu.memref_squeeze %dma_wait3A_181 : memref<1x!tpu.dma_semaphore, #tpu.memory_space<semaphore_mem>> -> memref<!tpu.dma_semaphore, #tpu.memory_space<semaphore_mem>>
    tpu.wait_indirect_dma semaphore(%dma_wait3A_182 : memref<!tpu.dma_semaphore, #tpu.memory_space<semaphore_mem>>) src(%dma_wait3A_180 : memref<100000x128xf32, #tpu.memory_space<hbm>>) dst(%dma_wait3A_175 : memref<64x128xf32, #tpu.memory_space<vmem>>)
    %scan3A = arith.constant 0 : i32
    %scan3A_183 = arith.constant 4 : i32
    %scan3A_184 = arith.addi %scan3A, %scan3A_183 : i32
    %scan3A_185 = arith.constant 1 : i32
    scf.for %scan3A_620 = %scan3A to %scan3A_184 step %scan3A_185  : i32 {
      %mul3A_621 = arith.constant 16 : i32
      %mul3A_622 = arith.muli %scan3A_620, %mul3A_621 : i32
      %add3A_623 = vector.broadcast %mul3A_622 : i32 to vector<16xi32>
      %add3A_624 = arith.addi %add3A_623, %iota3A : vector<16xi32>
      %broadcast_in_dim3A = arith.constant 0.000000e+00 : f32
      %broadcast_in_dim3A_625 = vector.broadcast %broadcast_in_dim3A : f32 to vector<16xf32>
      %scan3A_626 = arith.constant 0 : i32
      %scan3A_627 = arith.constant 128 : i32
      %scan3A_628 = arith.addi %scan3A_626, %scan3A_627 : i32
      %scan3A_629 = arith.constant 8 : i32
      %scan3A_630 = scf.for %scan3A_637 = %scan3A_626 to %scan3A_628 step %scan3A_629 iter_args(%scan3A_638 = %broadcast_in_dim3A_625) -> (vector<16xf32>)  : i32 {
        %broadcast_in_dim3A_639 = vector.broadcast %scan3A_637 : i32 to vector<16xi32>
        %add3A_640 = arith.addi %broadcast_in_dim3A_639, %iota3A : vector<16xi32>
        %and3A = arith.constant 127 : i32
        %and3A_641 = vector.broadcast %and3A : i32 to vector<16xi32>
        %and3A_642 = arith.andi %add3A_640, %and3A_641 : vector<16xi32>
        %gather3A = arith.constant 0 : i32
        %gather3A_643 = arith.constant 0 : i32
        %gather3A_644 = arith.constant 0 : i32
        %gather3A_645 = tpu.memref_slice %arg9[%gather3A, %gather3A_643, %gather3A_644] : memref<4x64x128xf32, #tpu.memory_space<vmem>> -> memref<1x64x128xf32, #tpu.memory_space<vmem>>
        %gather3A_646 = tpu.memref_squeeze %gather3A_645 : memref<1x64x128xf32, #tpu.memory_space<vmem>> -> memref<64x128xf32, #tpu.memory_space<vmem>>
        %gather3A_647 = tpu.vector_load_idx %gather3A_646[%add3A_624, %and3A_642] : memref<64x128xf32, #tpu.memory_space<vmem>>[vector<16xi32>, vector<16xi32>], vector<16xf32>,
        %gather3A_648 = arith.constant 0 : i32
        %gather3A_649 = arith.constant 0 : i32
        %gather3A_650 = arith.constant 0 : i32
        %gather3A_651 = tpu.memref_slice %arg10[%gather3A_648, %gather3A_649, %gather3A_650] : memref<4x64x128xf32, #tpu.memory_space<vmem>> -> memref<1x64x128xf32, #tpu.memory_space<vmem>>
        %gather3A_652 = tpu.memref_squeeze %gather3A_651 : memref<1x64x128xf32, #tpu.memory_space<vmem>> -> memref<64x128xf32, #tpu.memory_space<vmem>>
        %gather3A_653 = tpu.vector_load_idx %gather3A_652[%add3A_624, %and3A_642] : memref<64x128xf32, #tpu.memory_space<vmem>>[vector<16xi32>, vector<16xi32>], vector<16xf32>,
        %mul3A_654 = arith.mulf %gather3A_647, %gather3A_653 : vector<16xf32>
        %add3A_655 = arith.addf %scan3A_638, %mul3A_654 : vector<16xf32>
        %scan3A_656 = arith.constant 1 : i32
        %scan3A_657 = arith.addi %scan3A_637, %scan3A_656 : i32
        %broadcast_in_dim3A_658 = vector.broadcast %scan3A_657 : i32 to vector<16xi32>
        %add3A_659 = arith.addi %broadcast_in_dim3A_658, %iota3A : vector<16xi32>
        %and3A_660 = arith.constant 127 : i32
        %and3A_661 = vector.broadcast %and3A_660 : i32 to vector<16xi32>
        %and3A_662 = arith.andi %add3A_659, %and3A_661 : vector<16xi32>
        %gather3A_663 = arith.constant 0 : i32
        %gather3A_664 = arith.constant 0 : i32
        %gather3A_665 = arith.constant 0 : i32
        %gather3A_666 = tpu.memref_slice %arg9[%gather3A_663, %gather3A_664, %gather3A_665] : memref<4x64x128xf32, #tpu.memory_space<vmem>> -> memref<1x64x128xf32, #tpu.memory_space<vmem>>
        %gather3A_667 = tpu.memref_squeeze %gather3A_666 : memref<1x64x128xf32, #tpu.memory_space<vmem>> -> memref<64x128xf32, #tpu.memory_space<vmem>>
        %gather3A_668 = tpu.vector_load_idx %gather3A_667[%add3A_624, %and3A_662] : memref<64x128xf32, #tpu.memory_space<vmem>>[vector<16xi32>, vector<16xi32>], vector<16xf32>,
        %gather3A_669 = arith.constant 0 : i32
        %gather3A_670 = arith.constant 0 : i32
        %gather3A_671 = arith.constant 0 : i32
        %gather3A_672 = tpu.memref_slice %arg10[%gather3A_669, %gather3A_670, %gather3A_671] : memref<4x64x128xf32, #tpu.memory_space<vmem>> -> memref<1x64x128xf32, #tpu.memory_space<vmem>>
        %gather3A_673 = tpu.memref_squeeze %gather3A_672 : memref<1x64x128xf32, #tpu.memory_space<vmem>> -> memref<64x128xf32, #tpu.memory_space<vmem>>
        %gather3A_674 = tpu.vector_load_idx %gather3A_673[%add3A_624, %and3A_662] : memref<64x128xf32, #tpu.memory_space<vmem>>[vector<16xi32>, vector<16xi32>], vector<16xf32>,
        %mul3A_675 = arith.mulf %gather3A_668, %gather3A_674 : vector<16xf32>
        %add3A_676 = arith.addf %add3A_655, %mul3A_675 : vector<16xf32>
        %scan3A_677 = arith.constant 2 : i32
        %scan3A_678 = arith.addi %scan3A_637, %scan3A_677 : i32
        %broadcast_in_dim3A_679 = vector.broadcast %scan3A_678 : i32 to vector<16xi32>
        %add3A_680 = arith.addi %broadcast_in_dim3A_679, %iota3A : vector<16xi32>
        %and3A_681 = arith.constant 127 : i32
        %and3A_682 = vector.broadcast %and3A_681 : i32 to vector<16xi32>
        %and3A_683 = arith.andi %add3A_680, %and3A_682 : vector<16xi32>
        %gather3A_684 = arith.constant 0 : i32
        %gather3A_685 = arith.constant 0 : i32
        %gather3A_686 = arith.constant 0 : i32
        %gather3A_687 = tpu.memref_slice %arg9[%gather3A_684, %gather3A_685, %gather3A_686] : memref<4x64x128xf32, #tpu.memory_space<vmem>> -> memref<1x64x128xf32, #tpu.memory_space<vmem>>
        %gather3A_688 = tpu.memref_squeeze %gather3A_687 : memref<1x64x128xf32, #tpu.memory_space<vmem>> -> memref<64x128xf32, #tpu.memory_space<vmem>>
        %gather3A_689 = tpu.vector_load_idx %gather3A_688[%add3A_624, %and3A_683] : memref<64x128xf32, #tpu.memory_space<vmem>>[vector<16xi32>, vector<16xi32>], vector<16xf32>,
        %gather3A_690 = arith.constant 0 : i32
        %gather3A_691 = arith.constant 0 : i32
        %gather3A_692 = arith.constant 0 : i32
        %gather3A_693 = tpu.memref_slice %arg10[%gather3A_690, %gather3A_691, %gather3A_692] : memref<4x64x128xf32, #tpu.memory_space<vmem>> -> memref<1x64x128xf32, #tpu.memory_space<vmem>>
        %gather3A_694 = tpu.memref_squeeze %gather3A_693 : memref<1x64x128xf32, #tpu.memory_space<vmem>> -> memref<64x128xf32, #tpu.memory_space<vmem>>
        %gather3A_695 = tpu.vector_load_idx %gather3A_694[%add3A_624, %and3A_683] : memref<64x128xf32, #tpu.memory_space<vmem>>[vector<16xi32>, vector<16xi32>], vector<16xf32>,
        %mul3A_696 = arith.mulf %gather3A_689, %gather3A_695 : vector<16xf32>
        %add3A_697 = arith.addf %add3A_676, %mul3A_696 : vector<16xf32>
        %scan3A_698 = arith.constant 3 : i32
        %scan3A_699 = arith.addi %scan3A_637, %scan3A_698 : i32
        %broadcast_in_dim3A_700 = vector.broadcast %scan3A_699 : i32 to vector<16xi32>
        %add3A_701 = arith.addi %broadcast_in_dim3A_700, %iota3A : vector<16xi32>
        %and3A_702 = arith.constant 127 : i32
        %and3A_703 = vector.broadcast %and3A_702 : i32 to vector<16xi32>
        %and3A_704 = arith.andi %add3A_701, %and3A_703 : vector<16xi32>
        %gather3A_705 = arith.constant 0 : i32
        %gather3A_706 = arith.constant 0 : i32
        %gather3A_707 = arith.constant 0 : i32
        %gather3A_708 = tpu.memref_slice %arg9[%gather3A_705, %gather3A_706, %gather3A_707] : memref<4x64x128xf32, #tpu.memory_space<vmem>> -> memref<1x64x128xf32, #tpu.memory_space<vmem>>
        %gather3A_709 = tpu.memref_squeeze %gather3A_708 : memref<1x64x128xf32, #tpu.memory_space<vmem>> -> memref<64x128xf32, #tpu.memory_space<vmem>>
        %gather3A_710 = tpu.vector_load_idx %gather3A_709[%add3A_624, %and3A_704] : memref<64x128xf32, #tpu.memory_space<vmem>>[vector<16xi32>, vector<16xi32>], vector<16xf32>,
        %gather3A_711 = arith.constant 0 : i32
        %gather3A_712 = arith.constant 0 : i32
        %gather3A_713 = arith.constant 0 : i32
        %gather3A_714 = tpu.memref_slice %arg10[%gather3A_711, %gather3A_712, %gather3A_713] : memref<4x64x128xf32, #tpu.memory_space<vmem>> -> memref<1x64x128xf32, #tpu.memory_space<vmem>>
        %gather3A_715 = tpu.memref_squeeze %gather3A_714 : memref<1x64x128xf32, #tpu.memory_space<vmem>> -> memref<64x128xf32, #tpu.memory_space<vmem>>
        %gather3A_716 = tpu.vector_load_idx %gather3A_715[%add3A_624, %and3A_704] : memref<64x128xf32, #tpu.memory_space<vmem>>[vector<16xi32>, vector<16xi32>], vector<16xf32>,
        %mul3A_717 = arith.mulf %gather3A_710, %gather3A_716 : vector<16xf32>
        %add3A_718 = arith.addf %add3A_697, %mul3A_717 : vector<16xf32>
        %scan3A_719 = arith.constant 4 : i32
        %scan3A_720 = arith.addi %scan3A_637, %scan3A_719 : i32
        %broadcast_in_dim3A_721 = vector.broadcast %scan3A_720 : i32 to vector<16xi32>
        %add3A_722 = arith.addi %broadcast_in_dim3A_721, %iota3A : vector<16xi32>
        %and3A_723 = arith.constant 127 : i32
        %and3A_724 = vector.broadcast %and3A_723 : i32 to vector<16xi32>
        %and3A_725 = arith.andi %add3A_722, %and3A_724 : vector<16xi32>
        %gather3A_726 = arith.constant 0 : i32
        %gather3A_727 = arith.constant 0 : i32
        %gather3A_728 = arith.constant 0 : i32
        %gather3A_729 = tpu.memref_slice %arg9[%gather3A_726, %gather3A_727, %gather3A_728] : memref<4x64x128xf32, #tpu.memory_space<vmem>> -> memref<1x64x128xf32, #tpu.memory_space<vmem>>
        %gather3A_730 = tpu.memref_squeeze %gather3A_729 : memref<1x64x128xf32, #tpu.memory_space<vmem>> -> memref<64x128xf32, #tpu.memory_space<vmem>>
        %gather3A_731 = tpu.vector_load_idx %gather3A_730[%add3A_624, %and3A_725] : memref<64x128xf32, #tpu.memory_space<vmem>>[vector<16xi32>, vector<16xi32>], vector<16xf32>,
        %gather3A_732 = arith.constant 0 : i32
        %gather3A_733 = arith.constant 0 : i32
        %gather3A_734 = arith.constant 0 : i32
        %gather3A_735 = tpu.memref_slice %arg10[%gather3A_732, %gather3A_733, %gather3A_734] : memref<4x64x128xf32, #tpu.memory_space<vmem>> -> memref<1x64x128xf32, #tpu.memory_space<vmem>>
        %gather3A_736 = tpu.memref_squeeze %gather3A_735 : memref<1x64x128xf32, #tpu.memory_space<vmem>> -> memref<64x128xf32, #tpu.memory_space<vmem>>
        %gather3A_737 = tpu.vector_load_idx %gather3A_736[%add3A_624, %and3A_725] : memref<64x128xf32, #tpu.memory_space<vmem>>[vector<16xi32>, vector<16xi32>], vector<16xf32>,
        %mul3A_738 = arith.mulf %gather3A_731, %gather3A_737 : vector<16xf32>
        %add3A_739 = arith.addf %add3A_718, %mul3A_738 : vector<16xf32>
        %scan3A_740 = arith.constant 5 : i32
        %scan3A_741 = arith.addi %scan3A_637, %scan3A_740 : i32
        %broadcast_in_dim3A_742 = vector.broadcast %scan3A_741 : i32 to vector<16xi32>
        %add3A_743 = arith.addi %broadcast_in_dim3A_742, %iota3A : vector<16xi32>
        %and3A_744 = arith.constant 127 : i32
        %and3A_745 = vector.broadcast %and3A_744 : i32 to vector<16xi32>
        %and3A_746 = arith.andi %add3A_743, %and3A_745 : vector<16xi32>
        %gather3A_747 = arith.constant 0 : i32
        %gather3A_748 = arith.constant 0 : i32
        %gather3A_749 = arith.constant 0 : i32
        %gather3A_750 = tpu.memref_slice %arg9[%gather3A_747, %gather3A_748, %gather3A_749] : memref<4x64x128xf32, #tpu.memory_space<vmem>> -> memref<1x64x128xf32, #tpu.memory_space<vmem>>
        %gather3A_751 = tpu.memref_squeeze %gather3A_750 : memref<1x64x128xf32, #tpu.memory_space<vmem>> -> memref<64x128xf32, #tpu.memory_space<vmem>>
        %gather3A_752 = tpu.vector_load_idx %gather3A_751[%add3A_624, %and3A_746] : memref<64x128xf32, #tpu.memory_space<vmem>>[vector<16xi32>, vector<16xi32>], vector<16xf32>,
        %gather3A_753 = arith.constant 0 : i32
        %gather3A_754 = arith.constant 0 : i32
        %gather3A_755 = arith.constant 0 : i32
        %gather3A_756 = tpu.memref_slice %arg10[%gather3A_753, %gather3A_754, %gather3A_755] : memref<4x64x128xf32, #tpu.memory_space<vmem>> -> memref<1x64x128xf32, #tpu.memory_space<vmem>>
        %gather3A_757 = tpu.memref_squeeze %gather3A_756 : memref<1x64x128xf32, #tpu.memory_space<vmem>> -> memref<64x128xf32, #tpu.memory_space<vmem>>
        %gather3A_758 = tpu.vector_load_idx %gather3A_757[%add3A_624, %and3A_746] : memref<64x128xf32, #tpu.memory_space<vmem>>[vector<16xi32>, vector<16xi32>], vector<16xf32>,
        %mul3A_759 = arith.mulf %gather3A_752, %gather3A_758 : vector<16xf32>
        %add3A_760 = arith.addf %add3A_739, %mul3A_759 : vector<16xf32>
        %scan3A_761 = arith.constant 6 : i32
        %scan3A_762 = arith.addi %scan3A_637, %scan3A_761 : i32
        %broadcast_in_dim3A_763 = vector.broadcast %scan3A_762 : i32 to vector<16xi32>
        %add3A_764 = arith.addi %broadcast_in_dim3A_763, %iota3A : vector<16xi32>
        %and3A_765 = arith.constant 127 : i32
        %and3A_766 = vector.broadcast %and3A_765 : i32 to vector<16xi32>
        %and3A_767 = arith.andi %add3A_764, %and3A_766 : vector<16xi32>
        %gather3A_768 = arith.constant 0 : i32
        %gather3A_769 = arith.constant 0 : i32
        %gather3A_770 = arith.constant 0 : i32
        %gather3A_771 = tpu.memref_slice %arg9[%gather3A_768, %gather3A_769, %gather3A_770] : memref<4x64x128xf32, #tpu.memory_space<vmem>> -> memref<1x64x128xf32, #tpu.memory_space<vmem>>
        %gather3A_772 = tpu.memref_squeeze %gather3A_771 : memref<1x64x128xf32, #tpu.memory_space<vmem>> -> memref<64x128xf32, #tpu.memory_space<vmem>>
        %gather3A_773 = tpu.vector_load_idx %gather3A_772[%add3A_624, %and3A_767] : memref<64x128xf32, #tpu.memory_space<vmem>>[vector<16xi32>, vector<16xi32>], vector<16xf32>,
        %gather3A_774 = arith.constant 0 : i32
        %gather3A_775 = arith.constant 0 : i32
        %gather3A_776 = arith.constant 0 : i32
        %gather3A_777 = tpu.memref_slice %arg10[%gather3A_774, %gather3A_775, %gather3A_776] : memref<4x64x128xf32, #tpu.memory_space<vmem>> -> memref<1x64x128xf32, #tpu.memory_space<vmem>>
        %gather3A_778 = tpu.memref_squeeze %gather3A_777 : memref<1x64x128xf32, #tpu.memory_space<vmem>> -> memref<64x128xf32, #tpu.memory_space<vmem>>
        %gather3A_779 = tpu.vector_load_idx %gather3A_778[%add3A_624, %and3A_767] : memref<64x128xf32, #tpu.memory_space<vmem>>[vector<16xi32>, vector<16xi32>], vector<16xf32>,
        %mul3A_780 = arith.mulf %gather3A_773, %gather3A_779 : vector<16xf32>
        %add3A_781 = arith.addf %add3A_760, %mul3A_780 : vector<16xf32>
        %scan3A_782 = arith.constant 7 : i32
        %scan3A_783 = arith.addi %scan3A_637, %scan3A_782 : i32
        %broadcast_in_dim3A_784 = vector.broadcast %scan3A_783 : i32 to vector<16xi32>
        %add3A_785 = arith.addi %broadcast_in_dim3A_784, %iota3A : vector<16xi32>
        %and3A_786 = arith.constant 127 : i32
        %and3A_787 = vector.broadcast %and3A_786 : i32 to vector<16xi32>
        %and3A_788 = arith.andi %add3A_785, %and3A_787 : vector<16xi32>
        %gather3A_789 = arith.constant 0 : i32
        %gather3A_790 = arith.constant 0 : i32
        %gather3A_791 = arith.constant 0 : i32
        %gather3A_792 = tpu.memref_slice %arg9[%gather3A_789, %gather3A_790, %gather3A_791] : memref<4x64x128xf32, #tpu.memory_space<vmem>> -> memref<1x64x128xf32, #tpu.memory_space<vmem>>
        %gather3A_793 = tpu.memref_squeeze %gather3A_792 : memref<1x64x128xf32, #tpu.memory_space<vmem>> -> memref<64x128xf32, #tpu.memory_space<vmem>>
        %gather3A_794 = tpu.vector_load_idx %gather3A_793[%add3A_624, %and3A_788] : memref<64x128xf32, #tpu.memory_space<vmem>>[vector<16xi32>, vector<16xi32>], vector<16xf32>,
        %gather3A_795 = arith.constant 0 : i32
        %gather3A_796 = arith.constant 0 : i32
        %gather3A_797 = arith.constant 0 : i32
        %gather3A_798 = tpu.memref_slice %arg10[%gather3A_795, %gather3A_796, %gather3A_797] : memref<4x64x128xf32, #tpu.memory_space<vmem>> -> memref<1x64x128xf32, #tpu.memory_space<vmem>>
        %gather3A_799 = tpu.memref_squeeze %gather3A_798 : memref<1x64x128xf32, #tpu.memory_space<vmem>> -> memref<64x128xf32, #tpu.memory_space<vmem>>
        %gather3A_800 = tpu.vector_load_idx %gather3A_799[%add3A_624, %and3A_788] : memref<64x128xf32, #tpu.memory_space<vmem>>[vector<16xi32>, vector<16xi32>], vector<16xf32>,
        %mul3A_801 = arith.mulf %gather3A_794, %gather3A_800 : vector<16xf32>
        %add3A_802 = arith.addf %add3A_781, %mul3A_801 : vector<16xf32>
        scf.yield %add3A_802 : vector<16xf32>
      }
      %scan3A_631 = arith.constant 128 : i32
      %mul3A_632 = arith.constant 16 : i32
      %mul3A_633 = arith.muli %scan3A_620, %mul3A_632 : i32
      %add3A_634 = arith.constant 0 : i32
      %add3A_635 = arith.addi %add3A_634, %mul3A_633 : i32
      %swap3A = arith.index_cast %add3A_635 : i32 to index
      %swap3A_636 = tpu.vector_load %arg11[%swap3A] {strides = array<i32>} : memref<512xf32, #tpu.memory_space<vmem>>, vector<16xf32>,
      tpu.vector_store %arg11[%swap3A], %scan3A_630 {strides = array<i32>} : memref<512xf32, #tpu.memory_space<vmem>>, vector<16xf32>,
    }
    %scan3A_186 = arith.constant 4 : i32
    %dma_start3A_187 = arith.constant 0 : i32
    %dma_start3A_188 = arith.constant 0 : i32
    %dma_start3A_189 = arith.constant 0 : i32
    %dma_start3A_190 = arith.constant 0 : i32
    %dma_start3A_191 = tpu.memref_slice %arg9[%dma_start3A_187, %dma_start3A_189, %dma_start3A_190] : memref<4x64x128xf32, #tpu.memory_space<vmem>> -> memref<1x64x128xf32, #tpu.memory_space<vmem>>
    %dma_start3A_192 = tpu.memref_squeeze %dma_start3A_191 : memref<1x64x128xf32, #tpu.memory_space<vmem>> -> memref<64x128xf32, #tpu.memory_space<vmem>>
    %dma_start3A_193 = arith.constant 256 : i32
    %dma_start3A_194 = tpu.memref_slice %arg7[%dma_start3A_193] : memref<512xi32, #tpu.memory_space<vmem>> -> memref<64xi32, #tpu.memory_space<vmem>>
    %dma_start3A_195 = arith.constant 0 : i32
    %dma_start3A_196 = arith.constant 0 : i32
    %dma_start3A_197 = tpu.memref_slice %arg4[%dma_start3A_195, %dma_start3A_196] : memref<100000x128xf32, #tpu.memory_space<hbm>> -> memref<100000x128xf32, #tpu.memory_space<hbm>>
    %dma_start3A_198 = tpu.memref_slice %arg13[%dma_start3A_188] : memref<4x!tpu.dma_semaphore, #tpu.memory_space<semaphore_mem>> -> memref<1x!tpu.dma_semaphore, #tpu.memory_space<semaphore_mem>>
    %dma_start3A_199 = tpu.memref_squeeze %dma_start3A_198 : memref<1x!tpu.dma_semaphore, #tpu.memory_space<semaphore_mem>> -> memref<!tpu.dma_semaphore, #tpu.memory_space<semaphore_mem>>
    tpu.enqueue_indirect_dma source(%dma_start3A_197 : memref<100000x128xf32, #tpu.memory_space<hbm>>) target(%dma_start3A_192 : memref<64x128xf32, #tpu.memory_space<vmem>>) offsets(%dma_start3A_194 : memref<64xi32, #tpu.memory_space<vmem>>) semaphore(%dma_start3A_199 : memref<!tpu.dma_semaphore, #tpu.memory_space<semaphore_mem>>)
    %dma_start3A_200 = arith.constant 0 : i32
    %dma_start3A_201 = arith.constant 0 : i32
    %dma_start3A_202 = arith.constant 0 : i32
    %dma_start3A_203 = arith.constant 0 : i32
    %dma_start3A_204 = tpu.memref_slice %arg10[%dma_start3A_200, %dma_start3A_202, %dma_start3A_203] : memref<4x64x128xf32, #tpu.memory_space<vmem>> -> memref<1x64x128xf32, #tpu.memory_space<vmem>>
    %dma_start3A_205 = tpu.memref_squeeze %dma_start3A_204 : memref<1x64x128xf32, #tpu.memory_space<vmem>> -> memref<64x128xf32, #tpu.memory_space<vmem>>
    %dma_start3A_206 = arith.constant 256 : i32
    %dma_start3A_207 = tpu.memref_slice %arg8[%dma_start3A_206] : memref<512xi32, #tpu.memory_space<vmem>> -> memref<64xi32, #tpu.memory_space<vmem>>
    %dma_start3A_208 = arith.constant 0 : i32
    %dma_start3A_209 = arith.constant 0 : i32
    %dma_start3A_210 = tpu.memref_slice %arg5[%dma_start3A_208, %dma_start3A_209] : memref<100000x128xf32, #tpu.memory_space<hbm>> -> memref<100000x128xf32, #tpu.memory_space<hbm>>
    %dma_start3A_211 = tpu.memref_slice %arg14[%dma_start3A_201] : memref<4x!tpu.dma_semaphore, #tpu.memory_space<semaphore_mem>> -> memref<1x!tpu.dma_semaphore, #tpu.memory_space<semaphore_mem>>
    %dma_start3A_212 = tpu.memref_squeeze %dma_start3A_211 : memref<1x!tpu.dma_semaphore, #tpu.memory_space<semaphore_mem>> -> memref<!tpu.dma_semaphore, #tpu.memory_space<semaphore_mem>>
    tpu.enqueue_indirect_dma source(%dma_start3A_210 : memref<100000x128xf32, #tpu.memory_space<hbm>>) target(%dma_start3A_205 : memref<64x128xf32, #tpu.memory_space<vmem>>) offsets(%dma_start3A_207 : memref<64xi32, #tpu.memory_space<vmem>>) semaphore(%dma_start3A_212 : memref<!tpu.dma_semaphore, #tpu.memory_space<semaphore_mem>>)
    %add3A_213 = arith.constant 0 : i32
    %add3A_214 = arith.addi %mul3A_2, %add3A_213 : i32
    %dma_start3A_215 = arith.constant 0 : i32
    %dma_start3A_216 = tpu.memref_slice %arg11[%dma_start3A_215] : memref<512xf32, #tpu.memory_space<vmem>> -> memref<64xf32, #tpu.memory_space<vmem>>
    %dma_start3A_217 = tpu.memref_slice %arg6[%add3A_214] : memref<16384xf32, #tpu.memory_space<hbm>> -> memref<64xf32, #tpu.memory_space<hbm>>
    %dma_start3A_218 = tpu.memref_slice %arg6[%add3A_214] : memref<16384xf32, #tpu.memory_space<hbm>> -> memref<64xf32, #tpu.memory_space<hbm>>
    %dma_start3A_219 = arith.constant 0 : i32
    %dma_start3A_220 = tpu.memref_slice %arg11[%dma_start3A_219] : memref<512xf32, #tpu.memory_space<vmem>> -> memref<64xf32, #tpu.memory_space<vmem>>
    tpu.enqueue_dma source(%dma_start3A_220 : memref<64xf32, #tpu.memory_space<vmem>>) target(%dma_start3A_218 : memref<64xf32, #tpu.memory_space<hbm>>) target_semaphore(%arg15 : memref<!tpu.dma_semaphore, #tpu.memory_space<semaphore_mem>>)
    %dma_wait3A_221 = arith.constant 1 : i32
    %dma_wait3A_222 = arith.constant 1 : i32
    %dma_wait3A_223 = arith.constant 0 : i32
    %dma_wait3A_224 = arith.constant 0 : i32
    %dma_wait3A_225 = tpu.memref_slice %arg9[%dma_wait3A_221, %dma_wait3A_223, %dma_wait3A_224] : memref<4x64x128xf32, #tpu.memory_space<vmem>> -> memref<1x64x128xf32, #tpu.memory_space<vmem>>
    %dma_wait3A_226 = tpu.memref_squeeze %dma_wait3A_225 : memref<1x64x128xf32, #tpu.memory_space<vmem>> -> memref<64x128xf32, #tpu.memory_space<vmem>>
    %dma_wait3A_227 = arith.constant 64 : i32
    %dma_wait3A_228 = tpu.memref_slice %arg7[%dma_wait3A_227] : memref<512xi32, #tpu.memory_space<vmem>> -> memref<64xi32, #tpu.memory_space<vmem>>
    %dma_wait3A_229 = arith.constant 0 : i32
    %dma_wait3A_230 = arith.constant 0 : i32
    %dma_wait3A_231 = tpu.memref_slice %arg4[%dma_wait3A_229, %dma_wait3A_230] : memref<100000x128xf32, #tpu.memory_space<hbm>> -> memref<100000x128xf32, #tpu.memory_space<hbm>>
    %dma_wait3A_232 = tpu.memref_slice %arg13[%dma_wait3A_222] : memref<4x!tpu.dma_semaphore, #tpu.memory_space<semaphore_mem>> -> memref<1x!tpu.dma_semaphore, #tpu.memory_space<semaphore_mem>>
    %dma_wait3A_233 = tpu.memref_squeeze %dma_wait3A_232 : memref<1x!tpu.dma_semaphore, #tpu.memory_space<semaphore_mem>> -> memref<!tpu.dma_semaphore, #tpu.memory_space<semaphore_mem>>
    tpu.wait_indirect_dma semaphore(%dma_wait3A_233 : memref<!tpu.dma_semaphore, #tpu.memory_space<semaphore_mem>>) src(%dma_wait3A_231 : memref<100000x128xf32, #tpu.memory_space<hbm>>) dst(%dma_wait3A_226 : memref<64x128xf32, #tpu.memory_space<vmem>>)
    %dma_wait3A_234 = arith.constant 1 : i32
    %dma_wait3A_235 = arith.constant 1 : i32
    %dma_wait3A_236 = arith.constant 0 : i32
    %dma_wait3A_237 = arith.constant 0 : i32
    %dma_wait3A_238 = tpu.memref_slice %arg10[%dma_wait3A_234, %dma_wait3A_236, %dma_wait3A_237] : memref<4x64x128xf32, #tpu.memory_space<vmem>> -> memref<1x64x128xf32, #tpu.memory_space<vmem>>
    %dma_wait3A_239 = tpu.memref_squeeze %dma_wait3A_238 : memref<1x64x128xf32, #tpu.memory_space<vmem>> -> memref<64x128xf32, #tpu.memory_space<vmem>>
    %dma_wait3A_240 = arith.constant 64 : i32
    %dma_wait3A_241 = tpu.memref_slice %arg8[%dma_wait3A_240] : memref<512xi32, #tpu.memory_space<vmem>> -> memref<64xi32, #tpu.memory_space<vmem>>
    %dma_wait3A_242 = arith.constant 0 : i32
    %dma_wait3A_243 = arith.constant 0 : i32
    %dma_wait3A_244 = tpu.memref_slice %arg5[%dma_wait3A_242, %dma_wait3A_243] : memref<100000x128xf32, #tpu.memory_space<hbm>> -> memref<100000x128xf32, #tpu.memory_space<hbm>>
    %dma_wait3A_245 = tpu.memref_slice %arg14[%dma_wait3A_235] : memref<4x!tpu.dma_semaphore, #tpu.memory_space<semaphore_mem>> -> memref<1x!tpu.dma_semaphore, #tpu.memory_space<semaphore_mem>>
    %dma_wait3A_246 = tpu.memref_squeeze %dma_wait3A_245 : memref<1x!tpu.dma_semaphore, #tpu.memory_space<semaphore_mem>> -> memref<!tpu.dma_semaphore, #tpu.memory_space<semaphore_mem>>
    tpu.wait_indirect_dma semaphore(%dma_wait3A_246 : memref<!tpu.dma_semaphore, #tpu.memory_space<semaphore_mem>>) src(%dma_wait3A_244 : memref<100000x128xf32, #tpu.memory_space<hbm>>) dst(%dma_wait3A_239 : memref<64x128xf32, #tpu.memory_space<vmem>>)
    %scan3A_247 = arith.constant 0 : i32
    %scan3A_248 = arith.constant 4 : i32
    %scan3A_249 = arith.addi %scan3A_247, %scan3A_248 : i32
    %scan3A_250 = arith.constant 1 : i32
    scf.for %scan3A_620 = %scan3A_247 to %scan3A_249 step %scan3A_250  : i32 {
      %mul3A_621 = arith.constant 16 : i32
      %mul3A_622 = arith.muli %scan3A_620, %mul3A_621 : i32
      %add3A_623 = vector.broadcast %mul3A_622 : i32 to vector<16xi32>
      %add3A_624 = arith.addi %add3A_623, %iota3A : vector<16xi32>
      %broadcast_in_dim3A = arith.constant 0.000000e+00 : f32
      %broadcast_in_dim3A_625 = vector.broadcast %broadcast_in_dim3A : f32 to vector<16xf32>
      %scan3A_626 = arith.constant 0 : i32
      %scan3A_627 = arith.constant 128 : i32
      %scan3A_628 = arith.addi %scan3A_626, %scan3A_627 : i32
      %scan3A_629 = arith.constant 8 : i32
      %scan3A_630 = scf.for %scan3A_637 = %scan3A_626 to %scan3A_628 step %scan3A_629 iter_args(%scan3A_638 = %broadcast_in_dim3A_625) -> (vector<16xf32>)  : i32 {
        %broadcast_in_dim3A_639 = vector.broadcast %scan3A_637 : i32 to vector<16xi32>
        %add3A_640 = arith.addi %broadcast_in_dim3A_639, %iota3A : vector<16xi32>
        %and3A = arith.constant 127 : i32
        %and3A_641 = vector.broadcast %and3A : i32 to vector<16xi32>
        %and3A_642 = arith.andi %add3A_640, %and3A_641 : vector<16xi32>
        %gather3A = arith.constant 1 : i32
        %gather3A_643 = arith.constant 0 : i32
        %gather3A_644 = arith.constant 0 : i32
        %gather3A_645 = tpu.memref_slice %arg9[%gather3A, %gather3A_643, %gather3A_644] : memref<4x64x128xf32, #tpu.memory_space<vmem>> -> memref<1x64x128xf32, #tpu.memory_space<vmem>>
        %gather3A_646 = tpu.memref_squeeze %gather3A_645 : memref<1x64x128xf32, #tpu.memory_space<vmem>> -> memref<64x128xf32, #tpu.memory_space<vmem>>
        %gather3A_647 = tpu.vector_load_idx %gather3A_646[%add3A_624, %and3A_642] : memref<64x128xf32, #tpu.memory_space<vmem>>[vector<16xi32>, vector<16xi32>], vector<16xf32>,
        %gather3A_648 = arith.constant 1 : i32
        %gather3A_649 = arith.constant 0 : i32
        %gather3A_650 = arith.constant 0 : i32
        %gather3A_651 = tpu.memref_slice %arg10[%gather3A_648, %gather3A_649, %gather3A_650] : memref<4x64x128xf32, #tpu.memory_space<vmem>> -> memref<1x64x128xf32, #tpu.memory_space<vmem>>
        %gather3A_652 = tpu.memref_squeeze %gather3A_651 : memref<1x64x128xf32, #tpu.memory_space<vmem>> -> memref<64x128xf32, #tpu.memory_space<vmem>>
        %gather3A_653 = tpu.vector_load_idx %gather3A_652[%add3A_624, %and3A_642] : memref<64x128xf32, #tpu.memory_space<vmem>>[vector<16xi32>, vector<16xi32>], vector<16xf32>,
        %mul3A_654 = arith.mulf %gather3A_647, %gather3A_653 : vector<16xf32>
        %add3A_655 = arith.addf %scan3A_638, %mul3A_654 : vector<16xf32>
        %scan3A_656 = arith.constant 1 : i32
        %scan3A_657 = arith.addi %scan3A_637, %scan3A_656 : i32
        %broadcast_in_dim3A_658 = vector.broadcast %scan3A_657 : i32 to vector<16xi32>
        %add3A_659 = arith.addi %broadcast_in_dim3A_658, %iota3A : vector<16xi32>
        %and3A_660 = arith.constant 127 : i32
        %and3A_661 = vector.broadcast %and3A_660 : i32 to vector<16xi32>
        %and3A_662 = arith.andi %add3A_659, %and3A_661 : vector<16xi32>
        %gather3A_663 = arith.constant 1 : i32
        %gather3A_664 = arith.constant 0 : i32
        %gather3A_665 = arith.constant 0 : i32
        %gather3A_666 = tpu.memref_slice %arg9[%gather3A_663, %gather3A_664, %gather3A_665] : memref<4x64x128xf32, #tpu.memory_space<vmem>> -> memref<1x64x128xf32, #tpu.memory_space<vmem>>
        %gather3A_667 = tpu.memref_squeeze %gather3A_666 : memref<1x64x128xf32, #tpu.memory_space<vmem>> -> memref<64x128xf32, #tpu.memory_space<vmem>>
        %gather3A_668 = tpu.vector_load_idx %gather3A_667[%add3A_624, %and3A_662] : memref<64x128xf32, #tpu.memory_space<vmem>>[vector<16xi32>, vector<16xi32>], vector<16xf32>,
        %gather3A_669 = arith.constant 1 : i32
        %gather3A_670 = arith.constant 0 : i32
        %gather3A_671 = arith.constant 0 : i32
        %gather3A_672 = tpu.memref_slice %arg10[%gather3A_669, %gather3A_670, %gather3A_671] : memref<4x64x128xf32, #tpu.memory_space<vmem>> -> memref<1x64x128xf32, #tpu.memory_space<vmem>>
        %gather3A_673 = tpu.memref_squeeze %gather3A_672 : memref<1x64x128xf32, #tpu.memory_space<vmem>> -> memref<64x128xf32, #tpu.memory_space<vmem>>
        %gather3A_674 = tpu.vector_load_idx %gather3A_673[%add3A_624, %and3A_662] : memref<64x128xf32, #tpu.memory_space<vmem>>[vector<16xi32>, vector<16xi32>], vector<16xf32>,
        %mul3A_675 = arith.mulf %gather3A_668, %gather3A_674 : vector<16xf32>
        %add3A_676 = arith.addf %add3A_655, %mul3A_675 : vector<16xf32>
        %scan3A_677 = arith.constant 2 : i32
        %scan3A_678 = arith.addi %scan3A_637, %scan3A_677 : i32
        %broadcast_in_dim3A_679 = vector.broadcast %scan3A_678 : i32 to vector<16xi32>
        %add3A_680 = arith.addi %broadcast_in_dim3A_679, %iota3A : vector<16xi32>
        %and3A_681 = arith.constant 127 : i32
        %and3A_682 = vector.broadcast %and3A_681 : i32 to vector<16xi32>
        %and3A_683 = arith.andi %add3A_680, %and3A_682 : vector<16xi32>
        %gather3A_684 = arith.constant 1 : i32
        %gather3A_685 = arith.constant 0 : i32
        %gather3A_686 = arith.constant 0 : i32
        %gather3A_687 = tpu.memref_slice %arg9[%gather3A_684, %gather3A_685, %gather3A_686] : memref<4x64x128xf32, #tpu.memory_space<vmem>> -> memref<1x64x128xf32, #tpu.memory_space<vmem>>
        %gather3A_688 = tpu.memref_squeeze %gather3A_687 : memref<1x64x128xf32, #tpu.memory_space<vmem>> -> memref<64x128xf32, #tpu.memory_space<vmem>>
        %gather3A_689 = tpu.vector_load_idx %gather3A_688[%add3A_624, %and3A_683] : memref<64x128xf32, #tpu.memory_space<vmem>>[vector<16xi32>, vector<16xi32>], vector<16xf32>,
        %gather3A_690 = arith.constant 1 : i32
        %gather3A_691 = arith.constant 0 : i32
        %gather3A_692 = arith.constant 0 : i32
        %gather3A_693 = tpu.memref_slice %arg10[%gather3A_690, %gather3A_691, %gather3A_692] : memref<4x64x128xf32, #tpu.memory_space<vmem>> -> memref<1x64x128xf32, #tpu.memory_space<vmem>>
        %gather3A_694 = tpu.memref_squeeze %gather3A_693 : memref<1x64x128xf32, #tpu.memory_space<vmem>> -> memref<64x128xf32, #tpu.memory_space<vmem>>
        %gather3A_695 = tpu.vector_load_idx %gather3A_694[%add3A_624, %and3A_683] : memref<64x128xf32, #tpu.memory_space<vmem>>[vector<16xi32>, vector<16xi32>], vector<16xf32>,
        %mul3A_696 = arith.mulf %gather3A_689, %gather3A_695 : vector<16xf32>
        %add3A_697 = arith.addf %add3A_676, %mul3A_696 : vector<16xf32>
        %scan3A_698 = arith.constant 3 : i32
        %scan3A_699 = arith.addi %scan3A_637, %scan3A_698 : i32
        %broadcast_in_dim3A_700 = vector.broadcast %scan3A_699 : i32 to vector<16xi32>
        %add3A_701 = arith.addi %broadcast_in_dim3A_700, %iota3A : vector<16xi32>
        %and3A_702 = arith.constant 127 : i32
        %and3A_703 = vector.broadcast %and3A_702 : i32 to vector<16xi32>
        %and3A_704 = arith.andi %add3A_701, %and3A_703 : vector<16xi32>
        %gather3A_705 = arith.constant 1 : i32
        %gather3A_706 = arith.constant 0 : i32
        %gather3A_707 = arith.constant 0 : i32
        %gather3A_708 = tpu.memref_slice %arg9[%gather3A_705, %gather3A_706, %gather3A_707] : memref<4x64x128xf32, #tpu.memory_space<vmem>> -> memref<1x64x128xf32, #tpu.memory_space<vmem>>
        %gather3A_709 = tpu.memref_squeeze %gather3A_708 : memref<1x64x128xf32, #tpu.memory_space<vmem>> -> memref<64x128xf32, #tpu.memory_space<vmem>>
        %gather3A_710 = tpu.vector_load_idx %gather3A_709[%add3A_624, %and3A_704] : memref<64x128xf32, #tpu.memory_space<vmem>>[vector<16xi32>, vector<16xi32>], vector<16xf32>,
        %gather3A_711 = arith.constant 1 : i32
        %gather3A_712 = arith.constant 0 : i32
        %gather3A_713 = arith.constant 0 : i32
        %gather3A_714 = tpu.memref_slice %arg10[%gather3A_711, %gather3A_712, %gather3A_713] : memref<4x64x128xf32, #tpu.memory_space<vmem>> -> memref<1x64x128xf32, #tpu.memory_space<vmem>>
        %gather3A_715 = tpu.memref_squeeze %gather3A_714 : memref<1x64x128xf32, #tpu.memory_space<vmem>> -> memref<64x128xf32, #tpu.memory_space<vmem>>
        %gather3A_716 = tpu.vector_load_idx %gather3A_715[%add3A_624, %and3A_704] : memref<64x128xf32, #tpu.memory_space<vmem>>[vector<16xi32>, vector<16xi32>], vector<16xf32>,
        %mul3A_717 = arith.mulf %gather3A_710, %gather3A_716 : vector<16xf32>
        %add3A_718 = arith.addf %add3A_697, %mul3A_717 : vector<16xf32>
        %scan3A_719 = arith.constant 4 : i32
        %scan3A_720 = arith.addi %scan3A_637, %scan3A_719 : i32
        %broadcast_in_dim3A_721 = vector.broadcast %scan3A_720 : i32 to vector<16xi32>
        %add3A_722 = arith.addi %broadcast_in_dim3A_721, %iota3A : vector<16xi32>
        %and3A_723 = arith.constant 127 : i32
        %and3A_724 = vector.broadcast %and3A_723 : i32 to vector<16xi32>
        %and3A_725 = arith.andi %add3A_722, %and3A_724 : vector<16xi32>
        %gather3A_726 = arith.constant 1 : i32
        %gather3A_727 = arith.constant 0 : i32
        %gather3A_728 = arith.constant 0 : i32
        %gather3A_729 = tpu.memref_slice %arg9[%gather3A_726, %gather3A_727, %gather3A_728] : memref<4x64x128xf32, #tpu.memory_space<vmem>> -> memref<1x64x128xf32, #tpu.memory_space<vmem>>
        %gather3A_730 = tpu.memref_squeeze %gather3A_729 : memref<1x64x128xf32, #tpu.memory_space<vmem>> -> memref<64x128xf32, #tpu.memory_space<vmem>>
        %gather3A_731 = tpu.vector_load_idx %gather3A_730[%add3A_624, %and3A_725] : memref<64x128xf32, #tpu.memory_space<vmem>>[vector<16xi32>, vector<16xi32>], vector<16xf32>,
        %gather3A_732 = arith.constant 1 : i32
        %gather3A_733 = arith.constant 0 : i32
        %gather3A_734 = arith.constant 0 : i32
        %gather3A_735 = tpu.memref_slice %arg10[%gather3A_732, %gather3A_733, %gather3A_734] : memref<4x64x128xf32, #tpu.memory_space<vmem>> -> memref<1x64x128xf32, #tpu.memory_space<vmem>>
        %gather3A_736 = tpu.memref_squeeze %gather3A_735 : memref<1x64x128xf32, #tpu.memory_space<vmem>> -> memref<64x128xf32, #tpu.memory_space<vmem>>
        %gather3A_737 = tpu.vector_load_idx %gather3A_736[%add3A_624, %and3A_725] : memref<64x128xf32, #tpu.memory_space<vmem>>[vector<16xi32>, vector<16xi32>], vector<16xf32>,
        %mul3A_738 = arith.mulf %gather3A_731, %gather3A_737 : vector<16xf32>
        %add3A_739 = arith.addf %add3A_718, %mul3A_738 : vector<16xf32>
        %scan3A_740 = arith.constant 5 : i32
        %scan3A_741 = arith.addi %scan3A_637, %scan3A_740 : i32
        %broadcast_in_dim3A_742 = vector.broadcast %scan3A_741 : i32 to vector<16xi32>
        %add3A_743 = arith.addi %broadcast_in_dim3A_742, %iota3A : vector<16xi32>
        %and3A_744 = arith.constant 127 : i32
        %and3A_745 = vector.broadcast %and3A_744 : i32 to vector<16xi32>
        %and3A_746 = arith.andi %add3A_743, %and3A_745 : vector<16xi32>
        %gather3A_747 = arith.constant 1 : i32
        %gather3A_748 = arith.constant 0 : i32
        %gather3A_749 = arith.constant 0 : i32
        %gather3A_750 = tpu.memref_slice %arg9[%gather3A_747, %gather3A_748, %gather3A_749] : memref<4x64x128xf32, #tpu.memory_space<vmem>> -> memref<1x64x128xf32, #tpu.memory_space<vmem>>
        %gather3A_751 = tpu.memref_squeeze %gather3A_750 : memref<1x64x128xf32, #tpu.memory_space<vmem>> -> memref<64x128xf32, #tpu.memory_space<vmem>>
        %gather3A_752 = tpu.vector_load_idx %gather3A_751[%add3A_624, %and3A_746] : memref<64x128xf32, #tpu.memory_space<vmem>>[vector<16xi32>, vector<16xi32>], vector<16xf32>,
        %gather3A_753 = arith.constant 1 : i32
        %gather3A_754 = arith.constant 0 : i32
        %gather3A_755 = arith.constant 0 : i32
        %gather3A_756 = tpu.memref_slice %arg10[%gather3A_753, %gather3A_754, %gather3A_755] : memref<4x64x128xf32, #tpu.memory_space<vmem>> -> memref<1x64x128xf32, #tpu.memory_space<vmem>>
        %gather3A_757 = tpu.memref_squeeze %gather3A_756 : memref<1x64x128xf32, #tpu.memory_space<vmem>> -> memref<64x128xf32, #tpu.memory_space<vmem>>
        %gather3A_758 = tpu.vector_load_idx %gather3A_757[%add3A_624, %and3A_746] : memref<64x128xf32, #tpu.memory_space<vmem>>[vector<16xi32>, vector<16xi32>], vector<16xf32>,
        %mul3A_759 = arith.mulf %gather3A_752, %gather3A_758 : vector<16xf32>
        %add3A_760 = arith.addf %add3A_739, %mul3A_759 : vector<16xf32>
        %scan3A_761 = arith.constant 6 : i32
        %scan3A_762 = arith.addi %scan3A_637, %scan3A_761 : i32
        %broadcast_in_dim3A_763 = vector.broadcast %scan3A_762 : i32 to vector<16xi32>
        %add3A_764 = arith.addi %broadcast_in_dim3A_763, %iota3A : vector<16xi32>
        %and3A_765 = arith.constant 127 : i32
        %and3A_766 = vector.broadcast %and3A_765 : i32 to vector<16xi32>
        %and3A_767 = arith.andi %add3A_764, %and3A_766 : vector<16xi32>
        %gather3A_768 = arith.constant 1 : i32
        %gather3A_769 = arith.constant 0 : i32
        %gather3A_770 = arith.constant 0 : i32
        %gather3A_771 = tpu.memref_slice %arg9[%gather3A_768, %gather3A_769, %gather3A_770] : memref<4x64x128xf32, #tpu.memory_space<vmem>> -> memref<1x64x128xf32, #tpu.memory_space<vmem>>
        %gather3A_772 = tpu.memref_squeeze %gather3A_771 : memref<1x64x128xf32, #tpu.memory_space<vmem>> -> memref<64x128xf32, #tpu.memory_space<vmem>>
        %gather3A_773 = tpu.vector_load_idx %gather3A_772[%add3A_624, %and3A_767] : memref<64x128xf32, #tpu.memory_space<vmem>>[vector<16xi32>, vector<16xi32>], vector<16xf32>,
        %gather3A_774 = arith.constant 1 : i32
        %gather3A_775 = arith.constant 0 : i32
        %gather3A_776 = arith.constant 0 : i32
        %gather3A_777 = tpu.memref_slice %arg10[%gather3A_774, %gather3A_775, %gather3A_776] : memref<4x64x128xf32, #tpu.memory_space<vmem>> -> memref<1x64x128xf32, #tpu.memory_space<vmem>>
        %gather3A_778 = tpu.memref_squeeze %gather3A_777 : memref<1x64x128xf32, #tpu.memory_space<vmem>> -> memref<64x128xf32, #tpu.memory_space<vmem>>
        %gather3A_779 = tpu.vector_load_idx %gather3A_778[%add3A_624, %and3A_767] : memref<64x128xf32, #tpu.memory_space<vmem>>[vector<16xi32>, vector<16xi32>], vector<16xf32>,
        %mul3A_780 = arith.mulf %gather3A_773, %gather3A_779 : vector<16xf32>
        %add3A_781 = arith.addf %add3A_760, %mul3A_780 : vector<16xf32>
        %scan3A_782 = arith.constant 7 : i32
        %scan3A_783 = arith.addi %scan3A_637, %scan3A_782 : i32
        %broadcast_in_dim3A_784 = vector.broadcast %scan3A_783 : i32 to vector<16xi32>
        %add3A_785 = arith.addi %broadcast_in_dim3A_784, %iota3A : vector<16xi32>
        %and3A_786 = arith.constant 127 : i32
        %and3A_787 = vector.broadcast %and3A_786 : i32 to vector<16xi32>
        %and3A_788 = arith.andi %add3A_785, %and3A_787 : vector<16xi32>
        %gather3A_789 = arith.constant 1 : i32
        %gather3A_790 = arith.constant 0 : i32
        %gather3A_791 = arith.constant 0 : i32
        %gather3A_792 = tpu.memref_slice %arg9[%gather3A_789, %gather3A_790, %gather3A_791] : memref<4x64x128xf32, #tpu.memory_space<vmem>> -> memref<1x64x128xf32, #tpu.memory_space<vmem>>
        %gather3A_793 = tpu.memref_squeeze %gather3A_792 : memref<1x64x128xf32, #tpu.memory_space<vmem>> -> memref<64x128xf32, #tpu.memory_space<vmem>>
        %gather3A_794 = tpu.vector_load_idx %gather3A_793[%add3A_624, %and3A_788] : memref<64x128xf32, #tpu.memory_space<vmem>>[vector<16xi32>, vector<16xi32>], vector<16xf32>,
        %gather3A_795 = arith.constant 1 : i32
        %gather3A_796 = arith.constant 0 : i32
        %gather3A_797 = arith.constant 0 : i32
        %gather3A_798 = tpu.memref_slice %arg10[%gather3A_795, %gather3A_796, %gather3A_797] : memref<4x64x128xf32, #tpu.memory_space<vmem>> -> memref<1x64x128xf32, #tpu.memory_space<vmem>>
        %gather3A_799 = tpu.memref_squeeze %gather3A_798 : memref<1x64x128xf32, #tpu.memory_space<vmem>> -> memref<64x128xf32, #tpu.memory_space<vmem>>
        %gather3A_800 = tpu.vector_load_idx %gather3A_799[%add3A_624, %and3A_788] : memref<64x128xf32, #tpu.memory_space<vmem>>[vector<16xi32>, vector<16xi32>], vector<16xf32>,
        %mul3A_801 = arith.mulf %gather3A_794, %gather3A_800 : vector<16xf32>
        %add3A_802 = arith.addf %add3A_781, %mul3A_801 : vector<16xf32>
        scf.yield %add3A_802 : vector<16xf32>
      }
      %scan3A_631 = arith.constant 128 : i32
      %mul3A_632 = arith.constant 16 : i32
      %mul3A_633 = arith.muli %scan3A_620, %mul3A_632 : i32
      %add3A_634 = arith.constant 64 : i32
      %add3A_635 = arith.addi %add3A_634, %mul3A_633 : i32
      %swap3A = arith.index_cast %add3A_635 : i32 to index
      %swap3A_636 = tpu.vector_load %arg11[%swap3A] {strides = array<i32>} : memref<512xf32, #tpu.memory_space<vmem>>, vector<16xf32>,
      tpu.vector_store %arg11[%swap3A], %scan3A_630 {strides = array<i32>} : memref<512xf32, #tpu.memory_space<vmem>>, vector<16xf32>,
    }
    %scan3A_251 = arith.constant 4 : i32
    %dma_start3A_252 = arith.constant 1 : i32
    %dma_start3A_253 = arith.constant 1 : i32
    %dma_start3A_254 = arith.constant 0 : i32
    %dma_start3A_255 = arith.constant 0 : i32
    %dma_start3A_256 = tpu.memref_slice %arg9[%dma_start3A_252, %dma_start3A_254, %dma_start3A_255] : memref<4x64x128xf32, #tpu.memory_space<vmem>> -> memref<1x64x128xf32, #tpu.memory_space<vmem>>
    %dma_start3A_257 = tpu.memref_squeeze %dma_start3A_256 : memref<1x64x128xf32, #tpu.memory_space<vmem>> -> memref<64x128xf32, #tpu.memory_space<vmem>>
    %dma_start3A_258 = arith.constant 320 : i32
    %dma_start3A_259 = tpu.memref_slice %arg7[%dma_start3A_258] : memref<512xi32, #tpu.memory_space<vmem>> -> memref<64xi32, #tpu.memory_space<vmem>>
    %dma_start3A_260 = arith.constant 0 : i32
    %dma_start3A_261 = arith.constant 0 : i32
    %dma_start3A_262 = tpu.memref_slice %arg4[%dma_start3A_260, %dma_start3A_261] : memref<100000x128xf32, #tpu.memory_space<hbm>> -> memref<100000x128xf32, #tpu.memory_space<hbm>>
    %dma_start3A_263 = tpu.memref_slice %arg13[%dma_start3A_253] : memref<4x!tpu.dma_semaphore, #tpu.memory_space<semaphore_mem>> -> memref<1x!tpu.dma_semaphore, #tpu.memory_space<semaphore_mem>>
    %dma_start3A_264 = tpu.memref_squeeze %dma_start3A_263 : memref<1x!tpu.dma_semaphore, #tpu.memory_space<semaphore_mem>> -> memref<!tpu.dma_semaphore, #tpu.memory_space<semaphore_mem>>
    tpu.enqueue_indirect_dma source(%dma_start3A_262 : memref<100000x128xf32, #tpu.memory_space<hbm>>) target(%dma_start3A_257 : memref<64x128xf32, #tpu.memory_space<vmem>>) offsets(%dma_start3A_259 : memref<64xi32, #tpu.memory_space<vmem>>) semaphore(%dma_start3A_264 : memref<!tpu.dma_semaphore, #tpu.memory_space<semaphore_mem>>)
    %dma_start3A_265 = arith.constant 1 : i32
    %dma_start3A_266 = arith.constant 1 : i32
    %dma_start3A_267 = arith.constant 0 : i32
    %dma_start3A_268 = arith.constant 0 : i32
    %dma_start3A_269 = tpu.memref_slice %arg10[%dma_start3A_265, %dma_start3A_267, %dma_start3A_268] : memref<4x64x128xf32, #tpu.memory_space<vmem>> -> memref<1x64x128xf32, #tpu.memory_space<vmem>>
    %dma_start3A_270 = tpu.memref_squeeze %dma_start3A_269 : memref<1x64x128xf32, #tpu.memory_space<vmem>> -> memref<64x128xf32, #tpu.memory_space<vmem>>
    %dma_start3A_271 = arith.constant 320 : i32
    %dma_start3A_272 = tpu.memref_slice %arg8[%dma_start3A_271] : memref<512xi32, #tpu.memory_space<vmem>> -> memref<64xi32, #tpu.memory_space<vmem>>
    %dma_start3A_273 = arith.constant 0 : i32
    %dma_start3A_274 = arith.constant 0 : i32
    %dma_start3A_275 = tpu.memref_slice %arg5[%dma_start3A_273, %dma_start3A_274] : memref<100000x128xf32, #tpu.memory_space<hbm>> -> memref<100000x128xf32, #tpu.memory_space<hbm>>
    %dma_start3A_276 = tpu.memref_slice %arg14[%dma_start3A_266] : memref<4x!tpu.dma_semaphore, #tpu.memory_space<semaphore_mem>> -> memref<1x!tpu.dma_semaphore, #tpu.memory_space<semaphore_mem>>
    %dma_start3A_277 = tpu.memref_squeeze %dma_start3A_276 : memref<1x!tpu.dma_semaphore, #tpu.memory_space<semaphore_mem>> -> memref<!tpu.dma_semaphore, #tpu.memory_space<semaphore_mem>>
    tpu.enqueue_indirect_dma source(%dma_start3A_275 : memref<100000x128xf32, #tpu.memory_space<hbm>>) target(%dma_start3A_270 : memref<64x128xf32, #tpu.memory_space<vmem>>) offsets(%dma_start3A_272 : memref<64xi32, #tpu.memory_space<vmem>>) semaphore(%dma_start3A_277 : memref<!tpu.dma_semaphore, #tpu.memory_space<semaphore_mem>>)
    %add3A_278 = arith.constant 64 : i32
    %add3A_279 = arith.addi %mul3A_2, %add3A_278 : i32
    %dma_start3A_280 = arith.constant 64 : i32
    %dma_start3A_281 = tpu.memref_slice %arg11[%dma_start3A_280] : memref<512xf32, #tpu.memory_space<vmem>> -> memref<64xf32, #tpu.memory_space<vmem>>
    %dma_start3A_282 = tpu.memref_slice %arg6[%add3A_279] : memref<16384xf32, #tpu.memory_space<hbm>> -> memref<64xf32, #tpu.memory_space<hbm>>
    %dma_start3A_283 = tpu.memref_slice %arg6[%add3A_279] : memref<16384xf32, #tpu.memory_space<hbm>> -> memref<64xf32, #tpu.memory_space<hbm>>
    %dma_start3A_284 = arith.constant 64 : i32
    %dma_start3A_285 = tpu.memref_slice %arg11[%dma_start3A_284] : memref<512xf32, #tpu.memory_space<vmem>> -> memref<64xf32, #tpu.memory_space<vmem>>
    tpu.enqueue_dma source(%dma_start3A_285 : memref<64xf32, #tpu.memory_space<vmem>>) target(%dma_start3A_283 : memref<64xf32, #tpu.memory_space<hbm>>) target_semaphore(%arg15 : memref<!tpu.dma_semaphore, #tpu.memory_space<semaphore_mem>>)
    %dma_wait3A_286 = arith.constant 2 : i32
    %dma_wait3A_287 = arith.constant 2 : i32
    %dma_wait3A_288 = arith.constant 0 : i32
    %dma_wait3A_289 = arith.constant 0 : i32
    %dma_wait3A_290 = tpu.memref_slice %arg9[%dma_wait3A_286, %dma_wait3A_288, %dma_wait3A_289] : memref<4x64x128xf32, #tpu.memory_space<vmem>> -> memref<1x64x128xf32, #tpu.memory_space<vmem>>
    %dma_wait3A_291 = tpu.memref_squeeze %dma_wait3A_290 : memref<1x64x128xf32, #tpu.memory_space<vmem>> -> memref<64x128xf32, #tpu.memory_space<vmem>>
    %dma_wait3A_292 = arith.constant 128 : i32
    %dma_wait3A_293 = tpu.memref_slice %arg7[%dma_wait3A_292] : memref<512xi32, #tpu.memory_space<vmem>> -> memref<64xi32, #tpu.memory_space<vmem>>
    %dma_wait3A_294 = arith.constant 0 : i32
    %dma_wait3A_295 = arith.constant 0 : i32
    %dma_wait3A_296 = tpu.memref_slice %arg4[%dma_wait3A_294, %dma_wait3A_295] : memref<100000x128xf32, #tpu.memory_space<hbm>> -> memref<100000x128xf32, #tpu.memory_space<hbm>>
    %dma_wait3A_297 = tpu.memref_slice %arg13[%dma_wait3A_287] : memref<4x!tpu.dma_semaphore, #tpu.memory_space<semaphore_mem>> -> memref<1x!tpu.dma_semaphore, #tpu.memory_space<semaphore_mem>>
    %dma_wait3A_298 = tpu.memref_squeeze %dma_wait3A_297 : memref<1x!tpu.dma_semaphore, #tpu.memory_space<semaphore_mem>> -> memref<!tpu.dma_semaphore, #tpu.memory_space<semaphore_mem>>
    tpu.wait_indirect_dma semaphore(%dma_wait3A_298 : memref<!tpu.dma_semaphore, #tpu.memory_space<semaphore_mem>>) src(%dma_wait3A_296 : memref<100000x128xf32, #tpu.memory_space<hbm>>) dst(%dma_wait3A_291 : memref<64x128xf32, #tpu.memory_space<vmem>>)
    %dma_wait3A_299 = arith.constant 2 : i32
    %dma_wait3A_300 = arith.constant 2 : i32
    %dma_wait3A_301 = arith.constant 0 : i32
    %dma_wait3A_302 = arith.constant 0 : i32
    %dma_wait3A_303 = tpu.memref_slice %arg10[%dma_wait3A_299, %dma_wait3A_301, %dma_wait3A_302] : memref<4x64x128xf32, #tpu.memory_space<vmem>> -> memref<1x64x128xf32, #tpu.memory_space<vmem>>
    %dma_wait3A_304 = tpu.memref_squeeze %dma_wait3A_303 : memref<1x64x128xf32, #tpu.memory_space<vmem>> -> memref<64x128xf32, #tpu.memory_space<vmem>>
    %dma_wait3A_305 = arith.constant 128 : i32
    %dma_wait3A_306 = tpu.memref_slice %arg8[%dma_wait3A_305] : memref<512xi32, #tpu.memory_space<vmem>> -> memref<64xi32, #tpu.memory_space<vmem>>
    %dma_wait3A_307 = arith.constant 0 : i32
    %dma_wait3A_308 = arith.constant 0 : i32
    %dma_wait3A_309 = tpu.memref_slice %arg5[%dma_wait3A_307, %dma_wait3A_308] : memref<100000x128xf32, #tpu.memory_space<hbm>> -> memref<100000x128xf32, #tpu.memory_space<hbm>>
    %dma_wait3A_310 = tpu.memref_slice %arg14[%dma_wait3A_300] : memref<4x!tpu.dma_semaphore, #tpu.memory_space<semaphore_mem>> -> memref<1x!tpu.dma_semaphore, #tpu.memory_space<semaphore_mem>>
    %dma_wait3A_311 = tpu.memref_squeeze %dma_wait3A_310 : memref<1x!tpu.dma_semaphore, #tpu.memory_space<semaphore_mem>> -> memref<!tpu.dma_semaphore, #tpu.memory_space<semaphore_mem>>
    tpu.wait_indirect_dma semaphore(%dma_wait3A_311 : memref<!tpu.dma_semaphore, #tpu.memory_space<semaphore_mem>>) src(%dma_wait3A_309 : memref<100000x128xf32, #tpu.memory_space<hbm>>) dst(%dma_wait3A_304 : memref<64x128xf32, #tpu.memory_space<vmem>>)
    %scan3A_312 = arith.constant 0 : i32
    %scan3A_313 = arith.constant 4 : i32
    %scan3A_314 = arith.addi %scan3A_312, %scan3A_313 : i32
    %scan3A_315 = arith.constant 1 : i32
    scf.for %scan3A_620 = %scan3A_312 to %scan3A_314 step %scan3A_315  : i32 {
      %mul3A_621 = arith.constant 16 : i32
      %mul3A_622 = arith.muli %scan3A_620, %mul3A_621 : i32
      %add3A_623 = vector.broadcast %mul3A_622 : i32 to vector<16xi32>
      %add3A_624 = arith.addi %add3A_623, %iota3A : vector<16xi32>
      %broadcast_in_dim3A = arith.constant 0.000000e+00 : f32
      %broadcast_in_dim3A_625 = vector.broadcast %broadcast_in_dim3A : f32 to vector<16xf32>
      %scan3A_626 = arith.constant 0 : i32
      %scan3A_627 = arith.constant 128 : i32
      %scan3A_628 = arith.addi %scan3A_626, %scan3A_627 : i32
      %scan3A_629 = arith.constant 8 : i32
      %scan3A_630 = scf.for %scan3A_637 = %scan3A_626 to %scan3A_628 step %scan3A_629 iter_args(%scan3A_638 = %broadcast_in_dim3A_625) -> (vector<16xf32>)  : i32 {
        %broadcast_in_dim3A_639 = vector.broadcast %scan3A_637 : i32 to vector<16xi32>
        %add3A_640 = arith.addi %broadcast_in_dim3A_639, %iota3A : vector<16xi32>
        %and3A = arith.constant 127 : i32
        %and3A_641 = vector.broadcast %and3A : i32 to vector<16xi32>
        %and3A_642 = arith.andi %add3A_640, %and3A_641 : vector<16xi32>
        %gather3A = arith.constant 2 : i32
        %gather3A_643 = arith.constant 0 : i32
        %gather3A_644 = arith.constant 0 : i32
        %gather3A_645 = tpu.memref_slice %arg9[%gather3A, %gather3A_643, %gather3A_644] : memref<4x64x128xf32, #tpu.memory_space<vmem>> -> memref<1x64x128xf32, #tpu.memory_space<vmem>>
        %gather3A_646 = tpu.memref_squeeze %gather3A_645 : memref<1x64x128xf32, #tpu.memory_space<vmem>> -> memref<64x128xf32, #tpu.memory_space<vmem>>
        %gather3A_647 = tpu.vector_load_idx %gather3A_646[%add3A_624, %and3A_642] : memref<64x128xf32, #tpu.memory_space<vmem>>[vector<16xi32>, vector<16xi32>], vector<16xf32>,
        %gather3A_648 = arith.constant 2 : i32
        %gather3A_649 = arith.constant 0 : i32
        %gather3A_650 = arith.constant 0 : i32
        %gather3A_651 = tpu.memref_slice %arg10[%gather3A_648, %gather3A_649, %gather3A_650] : memref<4x64x128xf32, #tpu.memory_space<vmem>> -> memref<1x64x128xf32, #tpu.memory_space<vmem>>
        %gather3A_652 = tpu.memref_squeeze %gather3A_651 : memref<1x64x128xf32, #tpu.memory_space<vmem>> -> memref<64x128xf32, #tpu.memory_space<vmem>>
        %gather3A_653 = tpu.vector_load_idx %gather3A_652[%add3A_624, %and3A_642] : memref<64x128xf32, #tpu.memory_space<vmem>>[vector<16xi32>, vector<16xi32>], vector<16xf32>,
        %mul3A_654 = arith.mulf %gather3A_647, %gather3A_653 : vector<16xf32>
        %add3A_655 = arith.addf %scan3A_638, %mul3A_654 : vector<16xf32>
        %scan3A_656 = arith.constant 1 : i32
        %scan3A_657 = arith.addi %scan3A_637, %scan3A_656 : i32
        %broadcast_in_dim3A_658 = vector.broadcast %scan3A_657 : i32 to vector<16xi32>
        %add3A_659 = arith.addi %broadcast_in_dim3A_658, %iota3A : vector<16xi32>
        %and3A_660 = arith.constant 127 : i32
        %and3A_661 = vector.broadcast %and3A_660 : i32 to vector<16xi32>
        %and3A_662 = arith.andi %add3A_659, %and3A_661 : vector<16xi32>
        %gather3A_663 = arith.constant 2 : i32
        %gather3A_664 = arith.constant 0 : i32
        %gather3A_665 = arith.constant 0 : i32
        %gather3A_666 = tpu.memref_slice %arg9[%gather3A_663, %gather3A_664, %gather3A_665] : memref<4x64x128xf32, #tpu.memory_space<vmem>> -> memref<1x64x128xf32, #tpu.memory_space<vmem>>
        %gather3A_667 = tpu.memref_squeeze %gather3A_666 : memref<1x64x128xf32, #tpu.memory_space<vmem>> -> memref<64x128xf32, #tpu.memory_space<vmem>>
        %gather3A_668 = tpu.vector_load_idx %gather3A_667[%add3A_624, %and3A_662] : memref<64x128xf32, #tpu.memory_space<vmem>>[vector<16xi32>, vector<16xi32>], vector<16xf32>,
        %gather3A_669 = arith.constant 2 : i32
        %gather3A_670 = arith.constant 0 : i32
        %gather3A_671 = arith.constant 0 : i32
        %gather3A_672 = tpu.memref_slice %arg10[%gather3A_669, %gather3A_670, %gather3A_671] : memref<4x64x128xf32, #tpu.memory_space<vmem>> -> memref<1x64x128xf32, #tpu.memory_space<vmem>>
        %gather3A_673 = tpu.memref_squeeze %gather3A_672 : memref<1x64x128xf32, #tpu.memory_space<vmem>> -> memref<64x128xf32, #tpu.memory_space<vmem>>
        %gather3A_674 = tpu.vector_load_idx %gather3A_673[%add3A_624, %and3A_662] : memref<64x128xf32, #tpu.memory_space<vmem>>[vector<16xi32>, vector<16xi32>], vector<16xf32>,
        %mul3A_675 = arith.mulf %gather3A_668, %gather3A_674 : vector<16xf32>
        %add3A_676 = arith.addf %add3A_655, %mul3A_675 : vector<16xf32>
        %scan3A_677 = arith.constant 2 : i32
        %scan3A_678 = arith.addi %scan3A_637, %scan3A_677 : i32
        %broadcast_in_dim3A_679 = vector.broadcast %scan3A_678 : i32 to vector<16xi32>
        %add3A_680 = arith.addi %broadcast_in_dim3A_679, %iota3A : vector<16xi32>
        %and3A_681 = arith.constant 127 : i32
        %and3A_682 = vector.broadcast %and3A_681 : i32 to vector<16xi32>
        %and3A_683 = arith.andi %add3A_680, %and3A_682 : vector<16xi32>
        %gather3A_684 = arith.constant 2 : i32
        %gather3A_685 = arith.constant 0 : i32
        %gather3A_686 = arith.constant 0 : i32
        %gather3A_687 = tpu.memref_slice %arg9[%gather3A_684, %gather3A_685, %gather3A_686] : memref<4x64x128xf32, #tpu.memory_space<vmem>> -> memref<1x64x128xf32, #tpu.memory_space<vmem>>
        %gather3A_688 = tpu.memref_squeeze %gather3A_687 : memref<1x64x128xf32, #tpu.memory_space<vmem>> -> memref<64x128xf32, #tpu.memory_space<vmem>>
        %gather3A_689 = tpu.vector_load_idx %gather3A_688[%add3A_624, %and3A_683] : memref<64x128xf32, #tpu.memory_space<vmem>>[vector<16xi32>, vector<16xi32>], vector<16xf32>,
        %gather3A_690 = arith.constant 2 : i32
        %gather3A_691 = arith.constant 0 : i32
        %gather3A_692 = arith.constant 0 : i32
        %gather3A_693 = tpu.memref_slice %arg10[%gather3A_690, %gather3A_691, %gather3A_692] : memref<4x64x128xf32, #tpu.memory_space<vmem>> -> memref<1x64x128xf32, #tpu.memory_space<vmem>>
        %gather3A_694 = tpu.memref_squeeze %gather3A_693 : memref<1x64x128xf32, #tpu.memory_space<vmem>> -> memref<64x128xf32, #tpu.memory_space<vmem>>
        %gather3A_695 = tpu.vector_load_idx %gather3A_694[%add3A_624, %and3A_683] : memref<64x128xf32, #tpu.memory_space<vmem>>[vector<16xi32>, vector<16xi32>], vector<16xf32>,
        %mul3A_696 = arith.mulf %gather3A_689, %gather3A_695 : vector<16xf32>
        %add3A_697 = arith.addf %add3A_676, %mul3A_696 : vector<16xf32>
        %scan3A_698 = arith.constant 3 : i32
        %scan3A_699 = arith.addi %scan3A_637, %scan3A_698 : i32
        %broadcast_in_dim3A_700 = vector.broadcast %scan3A_699 : i32 to vector<16xi32>
        %add3A_701 = arith.addi %broadcast_in_dim3A_700, %iota3A : vector<16xi32>
        %and3A_702 = arith.constant 127 : i32
        %and3A_703 = vector.broadcast %and3A_702 : i32 to vector<16xi32>
        %and3A_704 = arith.andi %add3A_701, %and3A_703 : vector<16xi32>
        %gather3A_705 = arith.constant 2 : i32
        %gather3A_706 = arith.constant 0 : i32
        %gather3A_707 = arith.constant 0 : i32
        %gather3A_708 = tpu.memref_slice %arg9[%gather3A_705, %gather3A_706, %gather3A_707] : memref<4x64x128xf32, #tpu.memory_space<vmem>> -> memref<1x64x128xf32, #tpu.memory_space<vmem>>
        %gather3A_709 = tpu.memref_squeeze %gather3A_708 : memref<1x64x128xf32, #tpu.memory_space<vmem>> -> memref<64x128xf32, #tpu.memory_space<vmem>>
        %gather3A_710 = tpu.vector_load_idx %gather3A_709[%add3A_624, %and3A_704] : memref<64x128xf32, #tpu.memory_space<vmem>>[vector<16xi32>, vector<16xi32>], vector<16xf32>,
        %gather3A_711 = arith.constant 2 : i32
        %gather3A_712 = arith.constant 0 : i32
        %gather3A_713 = arith.constant 0 : i32
        %gather3A_714 = tpu.memref_slice %arg10[%gather3A_711, %gather3A_712, %gather3A_713] : memref<4x64x128xf32, #tpu.memory_space<vmem>> -> memref<1x64x128xf32, #tpu.memory_space<vmem>>
        %gather3A_715 = tpu.memref_squeeze %gather3A_714 : memref<1x64x128xf32, #tpu.memory_space<vmem>> -> memref<64x128xf32, #tpu.memory_space<vmem>>
        %gather3A_716 = tpu.vector_load_idx %gather3A_715[%add3A_624, %and3A_704] : memref<64x128xf32, #tpu.memory_space<vmem>>[vector<16xi32>, vector<16xi32>], vector<16xf32>,
        %mul3A_717 = arith.mulf %gather3A_710, %gather3A_716 : vector<16xf32>
        %add3A_718 = arith.addf %add3A_697, %mul3A_717 : vector<16xf32>
        %scan3A_719 = arith.constant 4 : i32
        %scan3A_720 = arith.addi %scan3A_637, %scan3A_719 : i32
        %broadcast_in_dim3A_721 = vector.broadcast %scan3A_720 : i32 to vector<16xi32>
        %add3A_722 = arith.addi %broadcast_in_dim3A_721, %iota3A : vector<16xi32>
        %and3A_723 = arith.constant 127 : i32
        %and3A_724 = vector.broadcast %and3A_723 : i32 to vector<16xi32>
        %and3A_725 = arith.andi %add3A_722, %and3A_724 : vector<16xi32>
        %gather3A_726 = arith.constant 2 : i32
        %gather3A_727 = arith.constant 0 : i32
        %gather3A_728 = arith.constant 0 : i32
        %gather3A_729 = tpu.memref_slice %arg9[%gather3A_726, %gather3A_727, %gather3A_728] : memref<4x64x128xf32, #tpu.memory_space<vmem>> -> memref<1x64x128xf32, #tpu.memory_space<vmem>>
        %gather3A_730 = tpu.memref_squeeze %gather3A_729 : memref<1x64x128xf32, #tpu.memory_space<vmem>> -> memref<64x128xf32, #tpu.memory_space<vmem>>
        %gather3A_731 = tpu.vector_load_idx %gather3A_730[%add3A_624, %and3A_725] : memref<64x128xf32, #tpu.memory_space<vmem>>[vector<16xi32>, vector<16xi32>], vector<16xf32>,
        %gather3A_732 = arith.constant 2 : i32
        %gather3A_733 = arith.constant 0 : i32
        %gather3A_734 = arith.constant 0 : i32
        %gather3A_735 = tpu.memref_slice %arg10[%gather3A_732, %gather3A_733, %gather3A_734] : memref<4x64x128xf32, #tpu.memory_space<vmem>> -> memref<1x64x128xf32, #tpu.memory_space<vmem>>
        %gather3A_736 = tpu.memref_squeeze %gather3A_735 : memref<1x64x128xf32, #tpu.memory_space<vmem>> -> memref<64x128xf32, #tpu.memory_space<vmem>>
        %gather3A_737 = tpu.vector_load_idx %gather3A_736[%add3A_624, %and3A_725] : memref<64x128xf32, #tpu.memory_space<vmem>>[vector<16xi32>, vector<16xi32>], vector<16xf32>,
        %mul3A_738 = arith.mulf %gather3A_731, %gather3A_737 : vector<16xf32>
        %add3A_739 = arith.addf %add3A_718, %mul3A_738 : vector<16xf32>
        %scan3A_740 = arith.constant 5 : i32
        %scan3A_741 = arith.addi %scan3A_637, %scan3A_740 : i32
        %broadcast_in_dim3A_742 = vector.broadcast %scan3A_741 : i32 to vector<16xi32>
        %add3A_743 = arith.addi %broadcast_in_dim3A_742, %iota3A : vector<16xi32>
        %and3A_744 = arith.constant 127 : i32
        %and3A_745 = vector.broadcast %and3A_744 : i32 to vector<16xi32>
        %and3A_746 = arith.andi %add3A_743, %and3A_745 : vector<16xi32>
        %gather3A_747 = arith.constant 2 : i32
        %gather3A_748 = arith.constant 0 : i32
        %gather3A_749 = arith.constant 0 : i32
        %gather3A_750 = tpu.memref_slice %arg9[%gather3A_747, %gather3A_748, %gather3A_749] : memref<4x64x128xf32, #tpu.memory_space<vmem>> -> memref<1x64x128xf32, #tpu.memory_space<vmem>>
        %gather3A_751 = tpu.memref_squeeze %gather3A_750 : memref<1x64x128xf32, #tpu.memory_space<vmem>> -> memref<64x128xf32, #tpu.memory_space<vmem>>
        %gather3A_752 = tpu.vector_load_idx %gather3A_751[%add3A_624, %and3A_746] : memref<64x128xf32, #tpu.memory_space<vmem>>[vector<16xi32>, vector<16xi32>], vector<16xf32>,
        %gather3A_753 = arith.constant 2 : i32
        %gather3A_754 = arith.constant 0 : i32
        %gather3A_755 = arith.constant 0 : i32
        %gather3A_756 = tpu.memref_slice %arg10[%gather3A_753, %gather3A_754, %gather3A_755] : memref<4x64x128xf32, #tpu.memory_space<vmem>> -> memref<1x64x128xf32, #tpu.memory_space<vmem>>
        %gather3A_757 = tpu.memref_squeeze %gather3A_756 : memref<1x64x128xf32, #tpu.memory_space<vmem>> -> memref<64x128xf32, #tpu.memory_space<vmem>>
        %gather3A_758 = tpu.vector_load_idx %gather3A_757[%add3A_624, %and3A_746] : memref<64x128xf32, #tpu.memory_space<vmem>>[vector<16xi32>, vector<16xi32>], vector<16xf32>,
        %mul3A_759 = arith.mulf %gather3A_752, %gather3A_758 : vector<16xf32>
        %add3A_760 = arith.addf %add3A_739, %mul3A_759 : vector<16xf32>
        %scan3A_761 = arith.constant 6 : i32
        %scan3A_762 = arith.addi %scan3A_637, %scan3A_761 : i32
        %broadcast_in_dim3A_763 = vector.broadcast %scan3A_762 : i32 to vector<16xi32>
        %add3A_764 = arith.addi %broadcast_in_dim3A_763, %iota3A : vector<16xi32>
        %and3A_765 = arith.constant 127 : i32
        %and3A_766 = vector.broadcast %and3A_765 : i32 to vector<16xi32>
        %and3A_767 = arith.andi %add3A_764, %and3A_766 : vector<16xi32>
        %gather3A_768 = arith.constant 2 : i32
        %gather3A_769 = arith.constant 0 : i32
        %gather3A_770 = arith.constant 0 : i32
        %gather3A_771 = tpu.memref_slice %arg9[%gather3A_768, %gather3A_769, %gather3A_770] : memref<4x64x128xf32, #tpu.memory_space<vmem>> -> memref<1x64x128xf32, #tpu.memory_space<vmem>>
        %gather3A_772 = tpu.memref_squeeze %gather3A_771 : memref<1x64x128xf32, #tpu.memory_space<vmem>> -> memref<64x128xf32, #tpu.memory_space<vmem>>
        %gather3A_773 = tpu.vector_load_idx %gather3A_772[%add3A_624, %and3A_767] : memref<64x128xf32, #tpu.memory_space<vmem>>[vector<16xi32>, vector<16xi32>], vector<16xf32>,
        %gather3A_774 = arith.constant 2 : i32
        %gather3A_775 = arith.constant 0 : i32
        %gather3A_776 = arith.constant 0 : i32
        %gather3A_777 = tpu.memref_slice %arg10[%gather3A_774, %gather3A_775, %gather3A_776] : memref<4x64x128xf32, #tpu.memory_space<vmem>> -> memref<1x64x128xf32, #tpu.memory_space<vmem>>
        %gather3A_778 = tpu.memref_squeeze %gather3A_777 : memref<1x64x128xf32, #tpu.memory_space<vmem>> -> memref<64x128xf32, #tpu.memory_space<vmem>>
        %gather3A_779 = tpu.vector_load_idx %gather3A_778[%add3A_624, %and3A_767] : memref<64x128xf32, #tpu.memory_space<vmem>>[vector<16xi32>, vector<16xi32>], vector<16xf32>,
        %mul3A_780 = arith.mulf %gather3A_773, %gather3A_779 : vector<16xf32>
        %add3A_781 = arith.addf %add3A_760, %mul3A_780 : vector<16xf32>
        %scan3A_782 = arith.constant 7 : i32
        %scan3A_783 = arith.addi %scan3A_637, %scan3A_782 : i32
        %broadcast_in_dim3A_784 = vector.broadcast %scan3A_783 : i32 to vector<16xi32>
        %add3A_785 = arith.addi %broadcast_in_dim3A_784, %iota3A : vector<16xi32>
        %and3A_786 = arith.constant 127 : i32
        %and3A_787 = vector.broadcast %and3A_786 : i32 to vector<16xi32>
        %and3A_788 = arith.andi %add3A_785, %and3A_787 : vector<16xi32>
        %gather3A_789 = arith.constant 2 : i32
        %gather3A_790 = arith.constant 0 : i32
        %gather3A_791 = arith.constant 0 : i32
        %gather3A_792 = tpu.memref_slice %arg9[%gather3A_789, %gather3A_790, %gather3A_791] : memref<4x64x128xf32, #tpu.memory_space<vmem>> -> memref<1x64x128xf32, #tpu.memory_space<vmem>>
        %gather3A_793 = tpu.memref_squeeze %gather3A_792 : memref<1x64x128xf32, #tpu.memory_space<vmem>> -> memref<64x128xf32, #tpu.memory_space<vmem>>
        %gather3A_794 = tpu.vector_load_idx %gather3A_793[%add3A_624, %and3A_788] : memref<64x128xf32, #tpu.memory_space<vmem>>[vector<16xi32>, vector<16xi32>], vector<16xf32>,
        %gather3A_795 = arith.constant 2 : i32
        %gather3A_796 = arith.constant 0 : i32
        %gather3A_797 = arith.constant 0 : i32
        %gather3A_798 = tpu.memref_slice %arg10[%gather3A_795, %gather3A_796, %gather3A_797] : memref<4x64x128xf32, #tpu.memory_space<vmem>> -> memref<1x64x128xf32, #tpu.memory_space<vmem>>
        %gather3A_799 = tpu.memref_squeeze %gather3A_798 : memref<1x64x128xf32, #tpu.memory_space<vmem>> -> memref<64x128xf32, #tpu.memory_space<vmem>>
        %gather3A_800 = tpu.vector_load_idx %gather3A_799[%add3A_624, %and3A_788] : memref<64x128xf32, #tpu.memory_space<vmem>>[vector<16xi32>, vector<16xi32>], vector<16xf32>,
        %mul3A_801 = arith.mulf %gather3A_794, %gather3A_800 : vector<16xf32>
        %add3A_802 = arith.addf %add3A_781, %mul3A_801 : vector<16xf32>
        scf.yield %add3A_802 : vector<16xf32>
      }
      %scan3A_631 = arith.constant 128 : i32
      %mul3A_632 = arith.constant 16 : i32
      %mul3A_633 = arith.muli %scan3A_620, %mul3A_632 : i32
      %add3A_634 = arith.constant 128 : i32
      %add3A_635 = arith.addi %add3A_634, %mul3A_633 : i32
      %swap3A = arith.index_cast %add3A_635 : i32 to index
      %swap3A_636 = tpu.vector_load %arg11[%swap3A] {strides = array<i32>} : memref<512xf32, #tpu.memory_space<vmem>>, vector<16xf32>,
      tpu.vector_store %arg11[%swap3A], %scan3A_630 {strides = array<i32>} : memref<512xf32, #tpu.memory_space<vmem>>, vector<16xf32>,
    }
    %scan3A_316 = arith.constant 4 : i32
    %dma_start3A_317 = arith.constant 2 : i32
    %dma_start3A_318 = arith.constant 2 : i32
    %dma_start3A_319 = arith.constant 0 : i32
    %dma_start3A_320 = arith.constant 0 : i32
    %dma_start3A_321 = tpu.memref_slice %arg9[%dma_start3A_317, %dma_start3A_319, %dma_start3A_320] : memref<4x64x128xf32, #tpu.memory_space<vmem>> -> memref<1x64x128xf32, #tpu.memory_space<vmem>>
    %dma_start3A_322 = tpu.memref_squeeze %dma_start3A_321 : memref<1x64x128xf32, #tpu.memory_space<vmem>> -> memref<64x128xf32, #tpu.memory_space<vmem>>
    %dma_start3A_323 = arith.constant 384 : i32
    %dma_start3A_324 = tpu.memref_slice %arg7[%dma_start3A_323] : memref<512xi32, #tpu.memory_space<vmem>> -> memref<64xi32, #tpu.memory_space<vmem>>
    %dma_start3A_325 = arith.constant 0 : i32
    %dma_start3A_326 = arith.constant 0 : i32
    %dma_start3A_327 = tpu.memref_slice %arg4[%dma_start3A_325, %dma_start3A_326] : memref<100000x128xf32, #tpu.memory_space<hbm>> -> memref<100000x128xf32, #tpu.memory_space<hbm>>
    %dma_start3A_328 = tpu.memref_slice %arg13[%dma_start3A_318] : memref<4x!tpu.dma_semaphore, #tpu.memory_space<semaphore_mem>> -> memref<1x!tpu.dma_semaphore, #tpu.memory_space<semaphore_mem>>
    %dma_start3A_329 = tpu.memref_squeeze %dma_start3A_328 : memref<1x!tpu.dma_semaphore, #tpu.memory_space<semaphore_mem>> -> memref<!tpu.dma_semaphore, #tpu.memory_space<semaphore_mem>>
    tpu.enqueue_indirect_dma source(%dma_start3A_327 : memref<100000x128xf32, #tpu.memory_space<hbm>>) target(%dma_start3A_322 : memref<64x128xf32, #tpu.memory_space<vmem>>) offsets(%dma_start3A_324 : memref<64xi32, #tpu.memory_space<vmem>>) semaphore(%dma_start3A_329 : memref<!tpu.dma_semaphore, #tpu.memory_space<semaphore_mem>>)
    %dma_start3A_330 = arith.constant 2 : i32
    %dma_start3A_331 = arith.constant 2 : i32
    %dma_start3A_332 = arith.constant 0 : i32
    %dma_start3A_333 = arith.constant 0 : i32
    %dma_start3A_334 = tpu.memref_slice %arg10[%dma_start3A_330, %dma_start3A_332, %dma_start3A_333] : memref<4x64x128xf32, #tpu.memory_space<vmem>> -> memref<1x64x128xf32, #tpu.memory_space<vmem>>
    %dma_start3A_335 = tpu.memref_squeeze %dma_start3A_334 : memref<1x64x128xf32, #tpu.memory_space<vmem>> -> memref<64x128xf32, #tpu.memory_space<vmem>>
    %dma_start3A_336 = arith.constant 384 : i32
    %dma_start3A_337 = tpu.memref_slice %arg8[%dma_start3A_336] : memref<512xi32, #tpu.memory_space<vmem>> -> memref<64xi32, #tpu.memory_space<vmem>>
    %dma_start3A_338 = arith.constant 0 : i32
    %dma_start3A_339 = arith.constant 0 : i32
    %dma_start3A_340 = tpu.memref_slice %arg5[%dma_start3A_338, %dma_start3A_339] : memref<100000x128xf32, #tpu.memory_space<hbm>> -> memref<100000x128xf32, #tpu.memory_space<hbm>>
    %dma_start3A_341 = tpu.memref_slice %arg14[%dma_start3A_331] : memref<4x!tpu.dma_semaphore, #tpu.memory_space<semaphore_mem>> -> memref<1x!tpu.dma_semaphore, #tpu.memory_space<semaphore_mem>>
    %dma_start3A_342 = tpu.memref_squeeze %dma_start3A_341 : memref<1x!tpu.dma_semaphore, #tpu.memory_space<semaphore_mem>> -> memref<!tpu.dma_semaphore, #tpu.memory_space<semaphore_mem>>
    tpu.enqueue_indirect_dma source(%dma_start3A_340 : memref<100000x128xf32, #tpu.memory_space<hbm>>) target(%dma_start3A_335 : memref<64x128xf32, #tpu.memory_space<vmem>>) offsets(%dma_start3A_337 : memref<64xi32, #tpu.memory_space<vmem>>) semaphore(%dma_start3A_342 : memref<!tpu.dma_semaphore, #tpu.memory_space<semaphore_mem>>)
    %add3A_343 = arith.constant 128 : i32
    %add3A_344 = arith.addi %mul3A_2, %add3A_343 : i32
    %dma_start3A_345 = arith.constant 128 : i32
    %dma_start3A_346 = tpu.memref_slice %arg11[%dma_start3A_345] : memref<512xf32, #tpu.memory_space<vmem>> -> memref<64xf32, #tpu.memory_space<vmem>>
    %dma_start3A_347 = tpu.memref_slice %arg6[%add3A_344] : memref<16384xf32, #tpu.memory_space<hbm>> -> memref<64xf32, #tpu.memory_space<hbm>>
    %dma_start3A_348 = tpu.memref_slice %arg6[%add3A_344] : memref<16384xf32, #tpu.memory_space<hbm>> -> memref<64xf32, #tpu.memory_space<hbm>>
    %dma_start3A_349 = arith.constant 128 : i32
    %dma_start3A_350 = tpu.memref_slice %arg11[%dma_start3A_349] : memref<512xf32, #tpu.memory_space<vmem>> -> memref<64xf32, #tpu.memory_space<vmem>>
    tpu.enqueue_dma source(%dma_start3A_350 : memref<64xf32, #tpu.memory_space<vmem>>) target(%dma_start3A_348 : memref<64xf32, #tpu.memory_space<hbm>>) target_semaphore(%arg15 : memref<!tpu.dma_semaphore, #tpu.memory_space<semaphore_mem>>)
    %dma_wait3A_351 = arith.constant 3 : i32
    %dma_wait3A_352 = arith.constant 3 : i32
    %dma_wait3A_353 = arith.constant 0 : i32
    %dma_wait3A_354 = arith.constant 0 : i32
    %dma_wait3A_355 = tpu.memref_slice %arg9[%dma_wait3A_351, %dma_wait3A_353, %dma_wait3A_354] : memref<4x64x128xf32, #tpu.memory_space<vmem>> -> memref<1x64x128xf32, #tpu.memory_space<vmem>>
    %dma_wait3A_356 = tpu.memref_squeeze %dma_wait3A_355 : memref<1x64x128xf32, #tpu.memory_space<vmem>> -> memref<64x128xf32, #tpu.memory_space<vmem>>
    %dma_wait3A_357 = arith.constant 192 : i32
    %dma_wait3A_358 = tpu.memref_slice %arg7[%dma_wait3A_357] : memref<512xi32, #tpu.memory_space<vmem>> -> memref<64xi32, #tpu.memory_space<vmem>>
    %dma_wait3A_359 = arith.constant 0 : i32
    %dma_wait3A_360 = arith.constant 0 : i32
    %dma_wait3A_361 = tpu.memref_slice %arg4[%dma_wait3A_359, %dma_wait3A_360] : memref<100000x128xf32, #tpu.memory_space<hbm>> -> memref<100000x128xf32, #tpu.memory_space<hbm>>
    %dma_wait3A_362 = tpu.memref_slice %arg13[%dma_wait3A_352] : memref<4x!tpu.dma_semaphore, #tpu.memory_space<semaphore_mem>> -> memref<1x!tpu.dma_semaphore, #tpu.memory_space<semaphore_mem>>
    %dma_wait3A_363 = tpu.memref_squeeze %dma_wait3A_362 : memref<1x!tpu.dma_semaphore, #tpu.memory_space<semaphore_mem>> -> memref<!tpu.dma_semaphore, #tpu.memory_space<semaphore_mem>>
    tpu.wait_indirect_dma semaphore(%dma_wait3A_363 : memref<!tpu.dma_semaphore, #tpu.memory_space<semaphore_mem>>) src(%dma_wait3A_361 : memref<100000x128xf32, #tpu.memory_space<hbm>>) dst(%dma_wait3A_356 : memref<64x128xf32, #tpu.memory_space<vmem>>)
    %dma_wait3A_364 = arith.constant 3 : i32
    %dma_wait3A_365 = arith.constant 3 : i32
    %dma_wait3A_366 = arith.constant 0 : i32
    %dma_wait3A_367 = arith.constant 0 : i32
    %dma_wait3A_368 = tpu.memref_slice %arg10[%dma_wait3A_364, %dma_wait3A_366, %dma_wait3A_367] : memref<4x64x128xf32, #tpu.memory_space<vmem>> -> memref<1x64x128xf32, #tpu.memory_space<vmem>>
    %dma_wait3A_369 = tpu.memref_squeeze %dma_wait3A_368 : memref<1x64x128xf32, #tpu.memory_space<vmem>> -> memref<64x128xf32, #tpu.memory_space<vmem>>
    %dma_wait3A_370 = arith.constant 192 : i32
    %dma_wait3A_371 = tpu.memref_slice %arg8[%dma_wait3A_370] : memref<512xi32, #tpu.memory_space<vmem>> -> memref<64xi32, #tpu.memory_space<vmem>>
    %dma_wait3A_372 = arith.constant 0 : i32
    %dma_wait3A_373 = arith.constant 0 : i32
    %dma_wait3A_374 = tpu.memref_slice %arg5[%dma_wait3A_372, %dma_wait3A_373] : memref<100000x128xf32, #tpu.memory_space<hbm>> -> memref<100000x128xf32, #tpu.memory_space<hbm>>
    %dma_wait3A_375 = tpu.memref_slice %arg14[%dma_wait3A_365] : memref<4x!tpu.dma_semaphore, #tpu.memory_space<semaphore_mem>> -> memref<1x!tpu.dma_semaphore, #tpu.memory_space<semaphore_mem>>
    %dma_wait3A_376 = tpu.memref_squeeze %dma_wait3A_375 : memref<1x!tpu.dma_semaphore, #tpu.memory_space<semaphore_mem>> -> memref<!tpu.dma_semaphore, #tpu.memory_space<semaphore_mem>>
    tpu.wait_indirect_dma semaphore(%dma_wait3A_376 : memref<!tpu.dma_semaphore, #tpu.memory_space<semaphore_mem>>) src(%dma_wait3A_374 : memref<100000x128xf32, #tpu.memory_space<hbm>>) dst(%dma_wait3A_369 : memref<64x128xf32, #tpu.memory_space<vmem>>)
    %scan3A_377 = arith.constant 0 : i32
    %scan3A_378 = arith.constant 4 : i32
    %scan3A_379 = arith.addi %scan3A_377, %scan3A_378 : i32
    %scan3A_380 = arith.constant 1 : i32
    scf.for %scan3A_620 = %scan3A_377 to %scan3A_379 step %scan3A_380  : i32 {
      %mul3A_621 = arith.constant 16 : i32
      %mul3A_622 = arith.muli %scan3A_620, %mul3A_621 : i32
      %add3A_623 = vector.broadcast %mul3A_622 : i32 to vector<16xi32>
      %add3A_624 = arith.addi %add3A_623, %iota3A : vector<16xi32>
      %broadcast_in_dim3A = arith.constant 0.000000e+00 : f32
      %broadcast_in_dim3A_625 = vector.broadcast %broadcast_in_dim3A : f32 to vector<16xf32>
      %scan3A_626 = arith.constant 0 : i32
      %scan3A_627 = arith.constant 128 : i32
      %scan3A_628 = arith.addi %scan3A_626, %scan3A_627 : i32
      %scan3A_629 = arith.constant 8 : i32
      %scan3A_630 = scf.for %scan3A_637 = %scan3A_626 to %scan3A_628 step %scan3A_629 iter_args(%scan3A_638 = %broadcast_in_dim3A_625) -> (vector<16xf32>)  : i32 {
        %broadcast_in_dim3A_639 = vector.broadcast %scan3A_637 : i32 to vector<16xi32>
        %add3A_640 = arith.addi %broadcast_in_dim3A_639, %iota3A : vector<16xi32>
        %and3A = arith.constant 127 : i32
        %and3A_641 = vector.broadcast %and3A : i32 to vector<16xi32>
        %and3A_642 = arith.andi %add3A_640, %and3A_641 : vector<16xi32>
        %gather3A = arith.constant 3 : i32
        %gather3A_643 = arith.constant 0 : i32
        %gather3A_644 = arith.constant 0 : i32
        %gather3A_645 = tpu.memref_slice %arg9[%gather3A, %gather3A_643, %gather3A_644] : memref<4x64x128xf32, #tpu.memory_space<vmem>> -> memref<1x64x128xf32, #tpu.memory_space<vmem>>
        %gather3A_646 = tpu.memref_squeeze %gather3A_645 : memref<1x64x128xf32, #tpu.memory_space<vmem>> -> memref<64x128xf32, #tpu.memory_space<vmem>>
        %gather3A_647 = tpu.vector_load_idx %gather3A_646[%add3A_624, %and3A_642] : memref<64x128xf32, #tpu.memory_space<vmem>>[vector<16xi32>, vector<16xi32>], vector<16xf32>,
        %gather3A_648 = arith.constant 3 : i32
        %gather3A_649 = arith.constant 0 : i32
        %gather3A_650 = arith.constant 0 : i32
        %gather3A_651 = tpu.memref_slice %arg10[%gather3A_648, %gather3A_649, %gather3A_650] : memref<4x64x128xf32, #tpu.memory_space<vmem>> -> memref<1x64x128xf32, #tpu.memory_space<vmem>>
        %gather3A_652 = tpu.memref_squeeze %gather3A_651 : memref<1x64x128xf32, #tpu.memory_space<vmem>> -> memref<64x128xf32, #tpu.memory_space<vmem>>
        %gather3A_653 = tpu.vector_load_idx %gather3A_652[%add3A_624, %and3A_642] : memref<64x128xf32, #tpu.memory_space<vmem>>[vector<16xi32>, vector<16xi32>], vector<16xf32>,
        %mul3A_654 = arith.mulf %gather3A_647, %gather3A_653 : vector<16xf32>
        %add3A_655 = arith.addf %scan3A_638, %mul3A_654 : vector<16xf32>
        %scan3A_656 = arith.constant 1 : i32
        %scan3A_657 = arith.addi %scan3A_637, %scan3A_656 : i32
        %broadcast_in_dim3A_658 = vector.broadcast %scan3A_657 : i32 to vector<16xi32>
        %add3A_659 = arith.addi %broadcast_in_dim3A_658, %iota3A : vector<16xi32>
        %and3A_660 = arith.constant 127 : i32
        %and3A_661 = vector.broadcast %and3A_660 : i32 to vector<16xi32>
        %and3A_662 = arith.andi %add3A_659, %and3A_661 : vector<16xi32>
        %gather3A_663 = arith.constant 3 : i32
        %gather3A_664 = arith.constant 0 : i32
        %gather3A_665 = arith.constant 0 : i32
        %gather3A_666 = tpu.memref_slice %arg9[%gather3A_663, %gather3A_664, %gather3A_665] : memref<4x64x128xf32, #tpu.memory_space<vmem>> -> memref<1x64x128xf32, #tpu.memory_space<vmem>>
        %gather3A_667 = tpu.memref_squeeze %gather3A_666 : memref<1x64x128xf32, #tpu.memory_space<vmem>> -> memref<64x128xf32, #tpu.memory_space<vmem>>
        %gather3A_668 = tpu.vector_load_idx %gather3A_667[%add3A_624, %and3A_662] : memref<64x128xf32, #tpu.memory_space<vmem>>[vector<16xi32>, vector<16xi32>], vector<16xf32>,
        %gather3A_669 = arith.constant 3 : i32
        %gather3A_670 = arith.constant 0 : i32
        %gather3A_671 = arith.constant 0 : i32
        %gather3A_672 = tpu.memref_slice %arg10[%gather3A_669, %gather3A_670, %gather3A_671] : memref<4x64x128xf32, #tpu.memory_space<vmem>> -> memref<1x64x128xf32, #tpu.memory_space<vmem>>
        %gather3A_673 = tpu.memref_squeeze %gather3A_672 : memref<1x64x128xf32, #tpu.memory_space<vmem>> -> memref<64x128xf32, #tpu.memory_space<vmem>>
        %gather3A_674 = tpu.vector_load_idx %gather3A_673[%add3A_624, %and3A_662] : memref<64x128xf32, #tpu.memory_space<vmem>>[vector<16xi32>, vector<16xi32>], vector<16xf32>,
        %mul3A_675 = arith.mulf %gather3A_668, %gather3A_674 : vector<16xf32>
        %add3A_676 = arith.addf %add3A_655, %mul3A_675 : vector<16xf32>
        %scan3A_677 = arith.constant 2 : i32
        %scan3A_678 = arith.addi %scan3A_637, %scan3A_677 : i32
        %broadcast_in_dim3A_679 = vector.broadcast %scan3A_678 : i32 to vector<16xi32>
        %add3A_680 = arith.addi %broadcast_in_dim3A_679, %iota3A : vector<16xi32>
        %and3A_681 = arith.constant 127 : i32
        %and3A_682 = vector.broadcast %and3A_681 : i32 to vector<16xi32>
        %and3A_683 = arith.andi %add3A_680, %and3A_682 : vector<16xi32>
        %gather3A_684 = arith.constant 3 : i32
        %gather3A_685 = arith.constant 0 : i32
        %gather3A_686 = arith.constant 0 : i32
        %gather3A_687 = tpu.memref_slice %arg9[%gather3A_684, %gather3A_685, %gather3A_686] : memref<4x64x128xf32, #tpu.memory_space<vmem>> -> memref<1x64x128xf32, #tpu.memory_space<vmem>>
        %gather3A_688 = tpu.memref_squeeze %gather3A_687 : memref<1x64x128xf32, #tpu.memory_space<vmem>> -> memref<64x128xf32, #tpu.memory_space<vmem>>
        %gather3A_689 = tpu.vector_load_idx %gather3A_688[%add3A_624, %and3A_683] : memref<64x128xf32, #tpu.memory_space<vmem>>[vector<16xi32>, vector<16xi32>], vector<16xf32>,
        %gather3A_690 = arith.constant 3 : i32
        %gather3A_691 = arith.constant 0 : i32
        %gather3A_692 = arith.constant 0 : i32
        %gather3A_693 = tpu.memref_slice %arg10[%gather3A_690, %gather3A_691, %gather3A_692] : memref<4x64x128xf32, #tpu.memory_space<vmem>> -> memref<1x64x128xf32, #tpu.memory_space<vmem>>
        %gather3A_694 = tpu.memref_squeeze %gather3A_693 : memref<1x64x128xf32, #tpu.memory_space<vmem>> -> memref<64x128xf32, #tpu.memory_space<vmem>>
        %gather3A_695 = tpu.vector_load_idx %gather3A_694[%add3A_624, %and3A_683] : memref<64x128xf32, #tpu.memory_space<vmem>>[vector<16xi32>, vector<16xi32>], vector<16xf32>,
        %mul3A_696 = arith.mulf %gather3A_689, %gather3A_695 : vector<16xf32>
        %add3A_697 = arith.addf %add3A_676, %mul3A_696 : vector<16xf32>
        %scan3A_698 = arith.constant 3 : i32
        %scan3A_699 = arith.addi %scan3A_637, %scan3A_698 : i32
        %broadcast_in_dim3A_700 = vector.broadcast %scan3A_699 : i32 to vector<16xi32>
        %add3A_701 = arith.addi %broadcast_in_dim3A_700, %iota3A : vector<16xi32>
        %and3A_702 = arith.constant 127 : i32
        %and3A_703 = vector.broadcast %and3A_702 : i32 to vector<16xi32>
        %and3A_704 = arith.andi %add3A_701, %and3A_703 : vector<16xi32>
        %gather3A_705 = arith.constant 3 : i32
        %gather3A_706 = arith.constant 0 : i32
        %gather3A_707 = arith.constant 0 : i32
        %gather3A_708 = tpu.memref_slice %arg9[%gather3A_705, %gather3A_706, %gather3A_707] : memref<4x64x128xf32, #tpu.memory_space<vmem>> -> memref<1x64x128xf32, #tpu.memory_space<vmem>>
        %gather3A_709 = tpu.memref_squeeze %gather3A_708 : memref<1x64x128xf32, #tpu.memory_space<vmem>> -> memref<64x128xf32, #tpu.memory_space<vmem>>
        %gather3A_710 = tpu.vector_load_idx %gather3A_709[%add3A_624, %and3A_704] : memref<64x128xf32, #tpu.memory_space<vmem>>[vector<16xi32>, vector<16xi32>], vector<16xf32>,
        %gather3A_711 = arith.constant 3 : i32
        %gather3A_712 = arith.constant 0 : i32
        %gather3A_713 = arith.constant 0 : i32
        %gather3A_714 = tpu.memref_slice %arg10[%gather3A_711, %gather3A_712, %gather3A_713] : memref<4x64x128xf32, #tpu.memory_space<vmem>> -> memref<1x64x128xf32, #tpu.memory_space<vmem>>
        %gather3A_715 = tpu.memref_squeeze %gather3A_714 : memref<1x64x128xf32, #tpu.memory_space<vmem>> -> memref<64x128xf32, #tpu.memory_space<vmem>>
        %gather3A_716 = tpu.vector_load_idx %gather3A_715[%add3A_624, %and3A_704] : memref<64x128xf32, #tpu.memory_space<vmem>>[vector<16xi32>, vector<16xi32>], vector<16xf32>,
        %mul3A_717 = arith.mulf %gather3A_710, %gather3A_716 : vector<16xf32>
        %add3A_718 = arith.addf %add3A_697, %mul3A_717 : vector<16xf32>
        %scan3A_719 = arith.constant 4 : i32
        %scan3A_720 = arith.addi %scan3A_637, %scan3A_719 : i32
        %broadcast_in_dim3A_721 = vector.broadcast %scan3A_720 : i32 to vector<16xi32>
        %add3A_722 = arith.addi %broadcast_in_dim3A_721, %iota3A : vector<16xi32>
        %and3A_723 = arith.constant 127 : i32
        %and3A_724 = vector.broadcast %and3A_723 : i32 to vector<16xi32>
        %and3A_725 = arith.andi %add3A_722, %and3A_724 : vector<16xi32>
        %gather3A_726 = arith.constant 3 : i32
        %gather3A_727 = arith.constant 0 : i32
        %gather3A_728 = arith.constant 0 : i32
        %gather3A_729 = tpu.memref_slice %arg9[%gather3A_726, %gather3A_727, %gather3A_728] : memref<4x64x128xf32, #tpu.memory_space<vmem>> -> memref<1x64x128xf32, #tpu.memory_space<vmem>>
        %gather3A_730 = tpu.memref_squeeze %gather3A_729 : memref<1x64x128xf32, #tpu.memory_space<vmem>> -> memref<64x128xf32, #tpu.memory_space<vmem>>
        %gather3A_731 = tpu.vector_load_idx %gather3A_730[%add3A_624, %and3A_725] : memref<64x128xf32, #tpu.memory_space<vmem>>[vector<16xi32>, vector<16xi32>], vector<16xf32>,
        %gather3A_732 = arith.constant 3 : i32
        %gather3A_733 = arith.constant 0 : i32
        %gather3A_734 = arith.constant 0 : i32
        %gather3A_735 = tpu.memref_slice %arg10[%gather3A_732, %gather3A_733, %gather3A_734] : memref<4x64x128xf32, #tpu.memory_space<vmem>> -> memref<1x64x128xf32, #tpu.memory_space<vmem>>
        %gather3A_736 = tpu.memref_squeeze %gather3A_735 : memref<1x64x128xf32, #tpu.memory_space<vmem>> -> memref<64x128xf32, #tpu.memory_space<vmem>>
        %gather3A_737 = tpu.vector_load_idx %gather3A_736[%add3A_624, %and3A_725] : memref<64x128xf32, #tpu.memory_space<vmem>>[vector<16xi32>, vector<16xi32>], vector<16xf32>,
        %mul3A_738 = arith.mulf %gather3A_731, %gather3A_737 : vector<16xf32>
        %add3A_739 = arith.addf %add3A_718, %mul3A_738 : vector<16xf32>
        %scan3A_740 = arith.constant 5 : i32
        %scan3A_741 = arith.addi %scan3A_637, %scan3A_740 : i32
        %broadcast_in_dim3A_742 = vector.broadcast %scan3A_741 : i32 to vector<16xi32>
        %add3A_743 = arith.addi %broadcast_in_dim3A_742, %iota3A : vector<16xi32>
        %and3A_744 = arith.constant 127 : i32
        %and3A_745 = vector.broadcast %and3A_744 : i32 to vector<16xi32>
        %and3A_746 = arith.andi %add3A_743, %and3A_745 : vector<16xi32>
        %gather3A_747 = arith.constant 3 : i32
        %gather3A_748 = arith.constant 0 : i32
        %gather3A_749 = arith.constant 0 : i32
        %gather3A_750 = tpu.memref_slice %arg9[%gather3A_747, %gather3A_748, %gather3A_749] : memref<4x64x128xf32, #tpu.memory_space<vmem>> -> memref<1x64x128xf32, #tpu.memory_space<vmem>>
        %gather3A_751 = tpu.memref_squeeze %gather3A_750 : memref<1x64x128xf32, #tpu.memory_space<vmem>> -> memref<64x128xf32, #tpu.memory_space<vmem>>
        %gather3A_752 = tpu.vector_load_idx %gather3A_751[%add3A_624, %and3A_746] : memref<64x128xf32, #tpu.memory_space<vmem>>[vector<16xi32>, vector<16xi32>], vector<16xf32>,
        %gather3A_753 = arith.constant 3 : i32
        %gather3A_754 = arith.constant 0 : i32
        %gather3A_755 = arith.constant 0 : i32
        %gather3A_756 = tpu.memref_slice %arg10[%gather3A_753, %gather3A_754, %gather3A_755] : memref<4x64x128xf32, #tpu.memory_space<vmem>> -> memref<1x64x128xf32, #tpu.memory_space<vmem>>
        %gather3A_757 = tpu.memref_squeeze %gather3A_756 : memref<1x64x128xf32, #tpu.memory_space<vmem>> -> memref<64x128xf32, #tpu.memory_space<vmem>>
        %gather3A_758 = tpu.vector_load_idx %gather3A_757[%add3A_624, %and3A_746] : memref<64x128xf32, #tpu.memory_space<vmem>>[vector<16xi32>, vector<16xi32>], vector<16xf32>,
        %mul3A_759 = arith.mulf %gather3A_752, %gather3A_758 : vector<16xf32>
        %add3A_760 = arith.addf %add3A_739, %mul3A_759 : vector<16xf32>
        %scan3A_761 = arith.constant 6 : i32
        %scan3A_762 = arith.addi %scan3A_637, %scan3A_761 : i32
        %broadcast_in_dim3A_763 = vector.broadcast %scan3A_762 : i32 to vector<16xi32>
        %add3A_764 = arith.addi %broadcast_in_dim3A_763, %iota3A : vector<16xi32>
        %and3A_765 = arith.constant 127 : i32
        %and3A_766 = vector.broadcast %and3A_765 : i32 to vector<16xi32>
        %and3A_767 = arith.andi %add3A_764, %and3A_766 : vector<16xi32>
        %gather3A_768 = arith.constant 3 : i32
        %gather3A_769 = arith.constant 0 : i32
        %gather3A_770 = arith.constant 0 : i32
        %gather3A_771 = tpu.memref_slice %arg9[%gather3A_768, %gather3A_769, %gather3A_770] : memref<4x64x128xf32, #tpu.memory_space<vmem>> -> memref<1x64x128xf32, #tpu.memory_space<vmem>>
        %gather3A_772 = tpu.memref_squeeze %gather3A_771 : memref<1x64x128xf32, #tpu.memory_space<vmem>> -> memref<64x128xf32, #tpu.memory_space<vmem>>
        %gather3A_773 = tpu.vector_load_idx %gather3A_772[%add3A_624, %and3A_767] : memref<64x128xf32, #tpu.memory_space<vmem>>[vector<16xi32>, vector<16xi32>], vector<16xf32>,
        %gather3A_774 = arith.constant 3 : i32
        %gather3A_775 = arith.constant 0 : i32
        %gather3A_776 = arith.constant 0 : i32
        %gather3A_777 = tpu.memref_slice %arg10[%gather3A_774, %gather3A_775, %gather3A_776] : memref<4x64x128xf32, #tpu.memory_space<vmem>> -> memref<1x64x128xf32, #tpu.memory_space<vmem>>
        %gather3A_778 = tpu.memref_squeeze %gather3A_777 : memref<1x64x128xf32, #tpu.memory_space<vmem>> -> memref<64x128xf32, #tpu.memory_space<vmem>>
        %gather3A_779 = tpu.vector_load_idx %gather3A_778[%add3A_624, %and3A_767] : memref<64x128xf32, #tpu.memory_space<vmem>>[vector<16xi32>, vector<16xi32>], vector<16xf32>,
        %mul3A_780 = arith.mulf %gather3A_773, %gather3A_779 : vector<16xf32>
        %add3A_781 = arith.addf %add3A_760, %mul3A_780 : vector<16xf32>
        %scan3A_782 = arith.constant 7 : i32
        %scan3A_783 = arith.addi %scan3A_637, %scan3A_782 : i32
        %broadcast_in_dim3A_784 = vector.broadcast %scan3A_783 : i32 to vector<16xi32>
        %add3A_785 = arith.addi %broadcast_in_dim3A_784, %iota3A : vector<16xi32>
        %and3A_786 = arith.constant 127 : i32
        %and3A_787 = vector.broadcast %and3A_786 : i32 to vector<16xi32>
        %and3A_788 = arith.andi %add3A_785, %and3A_787 : vector<16xi32>
        %gather3A_789 = arith.constant 3 : i32
        %gather3A_790 = arith.constant 0 : i32
        %gather3A_791 = arith.constant 0 : i32
        %gather3A_792 = tpu.memref_slice %arg9[%gather3A_789, %gather3A_790, %gather3A_791] : memref<4x64x128xf32, #tpu.memory_space<vmem>> -> memref<1x64x128xf32, #tpu.memory_space<vmem>>
        %gather3A_793 = tpu.memref_squeeze %gather3A_792 : memref<1x64x128xf32, #tpu.memory_space<vmem>> -> memref<64x128xf32, #tpu.memory_space<vmem>>
        %gather3A_794 = tpu.vector_load_idx %gather3A_793[%add3A_624, %and3A_788] : memref<64x128xf32, #tpu.memory_space<vmem>>[vector<16xi32>, vector<16xi32>], vector<16xf32>,
        %gather3A_795 = arith.constant 3 : i32
        %gather3A_796 = arith.constant 0 : i32
        %gather3A_797 = arith.constant 0 : i32
        %gather3A_798 = tpu.memref_slice %arg10[%gather3A_795, %gather3A_796, %gather3A_797] : memref<4x64x128xf32, #tpu.memory_space<vmem>> -> memref<1x64x128xf32, #tpu.memory_space<vmem>>
        %gather3A_799 = tpu.memref_squeeze %gather3A_798 : memref<1x64x128xf32, #tpu.memory_space<vmem>> -> memref<64x128xf32, #tpu.memory_space<vmem>>
        %gather3A_800 = tpu.vector_load_idx %gather3A_799[%add3A_624, %and3A_788] : memref<64x128xf32, #tpu.memory_space<vmem>>[vector<16xi32>, vector<16xi32>], vector<16xf32>,
        %mul3A_801 = arith.mulf %gather3A_794, %gather3A_800 : vector<16xf32>
        %add3A_802 = arith.addf %add3A_781, %mul3A_801 : vector<16xf32>
        scf.yield %add3A_802 : vector<16xf32>
      }
      %scan3A_631 = arith.constant 128 : i32
      %mul3A_632 = arith.constant 16 : i32
      %mul3A_633 = arith.muli %scan3A_620, %mul3A_632 : i32
      %add3A_634 = arith.constant 192 : i32
      %add3A_635 = arith.addi %add3A_634, %mul3A_633 : i32
      %swap3A = arith.index_cast %add3A_635 : i32 to index
      %swap3A_636 = tpu.vector_load %arg11[%swap3A] {strides = array<i32>} : memref<512xf32, #tpu.memory_space<vmem>>, vector<16xf32>,
      tpu.vector_store %arg11[%swap3A], %scan3A_630 {strides = array<i32>} : memref<512xf32, #tpu.memory_space<vmem>>, vector<16xf32>,
    }
    %scan3A_381 = arith.constant 4 : i32
    %dma_start3A_382 = arith.constant 3 : i32
    %dma_start3A_383 = arith.constant 3 : i32
    %dma_start3A_384 = arith.constant 0 : i32
    %dma_start3A_385 = arith.constant 0 : i32
    %dma_start3A_386 = tpu.memref_slice %arg9[%dma_start3A_382, %dma_start3A_384, %dma_start3A_385] : memref<4x64x128xf32, #tpu.memory_space<vmem>> -> memref<1x64x128xf32, #tpu.memory_space<vmem>>
    %dma_start3A_387 = tpu.memref_squeeze %dma_start3A_386 : memref<1x64x128xf32, #tpu.memory_space<vmem>> -> memref<64x128xf32, #tpu.memory_space<vmem>>
    %dma_start3A_388 = arith.constant 448 : i32
    %dma_start3A_389 = tpu.memref_slice %arg7[%dma_start3A_388] : memref<512xi32, #tpu.memory_space<vmem>> -> memref<64xi32, #tpu.memory_space<vmem>>
    %dma_start3A_390 = arith.constant 0 : i32
    %dma_start3A_391 = arith.constant 0 : i32
    %dma_start3A_392 = tpu.memref_slice %arg4[%dma_start3A_390, %dma_start3A_391] : memref<100000x128xf32, #tpu.memory_space<hbm>> -> memref<100000x128xf32, #tpu.memory_space<hbm>>
    %dma_start3A_393 = tpu.memref_slice %arg13[%dma_start3A_383] : memref<4x!tpu.dma_semaphore, #tpu.memory_space<semaphore_mem>> -> memref<1x!tpu.dma_semaphore, #tpu.memory_space<semaphore_mem>>
    %dma_start3A_394 = tpu.memref_squeeze %dma_start3A_393 : memref<1x!tpu.dma_semaphore, #tpu.memory_space<semaphore_mem>> -> memref<!tpu.dma_semaphore, #tpu.memory_space<semaphore_mem>>
    tpu.enqueue_indirect_dma source(%dma_start3A_392 : memref<100000x128xf32, #tpu.memory_space<hbm>>) target(%dma_start3A_387 : memref<64x128xf32, #tpu.memory_space<vmem>>) offsets(%dma_start3A_389 : memref<64xi32, #tpu.memory_space<vmem>>) semaphore(%dma_start3A_394 : memref<!tpu.dma_semaphore, #tpu.memory_space<semaphore_mem>>)
    %dma_start3A_395 = arith.constant 3 : i32
    %dma_start3A_396 = arith.constant 3 : i32
    %dma_start3A_397 = arith.constant 0 : i32
    %dma_start3A_398 = arith.constant 0 : i32
    %dma_start3A_399 = tpu.memref_slice %arg10[%dma_start3A_395, %dma_start3A_397, %dma_start3A_398] : memref<4x64x128xf32, #tpu.memory_space<vmem>> -> memref<1x64x128xf32, #tpu.memory_space<vmem>>
    %dma_start3A_400 = tpu.memref_squeeze %dma_start3A_399 : memref<1x64x128xf32, #tpu.memory_space<vmem>> -> memref<64x128xf32, #tpu.memory_space<vmem>>
    %dma_start3A_401 = arith.constant 448 : i32
    %dma_start3A_402 = tpu.memref_slice %arg8[%dma_start3A_401] : memref<512xi32, #tpu.memory_space<vmem>> -> memref<64xi32, #tpu.memory_space<vmem>>
    %dma_start3A_403 = arith.constant 0 : i32
    %dma_start3A_404 = arith.constant 0 : i32
    %dma_start3A_405 = tpu.memref_slice %arg5[%dma_start3A_403, %dma_start3A_404] : memref<100000x128xf32, #tpu.memory_space<hbm>> -> memref<100000x128xf32, #tpu.memory_space<hbm>>
    %dma_start3A_406 = tpu.memref_slice %arg14[%dma_start3A_396] : memref<4x!tpu.dma_semaphore, #tpu.memory_space<semaphore_mem>> -> memref<1x!tpu.dma_semaphore, #tpu.memory_space<semaphore_mem>>
    %dma_start3A_407 = tpu.memref_squeeze %dma_start3A_406 : memref<1x!tpu.dma_semaphore, #tpu.memory_space<semaphore_mem>> -> memref<!tpu.dma_semaphore, #tpu.memory_space<semaphore_mem>>
    tpu.enqueue_indirect_dma source(%dma_start3A_405 : memref<100000x128xf32, #tpu.memory_space<hbm>>) target(%dma_start3A_400 : memref<64x128xf32, #tpu.memory_space<vmem>>) offsets(%dma_start3A_402 : memref<64xi32, #tpu.memory_space<vmem>>) semaphore(%dma_start3A_407 : memref<!tpu.dma_semaphore, #tpu.memory_space<semaphore_mem>>)
    %add3A_408 = arith.constant 192 : i32
    %add3A_409 = arith.addi %mul3A_2, %add3A_408 : i32
    %dma_start3A_410 = arith.constant 192 : i32
    %dma_start3A_411 = tpu.memref_slice %arg11[%dma_start3A_410] : memref<512xf32, #tpu.memory_space<vmem>> -> memref<64xf32, #tpu.memory_space<vmem>>
    %dma_start3A_412 = tpu.memref_slice %arg6[%add3A_409] : memref<16384xf32, #tpu.memory_space<hbm>> -> memref<64xf32, #tpu.memory_space<hbm>>
    %dma_start3A_413 = tpu.memref_slice %arg6[%add3A_409] : memref<16384xf32, #tpu.memory_space<hbm>> -> memref<64xf32, #tpu.memory_space<hbm>>
    %dma_start3A_414 = arith.constant 192 : i32
    %dma_start3A_415 = tpu.memref_slice %arg11[%dma_start3A_414] : memref<512xf32, #tpu.memory_space<vmem>> -> memref<64xf32, #tpu.memory_space<vmem>>
    tpu.enqueue_dma source(%dma_start3A_415 : memref<64xf32, #tpu.memory_space<vmem>>) target(%dma_start3A_413 : memref<64xf32, #tpu.memory_space<hbm>>) target_semaphore(%arg15 : memref<!tpu.dma_semaphore, #tpu.memory_space<semaphore_mem>>)
    %dma_wait3A_416 = arith.constant 0 : i32
    %dma_wait3A_417 = arith.constant 0 : i32
    %dma_wait3A_418 = arith.constant 0 : i32
    %dma_wait3A_419 = arith.constant 0 : i32
    %dma_wait3A_420 = tpu.memref_slice %arg9[%dma_wait3A_416, %dma_wait3A_418, %dma_wait3A_419] : memref<4x64x128xf32, #tpu.memory_space<vmem>> -> memref<1x64x128xf32, #tpu.memory_space<vmem>>
    %dma_wait3A_421 = tpu.memref_squeeze %dma_wait3A_420 : memref<1x64x128xf32, #tpu.memory_space<vmem>> -> memref<64x128xf32, #tpu.memory_space<vmem>>
    %dma_wait3A_422 = arith.constant 256 : i32
    %dma_wait3A_423 = tpu.memref_slice %arg7[%dma_wait3A_422] : memref<512xi32, #tpu.memory_space<vmem>> -> memref<64xi32, #tpu.memory_space<vmem>>
    %dma_wait3A_424 = arith.constant 0 : i32
    %dma_wait3A_425 = arith.constant 0 : i32
    %dma_wait3A_426 = tpu.memref_slice %arg4[%dma_wait3A_424, %dma_wait3A_425] : memref<100000x128xf32, #tpu.memory_space<hbm>> -> memref<100000x128xf32, #tpu.memory_space<hbm>>
    %dma_wait3A_427 = tpu.memref_slice %arg13[%dma_wait3A_417] : memref<4x!tpu.dma_semaphore, #tpu.memory_space<semaphore_mem>> -> memref<1x!tpu.dma_semaphore, #tpu.memory_space<semaphore_mem>>
    %dma_wait3A_428 = tpu.memref_squeeze %dma_wait3A_427 : memref<1x!tpu.dma_semaphore, #tpu.memory_space<semaphore_mem>> -> memref<!tpu.dma_semaphore, #tpu.memory_space<semaphore_mem>>
    tpu.wait_indirect_dma semaphore(%dma_wait3A_428 : memref<!tpu.dma_semaphore, #tpu.memory_space<semaphore_mem>>) src(%dma_wait3A_426 : memref<100000x128xf32, #tpu.memory_space<hbm>>) dst(%dma_wait3A_421 : memref<64x128xf32, #tpu.memory_space<vmem>>)
    %dma_wait3A_429 = arith.constant 0 : i32
    %dma_wait3A_430 = arith.constant 0 : i32
    %dma_wait3A_431 = arith.constant 0 : i32
    %dma_wait3A_432 = arith.constant 0 : i32
    %dma_wait3A_433 = tpu.memref_slice %arg10[%dma_wait3A_429, %dma_wait3A_431, %dma_wait3A_432] : memref<4x64x128xf32, #tpu.memory_space<vmem>> -> memref<1x64x128xf32, #tpu.memory_space<vmem>>
    %dma_wait3A_434 = tpu.memref_squeeze %dma_wait3A_433 : memref<1x64x128xf32, #tpu.memory_space<vmem>> -> memref<64x128xf32, #tpu.memory_space<vmem>>
    %dma_wait3A_435 = arith.constant 256 : i32
    %dma_wait3A_436 = tpu.memref_slice %arg8[%dma_wait3A_435] : memref<512xi32, #tpu.memory_space<vmem>> -> memref<64xi32, #tpu.memory_space<vmem>>
    %dma_wait3A_437 = arith.constant 0 : i32
    %dma_wait3A_438 = arith.constant 0 : i32
    %dma_wait3A_439 = tpu.memref_slice %arg5[%dma_wait3A_437, %dma_wait3A_438] : memref<100000x128xf32, #tpu.memory_space<hbm>> -> memref<100000x128xf32, #tpu.memory_space<hbm>>
    %dma_wait3A_440 = tpu.memref_slice %arg14[%dma_wait3A_430] : memref<4x!tpu.dma_semaphore, #tpu.memory_space<semaphore_mem>> -> memref<1x!tpu.dma_semaphore, #tpu.memory_space<semaphore_mem>>
    %dma_wait3A_441 = tpu.memref_squeeze %dma_wait3A_440 : memref<1x!tpu.dma_semaphore, #tpu.memory_space<semaphore_mem>> -> memref<!tpu.dma_semaphore, #tpu.memory_space<semaphore_mem>>
    tpu.wait_indirect_dma semaphore(%dma_wait3A_441 : memref<!tpu.dma_semaphore, #tpu.memory_space<semaphore_mem>>) src(%dma_wait3A_439 : memref<100000x128xf32, #tpu.memory_space<hbm>>) dst(%dma_wait3A_434 : memref<64x128xf32, #tpu.memory_space<vmem>>)
    %scan3A_442 = arith.constant 0 : i32
    %scan3A_443 = arith.constant 4 : i32
    %scan3A_444 = arith.addi %scan3A_442, %scan3A_443 : i32
    %scan3A_445 = arith.constant 1 : i32
    scf.for %scan3A_620 = %scan3A_442 to %scan3A_444 step %scan3A_445  : i32 {
      %mul3A_621 = arith.constant 16 : i32
      %mul3A_622 = arith.muli %scan3A_620, %mul3A_621 : i32
      %add3A_623 = vector.broadcast %mul3A_622 : i32 to vector<16xi32>
      %add3A_624 = arith.addi %add3A_623, %iota3A : vector<16xi32>
      %broadcast_in_dim3A = arith.constant 0.000000e+00 : f32
      %broadcast_in_dim3A_625 = vector.broadcast %broadcast_in_dim3A : f32 to vector<16xf32>
      %scan3A_626 = arith.constant 0 : i32
      %scan3A_627 = arith.constant 128 : i32
      %scan3A_628 = arith.addi %scan3A_626, %scan3A_627 : i32
      %scan3A_629 = arith.constant 8 : i32
      %scan3A_630 = scf.for %scan3A_637 = %scan3A_626 to %scan3A_628 step %scan3A_629 iter_args(%scan3A_638 = %broadcast_in_dim3A_625) -> (vector<16xf32>)  : i32 {
        %broadcast_in_dim3A_639 = vector.broadcast %scan3A_637 : i32 to vector<16xi32>
        %add3A_640 = arith.addi %broadcast_in_dim3A_639, %iota3A : vector<16xi32>
        %and3A = arith.constant 127 : i32
        %and3A_641 = vector.broadcast %and3A : i32 to vector<16xi32>
        %and3A_642 = arith.andi %add3A_640, %and3A_641 : vector<16xi32>
        %gather3A = arith.constant 0 : i32
        %gather3A_643 = arith.constant 0 : i32
        %gather3A_644 = arith.constant 0 : i32
        %gather3A_645 = tpu.memref_slice %arg9[%gather3A, %gather3A_643, %gather3A_644] : memref<4x64x128xf32, #tpu.memory_space<vmem>> -> memref<1x64x128xf32, #tpu.memory_space<vmem>>
        %gather3A_646 = tpu.memref_squeeze %gather3A_645 : memref<1x64x128xf32, #tpu.memory_space<vmem>> -> memref<64x128xf32, #tpu.memory_space<vmem>>
        %gather3A_647 = tpu.vector_load_idx %gather3A_646[%add3A_624, %and3A_642] : memref<64x128xf32, #tpu.memory_space<vmem>>[vector<16xi32>, vector<16xi32>], vector<16xf32>,
        %gather3A_648 = arith.constant 0 : i32
        %gather3A_649 = arith.constant 0 : i32
        %gather3A_650 = arith.constant 0 : i32
        %gather3A_651 = tpu.memref_slice %arg10[%gather3A_648, %gather3A_649, %gather3A_650] : memref<4x64x128xf32, #tpu.memory_space<vmem>> -> memref<1x64x128xf32, #tpu.memory_space<vmem>>
        %gather3A_652 = tpu.memref_squeeze %gather3A_651 : memref<1x64x128xf32, #tpu.memory_space<vmem>> -> memref<64x128xf32, #tpu.memory_space<vmem>>
        %gather3A_653 = tpu.vector_load_idx %gather3A_652[%add3A_624, %and3A_642] : memref<64x128xf32, #tpu.memory_space<vmem>>[vector<16xi32>, vector<16xi32>], vector<16xf32>,
        %mul3A_654 = arith.mulf %gather3A_647, %gather3A_653 : vector<16xf32>
        %add3A_655 = arith.addf %scan3A_638, %mul3A_654 : vector<16xf32>
        %scan3A_656 = arith.constant 1 : i32
        %scan3A_657 = arith.addi %scan3A_637, %scan3A_656 : i32
        %broadcast_in_dim3A_658 = vector.broadcast %scan3A_657 : i32 to vector<16xi32>
        %add3A_659 = arith.addi %broadcast_in_dim3A_658, %iota3A : vector<16xi32>
        %and3A_660 = arith.constant 127 : i32
        %and3A_661 = vector.broadcast %and3A_660 : i32 to vector<16xi32>
        %and3A_662 = arith.andi %add3A_659, %and3A_661 : vector<16xi32>
        %gather3A_663 = arith.constant 0 : i32
        %gather3A_664 = arith.constant 0 : i32
        %gather3A_665 = arith.constant 0 : i32
        %gather3A_666 = tpu.memref_slice %arg9[%gather3A_663, %gather3A_664, %gather3A_665] : memref<4x64x128xf32, #tpu.memory_space<vmem>> -> memref<1x64x128xf32, #tpu.memory_space<vmem>>
        %gather3A_667 = tpu.memref_squeeze %gather3A_666 : memref<1x64x128xf32, #tpu.memory_space<vmem>> -> memref<64x128xf32, #tpu.memory_space<vmem>>
        %gather3A_668 = tpu.vector_load_idx %gather3A_667[%add3A_624, %and3A_662] : memref<64x128xf32, #tpu.memory_space<vmem>>[vector<16xi32>, vector<16xi32>], vector<16xf32>,
        %gather3A_669 = arith.constant 0 : i32
        %gather3A_670 = arith.constant 0 : i32
        %gather3A_671 = arith.constant 0 : i32
        %gather3A_672 = tpu.memref_slice %arg10[%gather3A_669, %gather3A_670, %gather3A_671] : memref<4x64x128xf32, #tpu.memory_space<vmem>> -> memref<1x64x128xf32, #tpu.memory_space<vmem>>
        %gather3A_673 = tpu.memref_squeeze %gather3A_672 : memref<1x64x128xf32, #tpu.memory_space<vmem>> -> memref<64x128xf32, #tpu.memory_space<vmem>>
        %gather3A_674 = tpu.vector_load_idx %gather3A_673[%add3A_624, %and3A_662] : memref<64x128xf32, #tpu.memory_space<vmem>>[vector<16xi32>, vector<16xi32>], vector<16xf32>,
        %mul3A_675 = arith.mulf %gather3A_668, %gather3A_674 : vector<16xf32>
        %add3A_676 = arith.addf %add3A_655, %mul3A_675 : vector<16xf32>
        %scan3A_677 = arith.constant 2 : i32
        %scan3A_678 = arith.addi %scan3A_637, %scan3A_677 : i32
        %broadcast_in_dim3A_679 = vector.broadcast %scan3A_678 : i32 to vector<16xi32>
        %add3A_680 = arith.addi %broadcast_in_dim3A_679, %iota3A : vector<16xi32>
        %and3A_681 = arith.constant 127 : i32
        %and3A_682 = vector.broadcast %and3A_681 : i32 to vector<16xi32>
        %and3A_683 = arith.andi %add3A_680, %and3A_682 : vector<16xi32>
        %gather3A_684 = arith.constant 0 : i32
        %gather3A_685 = arith.constant 0 : i32
        %gather3A_686 = arith.constant 0 : i32
        %gather3A_687 = tpu.memref_slice %arg9[%gather3A_684, %gather3A_685, %gather3A_686] : memref<4x64x128xf32, #tpu.memory_space<vmem>> -> memref<1x64x128xf32, #tpu.memory_space<vmem>>
        %gather3A_688 = tpu.memref_squeeze %gather3A_687 : memref<1x64x128xf32, #tpu.memory_space<vmem>> -> memref<64x128xf32, #tpu.memory_space<vmem>>
        %gather3A_689 = tpu.vector_load_idx %gather3A_688[%add3A_624, %and3A_683] : memref<64x128xf32, #tpu.memory_space<vmem>>[vector<16xi32>, vector<16xi32>], vector<16xf32>,
        %gather3A_690 = arith.constant 0 : i32
        %gather3A_691 = arith.constant 0 : i32
        %gather3A_692 = arith.constant 0 : i32
        %gather3A_693 = tpu.memref_slice %arg10[%gather3A_690, %gather3A_691, %gather3A_692] : memref<4x64x128xf32, #tpu.memory_space<vmem>> -> memref<1x64x128xf32, #tpu.memory_space<vmem>>
        %gather3A_694 = tpu.memref_squeeze %gather3A_693 : memref<1x64x128xf32, #tpu.memory_space<vmem>> -> memref<64x128xf32, #tpu.memory_space<vmem>>
        %gather3A_695 = tpu.vector_load_idx %gather3A_694[%add3A_624, %and3A_683] : memref<64x128xf32, #tpu.memory_space<vmem>>[vector<16xi32>, vector<16xi32>], vector<16xf32>,
        %mul3A_696 = arith.mulf %gather3A_689, %gather3A_695 : vector<16xf32>
        %add3A_697 = arith.addf %add3A_676, %mul3A_696 : vector<16xf32>
        %scan3A_698 = arith.constant 3 : i32
        %scan3A_699 = arith.addi %scan3A_637, %scan3A_698 : i32
        %broadcast_in_dim3A_700 = vector.broadcast %scan3A_699 : i32 to vector<16xi32>
        %add3A_701 = arith.addi %broadcast_in_dim3A_700, %iota3A : vector<16xi32>
        %and3A_702 = arith.constant 127 : i32
        %and3A_703 = vector.broadcast %and3A_702 : i32 to vector<16xi32>
        %and3A_704 = arith.andi %add3A_701, %and3A_703 : vector<16xi32>
        %gather3A_705 = arith.constant 0 : i32
        %gather3A_706 = arith.constant 0 : i32
        %gather3A_707 = arith.constant 0 : i32
        %gather3A_708 = tpu.memref_slice %arg9[%gather3A_705, %gather3A_706, %gather3A_707] : memref<4x64x128xf32, #tpu.memory_space<vmem>> -> memref<1x64x128xf32, #tpu.memory_space<vmem>>
        %gather3A_709 = tpu.memref_squeeze %gather3A_708 : memref<1x64x128xf32, #tpu.memory_space<vmem>> -> memref<64x128xf32, #tpu.memory_space<vmem>>
        %gather3A_710 = tpu.vector_load_idx %gather3A_709[%add3A_624, %and3A_704] : memref<64x128xf32, #tpu.memory_space<vmem>>[vector<16xi32>, vector<16xi32>], vector<16xf32>,
        %gather3A_711 = arith.constant 0 : i32
        %gather3A_712 = arith.constant 0 : i32
        %gather3A_713 = arith.constant 0 : i32
        %gather3A_714 = tpu.memref_slice %arg10[%gather3A_711, %gather3A_712, %gather3A_713] : memref<4x64x128xf32, #tpu.memory_space<vmem>> -> memref<1x64x128xf32, #tpu.memory_space<vmem>>
        %gather3A_715 = tpu.memref_squeeze %gather3A_714 : memref<1x64x128xf32, #tpu.memory_space<vmem>> -> memref<64x128xf32, #tpu.memory_space<vmem>>
        %gather3A_716 = tpu.vector_load_idx %gather3A_715[%add3A_624, %and3A_704] : memref<64x128xf32, #tpu.memory_space<vmem>>[vector<16xi32>, vector<16xi32>], vector<16xf32>,
        %mul3A_717 = arith.mulf %gather3A_710, %gather3A_716 : vector<16xf32>
        %add3A_718 = arith.addf %add3A_697, %mul3A_717 : vector<16xf32>
        %scan3A_719 = arith.constant 4 : i32
        %scan3A_720 = arith.addi %scan3A_637, %scan3A_719 : i32
        %broadcast_in_dim3A_721 = vector.broadcast %scan3A_720 : i32 to vector<16xi32>
        %add3A_722 = arith.addi %broadcast_in_dim3A_721, %iota3A : vector<16xi32>
        %and3A_723 = arith.constant 127 : i32
        %and3A_724 = vector.broadcast %and3A_723 : i32 to vector<16xi32>
        %and3A_725 = arith.andi %add3A_722, %and3A_724 : vector<16xi32>
        %gather3A_726 = arith.constant 0 : i32
        %gather3A_727 = arith.constant 0 : i32
        %gather3A_728 = arith.constant 0 : i32
        %gather3A_729 = tpu.memref_slice %arg9[%gather3A_726, %gather3A_727, %gather3A_728] : memref<4x64x128xf32, #tpu.memory_space<vmem>> -> memref<1x64x128xf32, #tpu.memory_space<vmem>>
        %gather3A_730 = tpu.memref_squeeze %gather3A_729 : memref<1x64x128xf32, #tpu.memory_space<vmem>> -> memref<64x128xf32, #tpu.memory_space<vmem>>
        %gather3A_731 = tpu.vector_load_idx %gather3A_730[%add3A_624, %and3A_725] : memref<64x128xf32, #tpu.memory_space<vmem>>[vector<16xi32>, vector<16xi32>], vector<16xf32>,
        %gather3A_732 = arith.constant 0 : i32
        %gather3A_733 = arith.constant 0 : i32
        %gather3A_734 = arith.constant 0 : i32
        %gather3A_735 = tpu.memref_slice %arg10[%gather3A_732, %gather3A_733, %gather3A_734] : memref<4x64x128xf32, #tpu.memory_space<vmem>> -> memref<1x64x128xf32, #tpu.memory_space<vmem>>
        %gather3A_736 = tpu.memref_squeeze %gather3A_735 : memref<1x64x128xf32, #tpu.memory_space<vmem>> -> memref<64x128xf32, #tpu.memory_space<vmem>>
        %gather3A_737 = tpu.vector_load_idx %gather3A_736[%add3A_624, %and3A_725] : memref<64x128xf32, #tpu.memory_space<vmem>>[vector<16xi32>, vector<16xi32>], vector<16xf32>,
        %mul3A_738 = arith.mulf %gather3A_731, %gather3A_737 : vector<16xf32>
        %add3A_739 = arith.addf %add3A_718, %mul3A_738 : vector<16xf32>
        %scan3A_740 = arith.constant 5 : i32
        %scan3A_741 = arith.addi %scan3A_637, %scan3A_740 : i32
        %broadcast_in_dim3A_742 = vector.broadcast %scan3A_741 : i32 to vector<16xi32>
        %add3A_743 = arith.addi %broadcast_in_dim3A_742, %iota3A : vector<16xi32>
        %and3A_744 = arith.constant 127 : i32
        %and3A_745 = vector.broadcast %and3A_744 : i32 to vector<16xi32>
        %and3A_746 = arith.andi %add3A_743, %and3A_745 : vector<16xi32>
        %gather3A_747 = arith.constant 0 : i32
        %gather3A_748 = arith.constant 0 : i32
        %gather3A_749 = arith.constant 0 : i32
        %gather3A_750 = tpu.memref_slice %arg9[%gather3A_747, %gather3A_748, %gather3A_749] : memref<4x64x128xf32, #tpu.memory_space<vmem>> -> memref<1x64x128xf32, #tpu.memory_space<vmem>>
        %gather3A_751 = tpu.memref_squeeze %gather3A_750 : memref<1x64x128xf32, #tpu.memory_space<vmem>> -> memref<64x128xf32, #tpu.memory_space<vmem>>
        %gather3A_752 = tpu.vector_load_idx %gather3A_751[%add3A_624, %and3A_746] : memref<64x128xf32, #tpu.memory_space<vmem>>[vector<16xi32>, vector<16xi32>], vector<16xf32>,
        %gather3A_753 = arith.constant 0 : i32
        %gather3A_754 = arith.constant 0 : i32
        %gather3A_755 = arith.constant 0 : i32
        %gather3A_756 = tpu.memref_slice %arg10[%gather3A_753, %gather3A_754, %gather3A_755] : memref<4x64x128xf32, #tpu.memory_space<vmem>> -> memref<1x64x128xf32, #tpu.memory_space<vmem>>
        %gather3A_757 = tpu.memref_squeeze %gather3A_756 : memref<1x64x128xf32, #tpu.memory_space<vmem>> -> memref<64x128xf32, #tpu.memory_space<vmem>>
        %gather3A_758 = tpu.vector_load_idx %gather3A_757[%add3A_624, %and3A_746] : memref<64x128xf32, #tpu.memory_space<vmem>>[vector<16xi32>, vector<16xi32>], vector<16xf32>,
        %mul3A_759 = arith.mulf %gather3A_752, %gather3A_758 : vector<16xf32>
        %add3A_760 = arith.addf %add3A_739, %mul3A_759 : vector<16xf32>
        %scan3A_761 = arith.constant 6 : i32
        %scan3A_762 = arith.addi %scan3A_637, %scan3A_761 : i32
        %broadcast_in_dim3A_763 = vector.broadcast %scan3A_762 : i32 to vector<16xi32>
        %add3A_764 = arith.addi %broadcast_in_dim3A_763, %iota3A : vector<16xi32>
        %and3A_765 = arith.constant 127 : i32
        %and3A_766 = vector.broadcast %and3A_765 : i32 to vector<16xi32>
        %and3A_767 = arith.andi %add3A_764, %and3A_766 : vector<16xi32>
        %gather3A_768 = arith.constant 0 : i32
        %gather3A_769 = arith.constant 0 : i32
        %gather3A_770 = arith.constant 0 : i32
        %gather3A_771 = tpu.memref_slice %arg9[%gather3A_768, %gather3A_769, %gather3A_770] : memref<4x64x128xf32, #tpu.memory_space<vmem>> -> memref<1x64x128xf32, #tpu.memory_space<vmem>>
        %gather3A_772 = tpu.memref_squeeze %gather3A_771 : memref<1x64x128xf32, #tpu.memory_space<vmem>> -> memref<64x128xf32, #tpu.memory_space<vmem>>
        %gather3A_773 = tpu.vector_load_idx %gather3A_772[%add3A_624, %and3A_767] : memref<64x128xf32, #tpu.memory_space<vmem>>[vector<16xi32>, vector<16xi32>], vector<16xf32>,
        %gather3A_774 = arith.constant 0 : i32
        %gather3A_775 = arith.constant 0 : i32
        %gather3A_776 = arith.constant 0 : i32
        %gather3A_777 = tpu.memref_slice %arg10[%gather3A_774, %gather3A_775, %gather3A_776] : memref<4x64x128xf32, #tpu.memory_space<vmem>> -> memref<1x64x128xf32, #tpu.memory_space<vmem>>
        %gather3A_778 = tpu.memref_squeeze %gather3A_777 : memref<1x64x128xf32, #tpu.memory_space<vmem>> -> memref<64x128xf32, #tpu.memory_space<vmem>>
        %gather3A_779 = tpu.vector_load_idx %gather3A_778[%add3A_624, %and3A_767] : memref<64x128xf32, #tpu.memory_space<vmem>>[vector<16xi32>, vector<16xi32>], vector<16xf32>,
        %mul3A_780 = arith.mulf %gather3A_773, %gather3A_779 : vector<16xf32>
        %add3A_781 = arith.addf %add3A_760, %mul3A_780 : vector<16xf32>
        %scan3A_782 = arith.constant 7 : i32
        %scan3A_783 = arith.addi %scan3A_637, %scan3A_782 : i32
        %broadcast_in_dim3A_784 = vector.broadcast %scan3A_783 : i32 to vector<16xi32>
        %add3A_785 = arith.addi %broadcast_in_dim3A_784, %iota3A : vector<16xi32>
        %and3A_786 = arith.constant 127 : i32
        %and3A_787 = vector.broadcast %and3A_786 : i32 to vector<16xi32>
        %and3A_788 = arith.andi %add3A_785, %and3A_787 : vector<16xi32>
        %gather3A_789 = arith.constant 0 : i32
        %gather3A_790 = arith.constant 0 : i32
        %gather3A_791 = arith.constant 0 : i32
        %gather3A_792 = tpu.memref_slice %arg9[%gather3A_789, %gather3A_790, %gather3A_791] : memref<4x64x128xf32, #tpu.memory_space<vmem>> -> memref<1x64x128xf32, #tpu.memory_space<vmem>>
        %gather3A_793 = tpu.memref_squeeze %gather3A_792 : memref<1x64x128xf32, #tpu.memory_space<vmem>> -> memref<64x128xf32, #tpu.memory_space<vmem>>
        %gather3A_794 = tpu.vector_load_idx %gather3A_793[%add3A_624, %and3A_788] : memref<64x128xf32, #tpu.memory_space<vmem>>[vector<16xi32>, vector<16xi32>], vector<16xf32>,
        %gather3A_795 = arith.constant 0 : i32
        %gather3A_796 = arith.constant 0 : i32
        %gather3A_797 = arith.constant 0 : i32
        %gather3A_798 = tpu.memref_slice %arg10[%gather3A_795, %gather3A_796, %gather3A_797] : memref<4x64x128xf32, #tpu.memory_space<vmem>> -> memref<1x64x128xf32, #tpu.memory_space<vmem>>
        %gather3A_799 = tpu.memref_squeeze %gather3A_798 : memref<1x64x128xf32, #tpu.memory_space<vmem>> -> memref<64x128xf32, #tpu.memory_space<vmem>>
        %gather3A_800 = tpu.vector_load_idx %gather3A_799[%add3A_624, %and3A_788] : memref<64x128xf32, #tpu.memory_space<vmem>>[vector<16xi32>, vector<16xi32>], vector<16xf32>,
        %mul3A_801 = arith.mulf %gather3A_794, %gather3A_800 : vector<16xf32>
        %add3A_802 = arith.addf %add3A_781, %mul3A_801 : vector<16xf32>
        scf.yield %add3A_802 : vector<16xf32>
      }
      %scan3A_631 = arith.constant 128 : i32
      %mul3A_632 = arith.constant 16 : i32
      %mul3A_633 = arith.muli %scan3A_620, %mul3A_632 : i32
      %add3A_634 = arith.constant 256 : i32
      %add3A_635 = arith.addi %add3A_634, %mul3A_633 : i32
      %swap3A = arith.index_cast %add3A_635 : i32 to index
      %swap3A_636 = tpu.vector_load %arg11[%swap3A] {strides = array<i32>} : memref<512xf32, #tpu.memory_space<vmem>>, vector<16xf32>,
      tpu.vector_store %arg11[%swap3A], %scan3A_630 {strides = array<i32>} : memref<512xf32, #tpu.memory_space<vmem>>, vector<16xf32>,
    }
    %scan3A_446 = arith.constant 4 : i32
    %add3A_447 = arith.constant 256 : i32
    %add3A_448 = arith.addi %mul3A_2, %add3A_447 : i32
    %dma_start3A_449 = arith.constant 256 : i32
    %dma_start3A_450 = tpu.memref_slice %arg11[%dma_start3A_449] : memref<512xf32, #tpu.memory_space<vmem>> -> memref<64xf32, #tpu.memory_space<vmem>>
    %dma_start3A_451 = tpu.memref_slice %arg6[%add3A_448] : memref<16384xf32, #tpu.memory_space<hbm>> -> memref<64xf32, #tpu.memory_space<hbm>>
    %dma_start3A_452 = tpu.memref_slice %arg6[%add3A_448] : memref<16384xf32, #tpu.memory_space<hbm>> -> memref<64xf32, #tpu.memory_space<hbm>>
    %dma_start3A_453 = arith.constant 256 : i32
    %dma_start3A_454 = tpu.memref_slice %arg11[%dma_start3A_453] : memref<512xf32, #tpu.memory_space<vmem>> -> memref<64xf32, #tpu.memory_space<vmem>>
    tpu.enqueue_dma source(%dma_start3A_454 : memref<64xf32, #tpu.memory_space<vmem>>) target(%dma_start3A_452 : memref<64xf32, #tpu.memory_space<hbm>>) target_semaphore(%arg15 : memref<!tpu.dma_semaphore, #tpu.memory_space<semaphore_mem>>)
    %dma_wait3A_455 = arith.constant 1 : i32
    %dma_wait3A_456 = arith.constant 1 : i32
    %dma_wait3A_457 = arith.constant 0 : i32
    %dma_wait3A_458 = arith.constant 0 : i32
    %dma_wait3A_459 = tpu.memref_slice %arg9[%dma_wait3A_455, %dma_wait3A_457, %dma_wait3A_458] : memref<4x64x128xf32, #tpu.memory_space<vmem>> -> memref<1x64x128xf32, #tpu.memory_space<vmem>>
    %dma_wait3A_460 = tpu.memref_squeeze %dma_wait3A_459 : memref<1x64x128xf32, #tpu.memory_space<vmem>> -> memref<64x128xf32, #tpu.memory_space<vmem>>
    %dma_wait3A_461 = arith.constant 320 : i32
    %dma_wait3A_462 = tpu.memref_slice %arg7[%dma_wait3A_461] : memref<512xi32, #tpu.memory_space<vmem>> -> memref<64xi32, #tpu.memory_space<vmem>>
    %dma_wait3A_463 = arith.constant 0 : i32
    %dma_wait3A_464 = arith.constant 0 : i32
    %dma_wait3A_465 = tpu.memref_slice %arg4[%dma_wait3A_463, %dma_wait3A_464] : memref<100000x128xf32, #tpu.memory_space<hbm>> -> memref<100000x128xf32, #tpu.memory_space<hbm>>
    %dma_wait3A_466 = tpu.memref_slice %arg13[%dma_wait3A_456] : memref<4x!tpu.dma_semaphore, #tpu.memory_space<semaphore_mem>> -> memref<1x!tpu.dma_semaphore, #tpu.memory_space<semaphore_mem>>
    %dma_wait3A_467 = tpu.memref_squeeze %dma_wait3A_466 : memref<1x!tpu.dma_semaphore, #tpu.memory_space<semaphore_mem>> -> memref<!tpu.dma_semaphore, #tpu.memory_space<semaphore_mem>>
    tpu.wait_indirect_dma semaphore(%dma_wait3A_467 : memref<!tpu.dma_semaphore, #tpu.memory_space<semaphore_mem>>) src(%dma_wait3A_465 : memref<100000x128xf32, #tpu.memory_space<hbm>>) dst(%dma_wait3A_460 : memref<64x128xf32, #tpu.memory_space<vmem>>)
    %dma_wait3A_468 = arith.constant 1 : i32
    %dma_wait3A_469 = arith.constant 1 : i32
    %dma_wait3A_470 = arith.constant 0 : i32
    %dma_wait3A_471 = arith.constant 0 : i32
    %dma_wait3A_472 = tpu.memref_slice %arg10[%dma_wait3A_468, %dma_wait3A_470, %dma_wait3A_471] : memref<4x64x128xf32, #tpu.memory_space<vmem>> -> memref<1x64x128xf32, #tpu.memory_space<vmem>>
    %dma_wait3A_473 = tpu.memref_squeeze %dma_wait3A_472 : memref<1x64x128xf32, #tpu.memory_space<vmem>> -> memref<64x128xf32, #tpu.memory_space<vmem>>
    %dma_wait3A_474 = arith.constant 320 : i32
    %dma_wait3A_475 = tpu.memref_slice %arg8[%dma_wait3A_474] : memref<512xi32, #tpu.memory_space<vmem>> -> memref<64xi32, #tpu.memory_space<vmem>>
    %dma_wait3A_476 = arith.constant 0 : i32
    %dma_wait3A_477 = arith.constant 0 : i32
    %dma_wait3A_478 = tpu.memref_slice %arg5[%dma_wait3A_476, %dma_wait3A_477] : memref<100000x128xf32, #tpu.memory_space<hbm>> -> memref<100000x128xf32, #tpu.memory_space<hbm>>
    %dma_wait3A_479 = tpu.memref_slice %arg14[%dma_wait3A_469] : memref<4x!tpu.dma_semaphore, #tpu.memory_space<semaphore_mem>> -> memref<1x!tpu.dma_semaphore, #tpu.memory_space<semaphore_mem>>
    %dma_wait3A_480 = tpu.memref_squeeze %dma_wait3A_479 : memref<1x!tpu.dma_semaphore, #tpu.memory_space<semaphore_mem>> -> memref<!tpu.dma_semaphore, #tpu.memory_space<semaphore_mem>>
    tpu.wait_indirect_dma semaphore(%dma_wait3A_480 : memref<!tpu.dma_semaphore, #tpu.memory_space<semaphore_mem>>) src(%dma_wait3A_478 : memref<100000x128xf32, #tpu.memory_space<hbm>>) dst(%dma_wait3A_473 : memref<64x128xf32, #tpu.memory_space<vmem>>)
    %scan3A_481 = arith.constant 0 : i32
    %scan3A_482 = arith.constant 4 : i32
    %scan3A_483 = arith.addi %scan3A_481, %scan3A_482 : i32
    %scan3A_484 = arith.constant 1 : i32
    scf.for %scan3A_620 = %scan3A_481 to %scan3A_483 step %scan3A_484  : i32 {
      %mul3A_621 = arith.constant 16 : i32
      %mul3A_622 = arith.muli %scan3A_620, %mul3A_621 : i32
      %add3A_623 = vector.broadcast %mul3A_622 : i32 to vector<16xi32>
      %add3A_624 = arith.addi %add3A_623, %iota3A : vector<16xi32>
      %broadcast_in_dim3A = arith.constant 0.000000e+00 : f32
      %broadcast_in_dim3A_625 = vector.broadcast %broadcast_in_dim3A : f32 to vector<16xf32>
      %scan3A_626 = arith.constant 0 : i32
      %scan3A_627 = arith.constant 128 : i32
      %scan3A_628 = arith.addi %scan3A_626, %scan3A_627 : i32
      %scan3A_629 = arith.constant 8 : i32
      %scan3A_630 = scf.for %scan3A_637 = %scan3A_626 to %scan3A_628 step %scan3A_629 iter_args(%scan3A_638 = %broadcast_in_dim3A_625) -> (vector<16xf32>)  : i32 {
        %broadcast_in_dim3A_639 = vector.broadcast %scan3A_637 : i32 to vector<16xi32>
        %add3A_640 = arith.addi %broadcast_in_dim3A_639, %iota3A : vector<16xi32>
        %and3A = arith.constant 127 : i32
        %and3A_641 = vector.broadcast %and3A : i32 to vector<16xi32>
        %and3A_642 = arith.andi %add3A_640, %and3A_641 : vector<16xi32>
        %gather3A = arith.constant 1 : i32
        %gather3A_643 = arith.constant 0 : i32
        %gather3A_644 = arith.constant 0 : i32
        %gather3A_645 = tpu.memref_slice %arg9[%gather3A, %gather3A_643, %gather3A_644] : memref<4x64x128xf32, #tpu.memory_space<vmem>> -> memref<1x64x128xf32, #tpu.memory_space<vmem>>
        %gather3A_646 = tpu.memref_squeeze %gather3A_645 : memref<1x64x128xf32, #tpu.memory_space<vmem>> -> memref<64x128xf32, #tpu.memory_space<vmem>>
        %gather3A_647 = tpu.vector_load_idx %gather3A_646[%add3A_624, %and3A_642] : memref<64x128xf32, #tpu.memory_space<vmem>>[vector<16xi32>, vector<16xi32>], vector<16xf32>,
        %gather3A_648 = arith.constant 1 : i32
        %gather3A_649 = arith.constant 0 : i32
        %gather3A_650 = arith.constant 0 : i32
        %gather3A_651 = tpu.memref_slice %arg10[%gather3A_648, %gather3A_649, %gather3A_650] : memref<4x64x128xf32, #tpu.memory_space<vmem>> -> memref<1x64x128xf32, #tpu.memory_space<vmem>>
        %gather3A_652 = tpu.memref_squeeze %gather3A_651 : memref<1x64x128xf32, #tpu.memory_space<vmem>> -> memref<64x128xf32, #tpu.memory_space<vmem>>
        %gather3A_653 = tpu.vector_load_idx %gather3A_652[%add3A_624, %and3A_642] : memref<64x128xf32, #tpu.memory_space<vmem>>[vector<16xi32>, vector<16xi32>], vector<16xf32>,
        %mul3A_654 = arith.mulf %gather3A_647, %gather3A_653 : vector<16xf32>
        %add3A_655 = arith.addf %scan3A_638, %mul3A_654 : vector<16xf32>
        %scan3A_656 = arith.constant 1 : i32
        %scan3A_657 = arith.addi %scan3A_637, %scan3A_656 : i32
        %broadcast_in_dim3A_658 = vector.broadcast %scan3A_657 : i32 to vector<16xi32>
        %add3A_659 = arith.addi %broadcast_in_dim3A_658, %iota3A : vector<16xi32>
        %and3A_660 = arith.constant 127 : i32
        %and3A_661 = vector.broadcast %and3A_660 : i32 to vector<16xi32>
        %and3A_662 = arith.andi %add3A_659, %and3A_661 : vector<16xi32>
        %gather3A_663 = arith.constant 1 : i32
        %gather3A_664 = arith.constant 0 : i32
        %gather3A_665 = arith.constant 0 : i32
        %gather3A_666 = tpu.memref_slice %arg9[%gather3A_663, %gather3A_664, %gather3A_665] : memref<4x64x128xf32, #tpu.memory_space<vmem>> -> memref<1x64x128xf32, #tpu.memory_space<vmem>>
        %gather3A_667 = tpu.memref_squeeze %gather3A_666 : memref<1x64x128xf32, #tpu.memory_space<vmem>> -> memref<64x128xf32, #tpu.memory_space<vmem>>
        %gather3A_668 = tpu.vector_load_idx %gather3A_667[%add3A_624, %and3A_662] : memref<64x128xf32, #tpu.memory_space<vmem>>[vector<16xi32>, vector<16xi32>], vector<16xf32>,
        %gather3A_669 = arith.constant 1 : i32
        %gather3A_670 = arith.constant 0 : i32
        %gather3A_671 = arith.constant 0 : i32
        %gather3A_672 = tpu.memref_slice %arg10[%gather3A_669, %gather3A_670, %gather3A_671] : memref<4x64x128xf32, #tpu.memory_space<vmem>> -> memref<1x64x128xf32, #tpu.memory_space<vmem>>
        %gather3A_673 = tpu.memref_squeeze %gather3A_672 : memref<1x64x128xf32, #tpu.memory_space<vmem>> -> memref<64x128xf32, #tpu.memory_space<vmem>>
        %gather3A_674 = tpu.vector_load_idx %gather3A_673[%add3A_624, %and3A_662] : memref<64x128xf32, #tpu.memory_space<vmem>>[vector<16xi32>, vector<16xi32>], vector<16xf32>,
        %mul3A_675 = arith.mulf %gather3A_668, %gather3A_674 : vector<16xf32>
        %add3A_676 = arith.addf %add3A_655, %mul3A_675 : vector<16xf32>
        %scan3A_677 = arith.constant 2 : i32
        %scan3A_678 = arith.addi %scan3A_637, %scan3A_677 : i32
        %broadcast_in_dim3A_679 = vector.broadcast %scan3A_678 : i32 to vector<16xi32>
        %add3A_680 = arith.addi %broadcast_in_dim3A_679, %iota3A : vector<16xi32>
        %and3A_681 = arith.constant 127 : i32
        %and3A_682 = vector.broadcast %and3A_681 : i32 to vector<16xi32>
        %and3A_683 = arith.andi %add3A_680, %and3A_682 : vector<16xi32>
        %gather3A_684 = arith.constant 1 : i32
        %gather3A_685 = arith.constant 0 : i32
        %gather3A_686 = arith.constant 0 : i32
        %gather3A_687 = tpu.memref_slice %arg9[%gather3A_684, %gather3A_685, %gather3A_686] : memref<4x64x128xf32, #tpu.memory_space<vmem>> -> memref<1x64x128xf32, #tpu.memory_space<vmem>>
        %gather3A_688 = tpu.memref_squeeze %gather3A_687 : memref<1x64x128xf32, #tpu.memory_space<vmem>> -> memref<64x128xf32, #tpu.memory_space<vmem>>
        %gather3A_689 = tpu.vector_load_idx %gather3A_688[%add3A_624, %and3A_683] : memref<64x128xf32, #tpu.memory_space<vmem>>[vector<16xi32>, vector<16xi32>], vector<16xf32>,
        %gather3A_690 = arith.constant 1 : i32
        %gather3A_691 = arith.constant 0 : i32
        %gather3A_692 = arith.constant 0 : i32
        %gather3A_693 = tpu.memref_slice %arg10[%gather3A_690, %gather3A_691, %gather3A_692] : memref<4x64x128xf32, #tpu.memory_space<vmem>> -> memref<1x64x128xf32, #tpu.memory_space<vmem>>
        %gather3A_694 = tpu.memref_squeeze %gather3A_693 : memref<1x64x128xf32, #tpu.memory_space<vmem>> -> memref<64x128xf32, #tpu.memory_space<vmem>>
        %gather3A_695 = tpu.vector_load_idx %gather3A_694[%add3A_624, %and3A_683] : memref<64x128xf32, #tpu.memory_space<vmem>>[vector<16xi32>, vector<16xi32>], vector<16xf32>,
        %mul3A_696 = arith.mulf %gather3A_689, %gather3A_695 : vector<16xf32>
        %add3A_697 = arith.addf %add3A_676, %mul3A_696 : vector<16xf32>
        %scan3A_698 = arith.constant 3 : i32
        %scan3A_699 = arith.addi %scan3A_637, %scan3A_698 : i32
        %broadcast_in_dim3A_700 = vector.broadcast %scan3A_699 : i32 to vector<16xi32>
        %add3A_701 = arith.addi %broadcast_in_dim3A_700, %iota3A : vector<16xi32>
        %and3A_702 = arith.constant 127 : i32
        %and3A_703 = vector.broadcast %and3A_702 : i32 to vector<16xi32>
        %and3A_704 = arith.andi %add3A_701, %and3A_703 : vector<16xi32>
        %gather3A_705 = arith.constant 1 : i32
        %gather3A_706 = arith.constant 0 : i32
        %gather3A_707 = arith.constant 0 : i32
        %gather3A_708 = tpu.memref_slice %arg9[%gather3A_705, %gather3A_706, %gather3A_707] : memref<4x64x128xf32, #tpu.memory_space<vmem>> -> memref<1x64x128xf32, #tpu.memory_space<vmem>>
        %gather3A_709 = tpu.memref_squeeze %gather3A_708 : memref<1x64x128xf32, #tpu.memory_space<vmem>> -> memref<64x128xf32, #tpu.memory_space<vmem>>
        %gather3A_710 = tpu.vector_load_idx %gather3A_709[%add3A_624, %and3A_704] : memref<64x128xf32, #tpu.memory_space<vmem>>[vector<16xi32>, vector<16xi32>], vector<16xf32>,
        %gather3A_711 = arith.constant 1 : i32
        %gather3A_712 = arith.constant 0 : i32
        %gather3A_713 = arith.constant 0 : i32
        %gather3A_714 = tpu.memref_slice %arg10[%gather3A_711, %gather3A_712, %gather3A_713] : memref<4x64x128xf32, #tpu.memory_space<vmem>> -> memref<1x64x128xf32, #tpu.memory_space<vmem>>
        %gather3A_715 = tpu.memref_squeeze %gather3A_714 : memref<1x64x128xf32, #tpu.memory_space<vmem>> -> memref<64x128xf32, #tpu.memory_space<vmem>>
        %gather3A_716 = tpu.vector_load_idx %gather3A_715[%add3A_624, %and3A_704] : memref<64x128xf32, #tpu.memory_space<vmem>>[vector<16xi32>, vector<16xi32>], vector<16xf32>,
        %mul3A_717 = arith.mulf %gather3A_710, %gather3A_716 : vector<16xf32>
        %add3A_718 = arith.addf %add3A_697, %mul3A_717 : vector<16xf32>
        %scan3A_719 = arith.constant 4 : i32
        %scan3A_720 = arith.addi %scan3A_637, %scan3A_719 : i32
        %broadcast_in_dim3A_721 = vector.broadcast %scan3A_720 : i32 to vector<16xi32>
        %add3A_722 = arith.addi %broadcast_in_dim3A_721, %iota3A : vector<16xi32>
        %and3A_723 = arith.constant 127 : i32
        %and3A_724 = vector.broadcast %and3A_723 : i32 to vector<16xi32>
        %and3A_725 = arith.andi %add3A_722, %and3A_724 : vector<16xi32>
        %gather3A_726 = arith.constant 1 : i32
        %gather3A_727 = arith.constant 0 : i32
        %gather3A_728 = arith.constant 0 : i32
        %gather3A_729 = tpu.memref_slice %arg9[%gather3A_726, %gather3A_727, %gather3A_728] : memref<4x64x128xf32, #tpu.memory_space<vmem>> -> memref<1x64x128xf32, #tpu.memory_space<vmem>>
        %gather3A_730 = tpu.memref_squeeze %gather3A_729 : memref<1x64x128xf32, #tpu.memory_space<vmem>> -> memref<64x128xf32, #tpu.memory_space<vmem>>
        %gather3A_731 = tpu.vector_load_idx %gather3A_730[%add3A_624, %and3A_725] : memref<64x128xf32, #tpu.memory_space<vmem>>[vector<16xi32>, vector<16xi32>], vector<16xf32>,
        %gather3A_732 = arith.constant 1 : i32
        %gather3A_733 = arith.constant 0 : i32
        %gather3A_734 = arith.constant 0 : i32
        %gather3A_735 = tpu.memref_slice %arg10[%gather3A_732, %gather3A_733, %gather3A_734] : memref<4x64x128xf32, #tpu.memory_space<vmem>> -> memref<1x64x128xf32, #tpu.memory_space<vmem>>
        %gather3A_736 = tpu.memref_squeeze %gather3A_735 : memref<1x64x128xf32, #tpu.memory_space<vmem>> -> memref<64x128xf32, #tpu.memory_space<vmem>>
        %gather3A_737 = tpu.vector_load_idx %gather3A_736[%add3A_624, %and3A_725] : memref<64x128xf32, #tpu.memory_space<vmem>>[vector<16xi32>, vector<16xi32>], vector<16xf32>,
        %mul3A_738 = arith.mulf %gather3A_731, %gather3A_737 : vector<16xf32>
        %add3A_739 = arith.addf %add3A_718, %mul3A_738 : vector<16xf32>
        %scan3A_740 = arith.constant 5 : i32
        %scan3A_741 = arith.addi %scan3A_637, %scan3A_740 : i32
        %broadcast_in_dim3A_742 = vector.broadcast %scan3A_741 : i32 to vector<16xi32>
        %add3A_743 = arith.addi %broadcast_in_dim3A_742, %iota3A : vector<16xi32>
        %and3A_744 = arith.constant 127 : i32
        %and3A_745 = vector.broadcast %and3A_744 : i32 to vector<16xi32>
        %and3A_746 = arith.andi %add3A_743, %and3A_745 : vector<16xi32>
        %gather3A_747 = arith.constant 1 : i32
        %gather3A_748 = arith.constant 0 : i32
        %gather3A_749 = arith.constant 0 : i32
        %gather3A_750 = tpu.memref_slice %arg9[%gather3A_747, %gather3A_748, %gather3A_749] : memref<4x64x128xf32, #tpu.memory_space<vmem>> -> memref<1x64x128xf32, #tpu.memory_space<vmem>>
        %gather3A_751 = tpu.memref_squeeze %gather3A_750 : memref<1x64x128xf32, #tpu.memory_space<vmem>> -> memref<64x128xf32, #tpu.memory_space<vmem>>
        %gather3A_752 = tpu.vector_load_idx %gather3A_751[%add3A_624, %and3A_746] : memref<64x128xf32, #tpu.memory_space<vmem>>[vector<16xi32>, vector<16xi32>], vector<16xf32>,
        %gather3A_753 = arith.constant 1 : i32
        %gather3A_754 = arith.constant 0 : i32
        %gather3A_755 = arith.constant 0 : i32
        %gather3A_756 = tpu.memref_slice %arg10[%gather3A_753, %gather3A_754, %gather3A_755] : memref<4x64x128xf32, #tpu.memory_space<vmem>> -> memref<1x64x128xf32, #tpu.memory_space<vmem>>
        %gather3A_757 = tpu.memref_squeeze %gather3A_756 : memref<1x64x128xf32, #tpu.memory_space<vmem>> -> memref<64x128xf32, #tpu.memory_space<vmem>>
        %gather3A_758 = tpu.vector_load_idx %gather3A_757[%add3A_624, %and3A_746] : memref<64x128xf32, #tpu.memory_space<vmem>>[vector<16xi32>, vector<16xi32>], vector<16xf32>,
        %mul3A_759 = arith.mulf %gather3A_752, %gather3A_758 : vector<16xf32>
        %add3A_760 = arith.addf %add3A_739, %mul3A_759 : vector<16xf32>
        %scan3A_761 = arith.constant 6 : i32
        %scan3A_762 = arith.addi %scan3A_637, %scan3A_761 : i32
        %broadcast_in_dim3A_763 = vector.broadcast %scan3A_762 : i32 to vector<16xi32>
        %add3A_764 = arith.addi %broadcast_in_dim3A_763, %iota3A : vector<16xi32>
        %and3A_765 = arith.constant 127 : i32
        %and3A_766 = vector.broadcast %and3A_765 : i32 to vector<16xi32>
        %and3A_767 = arith.andi %add3A_764, %and3A_766 : vector<16xi32>
        %gather3A_768 = arith.constant 1 : i32
        %gather3A_769 = arith.constant 0 : i32
        %gather3A_770 = arith.constant 0 : i32
        %gather3A_771 = tpu.memref_slice %arg9[%gather3A_768, %gather3A_769, %gather3A_770] : memref<4x64x128xf32, #tpu.memory_space<vmem>> -> memref<1x64x128xf32, #tpu.memory_space<vmem>>
        %gather3A_772 = tpu.memref_squeeze %gather3A_771 : memref<1x64x128xf32, #tpu.memory_space<vmem>> -> memref<64x128xf32, #tpu.memory_space<vmem>>
        %gather3A_773 = tpu.vector_load_idx %gather3A_772[%add3A_624, %and3A_767] : memref<64x128xf32, #tpu.memory_space<vmem>>[vector<16xi32>, vector<16xi32>], vector<16xf32>,
        %gather3A_774 = arith.constant 1 : i32
        %gather3A_775 = arith.constant 0 : i32
        %gather3A_776 = arith.constant 0 : i32
        %gather3A_777 = tpu.memref_slice %arg10[%gather3A_774, %gather3A_775, %gather3A_776] : memref<4x64x128xf32, #tpu.memory_space<vmem>> -> memref<1x64x128xf32, #tpu.memory_space<vmem>>
        %gather3A_778 = tpu.memref_squeeze %gather3A_777 : memref<1x64x128xf32, #tpu.memory_space<vmem>> -> memref<64x128xf32, #tpu.memory_space<vmem>>
        %gather3A_779 = tpu.vector_load_idx %gather3A_778[%add3A_624, %and3A_767] : memref<64x128xf32, #tpu.memory_space<vmem>>[vector<16xi32>, vector<16xi32>], vector<16xf32>,
        %mul3A_780 = arith.mulf %gather3A_773, %gather3A_779 : vector<16xf32>
        %add3A_781 = arith.addf %add3A_760, %mul3A_780 : vector<16xf32>
        %scan3A_782 = arith.constant 7 : i32
        %scan3A_783 = arith.addi %scan3A_637, %scan3A_782 : i32
        %broadcast_in_dim3A_784 = vector.broadcast %scan3A_783 : i32 to vector<16xi32>
        %add3A_785 = arith.addi %broadcast_in_dim3A_784, %iota3A : vector<16xi32>
        %and3A_786 = arith.constant 127 : i32
        %and3A_787 = vector.broadcast %and3A_786 : i32 to vector<16xi32>
        %and3A_788 = arith.andi %add3A_785, %and3A_787 : vector<16xi32>
        %gather3A_789 = arith.constant 1 : i32
        %gather3A_790 = arith.constant 0 : i32
        %gather3A_791 = arith.constant 0 : i32
        %gather3A_792 = tpu.memref_slice %arg9[%gather3A_789, %gather3A_790, %gather3A_791] : memref<4x64x128xf32, #tpu.memory_space<vmem>> -> memref<1x64x128xf32, #tpu.memory_space<vmem>>
        %gather3A_793 = tpu.memref_squeeze %gather3A_792 : memref<1x64x128xf32, #tpu.memory_space<vmem>> -> memref<64x128xf32, #tpu.memory_space<vmem>>
        %gather3A_794 = tpu.vector_load_idx %gather3A_793[%add3A_624, %and3A_788] : memref<64x128xf32, #tpu.memory_space<vmem>>[vector<16xi32>, vector<16xi32>], vector<16xf32>,
        %gather3A_795 = arith.constant 1 : i32
        %gather3A_796 = arith.constant 0 : i32
        %gather3A_797 = arith.constant 0 : i32
        %gather3A_798 = tpu.memref_slice %arg10[%gather3A_795, %gather3A_796, %gather3A_797] : memref<4x64x128xf32, #tpu.memory_space<vmem>> -> memref<1x64x128xf32, #tpu.memory_space<vmem>>
        %gather3A_799 = tpu.memref_squeeze %gather3A_798 : memref<1x64x128xf32, #tpu.memory_space<vmem>> -> memref<64x128xf32, #tpu.memory_space<vmem>>
        %gather3A_800 = tpu.vector_load_idx %gather3A_799[%add3A_624, %and3A_788] : memref<64x128xf32, #tpu.memory_space<vmem>>[vector<16xi32>, vector<16xi32>], vector<16xf32>,
        %mul3A_801 = arith.mulf %gather3A_794, %gather3A_800 : vector<16xf32>
        %add3A_802 = arith.addf %add3A_781, %mul3A_801 : vector<16xf32>
        scf.yield %add3A_802 : vector<16xf32>
      }
      %scan3A_631 = arith.constant 128 : i32
      %mul3A_632 = arith.constant 16 : i32
      %mul3A_633 = arith.muli %scan3A_620, %mul3A_632 : i32
      %add3A_634 = arith.constant 320 : i32
      %add3A_635 = arith.addi %add3A_634, %mul3A_633 : i32
      %swap3A = arith.index_cast %add3A_635 : i32 to index
      %swap3A_636 = tpu.vector_load %arg11[%swap3A] {strides = array<i32>} : memref<512xf32, #tpu.memory_space<vmem>>, vector<16xf32>,
      tpu.vector_store %arg11[%swap3A], %scan3A_630 {strides = array<i32>} : memref<512xf32, #tpu.memory_space<vmem>>, vector<16xf32>,
    }
    %scan3A_485 = arith.constant 4 : i32
    %add3A_486 = arith.constant 320 : i32
    %add3A_487 = arith.addi %mul3A_2, %add3A_486 : i32
    %dma_start3A_488 = arith.constant 320 : i32
    %dma_start3A_489 = tpu.memref_slice %arg11[%dma_start3A_488] : memref<512xf32, #tpu.memory_space<vmem>> -> memref<64xf32, #tpu.memory_space<vmem>>
    %dma_start3A_490 = tpu.memref_slice %arg6[%add3A_487] : memref<16384xf32, #tpu.memory_space<hbm>> -> memref<64xf32, #tpu.memory_space<hbm>>
    %dma_start3A_491 = tpu.memref_slice %arg6[%add3A_487] : memref<16384xf32, #tpu.memory_space<hbm>> -> memref<64xf32, #tpu.memory_space<hbm>>
    %dma_start3A_492 = arith.constant 320 : i32
    %dma_start3A_493 = tpu.memref_slice %arg11[%dma_start3A_492] : memref<512xf32, #tpu.memory_space<vmem>> -> memref<64xf32, #tpu.memory_space<vmem>>
    tpu.enqueue_dma source(%dma_start3A_493 : memref<64xf32, #tpu.memory_space<vmem>>) target(%dma_start3A_491 : memref<64xf32, #tpu.memory_space<hbm>>) target_semaphore(%arg15 : memref<!tpu.dma_semaphore, #tpu.memory_space<semaphore_mem>>)
    %dma_wait3A_494 = arith.constant 2 : i32
    %dma_wait3A_495 = arith.constant 2 : i32
    %dma_wait3A_496 = arith.constant 0 : i32
    %dma_wait3A_497 = arith.constant 0 : i32
    %dma_wait3A_498 = tpu.memref_slice %arg9[%dma_wait3A_494, %dma_wait3A_496, %dma_wait3A_497] : memref<4x64x128xf32, #tpu.memory_space<vmem>> -> memref<1x64x128xf32, #tpu.memory_space<vmem>>
    %dma_wait3A_499 = tpu.memref_squeeze %dma_wait3A_498 : memref<1x64x128xf32, #tpu.memory_space<vmem>> -> memref<64x128xf32, #tpu.memory_space<vmem>>
    %dma_wait3A_500 = arith.constant 384 : i32
    %dma_wait3A_501 = tpu.memref_slice %arg7[%dma_wait3A_500] : memref<512xi32, #tpu.memory_space<vmem>> -> memref<64xi32, #tpu.memory_space<vmem>>
    %dma_wait3A_502 = arith.constant 0 : i32
    %dma_wait3A_503 = arith.constant 0 : i32
    %dma_wait3A_504 = tpu.memref_slice %arg4[%dma_wait3A_502, %dma_wait3A_503] : memref<100000x128xf32, #tpu.memory_space<hbm>> -> memref<100000x128xf32, #tpu.memory_space<hbm>>
    %dma_wait3A_505 = tpu.memref_slice %arg13[%dma_wait3A_495] : memref<4x!tpu.dma_semaphore, #tpu.memory_space<semaphore_mem>> -> memref<1x!tpu.dma_semaphore, #tpu.memory_space<semaphore_mem>>
    %dma_wait3A_506 = tpu.memref_squeeze %dma_wait3A_505 : memref<1x!tpu.dma_semaphore, #tpu.memory_space<semaphore_mem>> -> memref<!tpu.dma_semaphore, #tpu.memory_space<semaphore_mem>>
    tpu.wait_indirect_dma semaphore(%dma_wait3A_506 : memref<!tpu.dma_semaphore, #tpu.memory_space<semaphore_mem>>) src(%dma_wait3A_504 : memref<100000x128xf32, #tpu.memory_space<hbm>>) dst(%dma_wait3A_499 : memref<64x128xf32, #tpu.memory_space<vmem>>)
    %dma_wait3A_507 = arith.constant 2 : i32
    %dma_wait3A_508 = arith.constant 2 : i32
    %dma_wait3A_509 = arith.constant 0 : i32
    %dma_wait3A_510 = arith.constant 0 : i32
    %dma_wait3A_511 = tpu.memref_slice %arg10[%dma_wait3A_507, %dma_wait3A_509, %dma_wait3A_510] : memref<4x64x128xf32, #tpu.memory_space<vmem>> -> memref<1x64x128xf32, #tpu.memory_space<vmem>>
    %dma_wait3A_512 = tpu.memref_squeeze %dma_wait3A_511 : memref<1x64x128xf32, #tpu.memory_space<vmem>> -> memref<64x128xf32, #tpu.memory_space<vmem>>
    %dma_wait3A_513 = arith.constant 384 : i32
    %dma_wait3A_514 = tpu.memref_slice %arg8[%dma_wait3A_513] : memref<512xi32, #tpu.memory_space<vmem>> -> memref<64xi32, #tpu.memory_space<vmem>>
    %dma_wait3A_515 = arith.constant 0 : i32
    %dma_wait3A_516 = arith.constant 0 : i32
    %dma_wait3A_517 = tpu.memref_slice %arg5[%dma_wait3A_515, %dma_wait3A_516] : memref<100000x128xf32, #tpu.memory_space<hbm>> -> memref<100000x128xf32, #tpu.memory_space<hbm>>
    %dma_wait3A_518 = tpu.memref_slice %arg14[%dma_wait3A_508] : memref<4x!tpu.dma_semaphore, #tpu.memory_space<semaphore_mem>> -> memref<1x!tpu.dma_semaphore, #tpu.memory_space<semaphore_mem>>
    %dma_wait3A_519 = tpu.memref_squeeze %dma_wait3A_518 : memref<1x!tpu.dma_semaphore, #tpu.memory_space<semaphore_mem>> -> memref<!tpu.dma_semaphore, #tpu.memory_space<semaphore_mem>>
    tpu.wait_indirect_dma semaphore(%dma_wait3A_519 : memref<!tpu.dma_semaphore, #tpu.memory_space<semaphore_mem>>) src(%dma_wait3A_517 : memref<100000x128xf32, #tpu.memory_space<hbm>>) dst(%dma_wait3A_512 : memref<64x128xf32, #tpu.memory_space<vmem>>)
    %scan3A_520 = arith.constant 0 : i32
    %scan3A_521 = arith.constant 4 : i32
    %scan3A_522 = arith.addi %scan3A_520, %scan3A_521 : i32
    %scan3A_523 = arith.constant 1 : i32
    scf.for %scan3A_620 = %scan3A_520 to %scan3A_522 step %scan3A_523  : i32 {
      %mul3A_621 = arith.constant 16 : i32
      %mul3A_622 = arith.muli %scan3A_620, %mul3A_621 : i32
      %add3A_623 = vector.broadcast %mul3A_622 : i32 to vector<16xi32>
      %add3A_624 = arith.addi %add3A_623, %iota3A : vector<16xi32>
      %broadcast_in_dim3A = arith.constant 0.000000e+00 : f32
      %broadcast_in_dim3A_625 = vector.broadcast %broadcast_in_dim3A : f32 to vector<16xf32>
      %scan3A_626 = arith.constant 0 : i32
      %scan3A_627 = arith.constant 128 : i32
      %scan3A_628 = arith.addi %scan3A_626, %scan3A_627 : i32
      %scan3A_629 = arith.constant 8 : i32
      %scan3A_630 = scf.for %scan3A_637 = %scan3A_626 to %scan3A_628 step %scan3A_629 iter_args(%scan3A_638 = %broadcast_in_dim3A_625) -> (vector<16xf32>)  : i32 {
        %broadcast_in_dim3A_639 = vector.broadcast %scan3A_637 : i32 to vector<16xi32>
        %add3A_640 = arith.addi %broadcast_in_dim3A_639, %iota3A : vector<16xi32>
        %and3A = arith.constant 127 : i32
        %and3A_641 = vector.broadcast %and3A : i32 to vector<16xi32>
        %and3A_642 = arith.andi %add3A_640, %and3A_641 : vector<16xi32>
        %gather3A = arith.constant 2 : i32
        %gather3A_643 = arith.constant 0 : i32
        %gather3A_644 = arith.constant 0 : i32
        %gather3A_645 = tpu.memref_slice %arg9[%gather3A, %gather3A_643, %gather3A_644] : memref<4x64x128xf32, #tpu.memory_space<vmem>> -> memref<1x64x128xf32, #tpu.memory_space<vmem>>
        %gather3A_646 = tpu.memref_squeeze %gather3A_645 : memref<1x64x128xf32, #tpu.memory_space<vmem>> -> memref<64x128xf32, #tpu.memory_space<vmem>>
        %gather3A_647 = tpu.vector_load_idx %gather3A_646[%add3A_624, %and3A_642] : memref<64x128xf32, #tpu.memory_space<vmem>>[vector<16xi32>, vector<16xi32>], vector<16xf32>,
        %gather3A_648 = arith.constant 2 : i32
        %gather3A_649 = arith.constant 0 : i32
        %gather3A_650 = arith.constant 0 : i32
        %gather3A_651 = tpu.memref_slice %arg10[%gather3A_648, %gather3A_649, %gather3A_650] : memref<4x64x128xf32, #tpu.memory_space<vmem>> -> memref<1x64x128xf32, #tpu.memory_space<vmem>>
        %gather3A_652 = tpu.memref_squeeze %gather3A_651 : memref<1x64x128xf32, #tpu.memory_space<vmem>> -> memref<64x128xf32, #tpu.memory_space<vmem>>
        %gather3A_653 = tpu.vector_load_idx %gather3A_652[%add3A_624, %and3A_642] : memref<64x128xf32, #tpu.memory_space<vmem>>[vector<16xi32>, vector<16xi32>], vector<16xf32>,
        %mul3A_654 = arith.mulf %gather3A_647, %gather3A_653 : vector<16xf32>
        %add3A_655 = arith.addf %scan3A_638, %mul3A_654 : vector<16xf32>
        %scan3A_656 = arith.constant 1 : i32
        %scan3A_657 = arith.addi %scan3A_637, %scan3A_656 : i32
        %broadcast_in_dim3A_658 = vector.broadcast %scan3A_657 : i32 to vector<16xi32>
        %add3A_659 = arith.addi %broadcast_in_dim3A_658, %iota3A : vector<16xi32>
        %and3A_660 = arith.constant 127 : i32
        %and3A_661 = vector.broadcast %and3A_660 : i32 to vector<16xi32>
        %and3A_662 = arith.andi %add3A_659, %and3A_661 : vector<16xi32>
        %gather3A_663 = arith.constant 2 : i32
        %gather3A_664 = arith.constant 0 : i32
        %gather3A_665 = arith.constant 0 : i32
        %gather3A_666 = tpu.memref_slice %arg9[%gather3A_663, %gather3A_664, %gather3A_665] : memref<4x64x128xf32, #tpu.memory_space<vmem>> -> memref<1x64x128xf32, #tpu.memory_space<vmem>>
        %gather3A_667 = tpu.memref_squeeze %gather3A_666 : memref<1x64x128xf32, #tpu.memory_space<vmem>> -> memref<64x128xf32, #tpu.memory_space<vmem>>
        %gather3A_668 = tpu.vector_load_idx %gather3A_667[%add3A_624, %and3A_662] : memref<64x128xf32, #tpu.memory_space<vmem>>[vector<16xi32>, vector<16xi32>], vector<16xf32>,
        %gather3A_669 = arith.constant 2 : i32
        %gather3A_670 = arith.constant 0 : i32
        %gather3A_671 = arith.constant 0 : i32
        %gather3A_672 = tpu.memref_slice %arg10[%gather3A_669, %gather3A_670, %gather3A_671] : memref<4x64x128xf32, #tpu.memory_space<vmem>> -> memref<1x64x128xf32, #tpu.memory_space<vmem>>
        %gather3A_673 = tpu.memref_squeeze %gather3A_672 : memref<1x64x128xf32, #tpu.memory_space<vmem>> -> memref<64x128xf32, #tpu.memory_space<vmem>>
        %gather3A_674 = tpu.vector_load_idx %gather3A_673[%add3A_624, %and3A_662] : memref<64x128xf32, #tpu.memory_space<vmem>>[vector<16xi32>, vector<16xi32>], vector<16xf32>,
        %mul3A_675 = arith.mulf %gather3A_668, %gather3A_674 : vector<16xf32>
        %add3A_676 = arith.addf %add3A_655, %mul3A_675 : vector<16xf32>
        %scan3A_677 = arith.constant 2 : i32
        %scan3A_678 = arith.addi %scan3A_637, %scan3A_677 : i32
        %broadcast_in_dim3A_679 = vector.broadcast %scan3A_678 : i32 to vector<16xi32>
        %add3A_680 = arith.addi %broadcast_in_dim3A_679, %iota3A : vector<16xi32>
        %and3A_681 = arith.constant 127 : i32
        %and3A_682 = vector.broadcast %and3A_681 : i32 to vector<16xi32>
        %and3A_683 = arith.andi %add3A_680, %and3A_682 : vector<16xi32>
        %gather3A_684 = arith.constant 2 : i32
        %gather3A_685 = arith.constant 0 : i32
        %gather3A_686 = arith.constant 0 : i32
        %gather3A_687 = tpu.memref_slice %arg9[%gather3A_684, %gather3A_685, %gather3A_686] : memref<4x64x128xf32, #tpu.memory_space<vmem>> -> memref<1x64x128xf32, #tpu.memory_space<vmem>>
        %gather3A_688 = tpu.memref_squeeze %gather3A_687 : memref<1x64x128xf32, #tpu.memory_space<vmem>> -> memref<64x128xf32, #tpu.memory_space<vmem>>
        %gather3A_689 = tpu.vector_load_idx %gather3A_688[%add3A_624, %and3A_683] : memref<64x128xf32, #tpu.memory_space<vmem>>[vector<16xi32>, vector<16xi32>], vector<16xf32>,
        %gather3A_690 = arith.constant 2 : i32
        %gather3A_691 = arith.constant 0 : i32
        %gather3A_692 = arith.constant 0 : i32
        %gather3A_693 = tpu.memref_slice %arg10[%gather3A_690, %gather3A_691, %gather3A_692] : memref<4x64x128xf32, #tpu.memory_space<vmem>> -> memref<1x64x128xf32, #tpu.memory_space<vmem>>
        %gather3A_694 = tpu.memref_squeeze %gather3A_693 : memref<1x64x128xf32, #tpu.memory_space<vmem>> -> memref<64x128xf32, #tpu.memory_space<vmem>>
        %gather3A_695 = tpu.vector_load_idx %gather3A_694[%add3A_624, %and3A_683] : memref<64x128xf32, #tpu.memory_space<vmem>>[vector<16xi32>, vector<16xi32>], vector<16xf32>,
        %mul3A_696 = arith.mulf %gather3A_689, %gather3A_695 : vector<16xf32>
        %add3A_697 = arith.addf %add3A_676, %mul3A_696 : vector<16xf32>
        %scan3A_698 = arith.constant 3 : i32
        %scan3A_699 = arith.addi %scan3A_637, %scan3A_698 : i32
        %broadcast_in_dim3A_700 = vector.broadcast %scan3A_699 : i32 to vector<16xi32>
        %add3A_701 = arith.addi %broadcast_in_dim3A_700, %iota3A : vector<16xi32>
        %and3A_702 = arith.constant 127 : i32
        %and3A_703 = vector.broadcast %and3A_702 : i32 to vector<16xi32>
        %and3A_704 = arith.andi %add3A_701, %and3A_703 : vector<16xi32>
        %gather3A_705 = arith.constant 2 : i32
        %gather3A_706 = arith.constant 0 : i32
        %gather3A_707 = arith.constant 0 : i32
        %gather3A_708 = tpu.memref_slice %arg9[%gather3A_705, %gather3A_706, %gather3A_707] : memref<4x64x128xf32, #tpu.memory_space<vmem>> -> memref<1x64x128xf32, #tpu.memory_space<vmem>>
        %gather3A_709 = tpu.memref_squeeze %gather3A_708 : memref<1x64x128xf32, #tpu.memory_space<vmem>> -> memref<64x128xf32, #tpu.memory_space<vmem>>
        %gather3A_710 = tpu.vector_load_idx %gather3A_709[%add3A_624, %and3A_704] : memref<64x128xf32, #tpu.memory_space<vmem>>[vector<16xi32>, vector<16xi32>], vector<16xf32>,
        %gather3A_711 = arith.constant 2 : i32
        %gather3A_712 = arith.constant 0 : i32
        %gather3A_713 = arith.constant 0 : i32
        %gather3A_714 = tpu.memref_slice %arg10[%gather3A_711, %gather3A_712, %gather3A_713] : memref<4x64x128xf32, #tpu.memory_space<vmem>> -> memref<1x64x128xf32, #tpu.memory_space<vmem>>
        %gather3A_715 = tpu.memref_squeeze %gather3A_714 : memref<1x64x128xf32, #tpu.memory_space<vmem>> -> memref<64x128xf32, #tpu.memory_space<vmem>>
        %gather3A_716 = tpu.vector_load_idx %gather3A_715[%add3A_624, %and3A_704] : memref<64x128xf32, #tpu.memory_space<vmem>>[vector<16xi32>, vector<16xi32>], vector<16xf32>,
        %mul3A_717 = arith.mulf %gather3A_710, %gather3A_716 : vector<16xf32>
        %add3A_718 = arith.addf %add3A_697, %mul3A_717 : vector<16xf32>
        %scan3A_719 = arith.constant 4 : i32
        %scan3A_720 = arith.addi %scan3A_637, %scan3A_719 : i32
        %broadcast_in_dim3A_721 = vector.broadcast %scan3A_720 : i32 to vector<16xi32>
        %add3A_722 = arith.addi %broadcast_in_dim3A_721, %iota3A : vector<16xi32>
        %and3A_723 = arith.constant 127 : i32
        %and3A_724 = vector.broadcast %and3A_723 : i32 to vector<16xi32>
        %and3A_725 = arith.andi %add3A_722, %and3A_724 : vector<16xi32>
        %gather3A_726 = arith.constant 2 : i32
        %gather3A_727 = arith.constant 0 : i32
        %gather3A_728 = arith.constant 0 : i32
        %gather3A_729 = tpu.memref_slice %arg9[%gather3A_726, %gather3A_727, %gather3A_728] : memref<4x64x128xf32, #tpu.memory_space<vmem>> -> memref<1x64x128xf32, #tpu.memory_space<vmem>>
        %gather3A_730 = tpu.memref_squeeze %gather3A_729 : memref<1x64x128xf32, #tpu.memory_space<vmem>> -> memref<64x128xf32, #tpu.memory_space<vmem>>
        %gather3A_731 = tpu.vector_load_idx %gather3A_730[%add3A_624, %and3A_725] : memref<64x128xf32, #tpu.memory_space<vmem>>[vector<16xi32>, vector<16xi32>], vector<16xf32>,
        %gather3A_732 = arith.constant 2 : i32
        %gather3A_733 = arith.constant 0 : i32
        %gather3A_734 = arith.constant 0 : i32
        %gather3A_735 = tpu.memref_slice %arg10[%gather3A_732, %gather3A_733, %gather3A_734] : memref<4x64x128xf32, #tpu.memory_space<vmem>> -> memref<1x64x128xf32, #tpu.memory_space<vmem>>
        %gather3A_736 = tpu.memref_squeeze %gather3A_735 : memref<1x64x128xf32, #tpu.memory_space<vmem>> -> memref<64x128xf32, #tpu.memory_space<vmem>>
        %gather3A_737 = tpu.vector_load_idx %gather3A_736[%add3A_624, %and3A_725] : memref<64x128xf32, #tpu.memory_space<vmem>>[vector<16xi32>, vector<16xi32>], vector<16xf32>,
        %mul3A_738 = arith.mulf %gather3A_731, %gather3A_737 : vector<16xf32>
        %add3A_739 = arith.addf %add3A_718, %mul3A_738 : vector<16xf32>
        %scan3A_740 = arith.constant 5 : i32
        %scan3A_741 = arith.addi %scan3A_637, %scan3A_740 : i32
        %broadcast_in_dim3A_742 = vector.broadcast %scan3A_741 : i32 to vector<16xi32>
        %add3A_743 = arith.addi %broadcast_in_dim3A_742, %iota3A : vector<16xi32>
        %and3A_744 = arith.constant 127 : i32
        %and3A_745 = vector.broadcast %and3A_744 : i32 to vector<16xi32>
        %and3A_746 = arith.andi %add3A_743, %and3A_745 : vector<16xi32>
        %gather3A_747 = arith.constant 2 : i32
        %gather3A_748 = arith.constant 0 : i32
        %gather3A_749 = arith.constant 0 : i32
        %gather3A_750 = tpu.memref_slice %arg9[%gather3A_747, %gather3A_748, %gather3A_749] : memref<4x64x128xf32, #tpu.memory_space<vmem>> -> memref<1x64x128xf32, #tpu.memory_space<vmem>>
        %gather3A_751 = tpu.memref_squeeze %gather3A_750 : memref<1x64x128xf32, #tpu.memory_space<vmem>> -> memref<64x128xf32, #tpu.memory_space<vmem>>
        %gather3A_752 = tpu.vector_load_idx %gather3A_751[%add3A_624, %and3A_746] : memref<64x128xf32, #tpu.memory_space<vmem>>[vector<16xi32>, vector<16xi32>], vector<16xf32>,
        %gather3A_753 = arith.constant 2 : i32
        %gather3A_754 = arith.constant 0 : i32
        %gather3A_755 = arith.constant 0 : i32
        %gather3A_756 = tpu.memref_slice %arg10[%gather3A_753, %gather3A_754, %gather3A_755] : memref<4x64x128xf32, #tpu.memory_space<vmem>> -> memref<1x64x128xf32, #tpu.memory_space<vmem>>
        %gather3A_757 = tpu.memref_squeeze %gather3A_756 : memref<1x64x128xf32, #tpu.memory_space<vmem>> -> memref<64x128xf32, #tpu.memory_space<vmem>>
        %gather3A_758 = tpu.vector_load_idx %gather3A_757[%add3A_624, %and3A_746] : memref<64x128xf32, #tpu.memory_space<vmem>>[vector<16xi32>, vector<16xi32>], vector<16xf32>,
        %mul3A_759 = arith.mulf %gather3A_752, %gather3A_758 : vector<16xf32>
        %add3A_760 = arith.addf %add3A_739, %mul3A_759 : vector<16xf32>
        %scan3A_761 = arith.constant 6 : i32
        %scan3A_762 = arith.addi %scan3A_637, %scan3A_761 : i32
        %broadcast_in_dim3A_763 = vector.broadcast %scan3A_762 : i32 to vector<16xi32>
        %add3A_764 = arith.addi %broadcast_in_dim3A_763, %iota3A : vector<16xi32>
        %and3A_765 = arith.constant 127 : i32
        %and3A_766 = vector.broadcast %and3A_765 : i32 to vector<16xi32>
        %and3A_767 = arith.andi %add3A_764, %and3A_766 : vector<16xi32>
        %gather3A_768 = arith.constant 2 : i32
        %gather3A_769 = arith.constant 0 : i32
        %gather3A_770 = arith.constant 0 : i32
        %gather3A_771 = tpu.memref_slice %arg9[%gather3A_768, %gather3A_769, %gather3A_770] : memref<4x64x128xf32, #tpu.memory_space<vmem>> -> memref<1x64x128xf32, #tpu.memory_space<vmem>>
        %gather3A_772 = tpu.memref_squeeze %gather3A_771 : memref<1x64x128xf32, #tpu.memory_space<vmem>> -> memref<64x128xf32, #tpu.memory_space<vmem>>
        %gather3A_773 = tpu.vector_load_idx %gather3A_772[%add3A_624, %and3A_767] : memref<64x128xf32, #tpu.memory_space<vmem>>[vector<16xi32>, vector<16xi32>], vector<16xf32>,
        %gather3A_774 = arith.constant 2 : i32
        %gather3A_775 = arith.constant 0 : i32
        %gather3A_776 = arith.constant 0 : i32
        %gather3A_777 = tpu.memref_slice %arg10[%gather3A_774, %gather3A_775, %gather3A_776] : memref<4x64x128xf32, #tpu.memory_space<vmem>> -> memref<1x64x128xf32, #tpu.memory_space<vmem>>
        %gather3A_778 = tpu.memref_squeeze %gather3A_777 : memref<1x64x128xf32, #tpu.memory_space<vmem>> -> memref<64x128xf32, #tpu.memory_space<vmem>>
        %gather3A_779 = tpu.vector_load_idx %gather3A_778[%add3A_624, %and3A_767] : memref<64x128xf32, #tpu.memory_space<vmem>>[vector<16xi32>, vector<16xi32>], vector<16xf32>,
        %mul3A_780 = arith.mulf %gather3A_773, %gather3A_779 : vector<16xf32>
        %add3A_781 = arith.addf %add3A_760, %mul3A_780 : vector<16xf32>
        %scan3A_782 = arith.constant 7 : i32
        %scan3A_783 = arith.addi %scan3A_637, %scan3A_782 : i32
        %broadcast_in_dim3A_784 = vector.broadcast %scan3A_783 : i32 to vector<16xi32>
        %add3A_785 = arith.addi %broadcast_in_dim3A_784, %iota3A : vector<16xi32>
        %and3A_786 = arith.constant 127 : i32
        %and3A_787 = vector.broadcast %and3A_786 : i32 to vector<16xi32>
        %and3A_788 = arith.andi %add3A_785, %and3A_787 : vector<16xi32>
        %gather3A_789 = arith.constant 2 : i32
        %gather3A_790 = arith.constant 0 : i32
        %gather3A_791 = arith.constant 0 : i32
        %gather3A_792 = tpu.memref_slice %arg9[%gather3A_789, %gather3A_790, %gather3A_791] : memref<4x64x128xf32, #tpu.memory_space<vmem>> -> memref<1x64x128xf32, #tpu.memory_space<vmem>>
        %gather3A_793 = tpu.memref_squeeze %gather3A_792 : memref<1x64x128xf32, #tpu.memory_space<vmem>> -> memref<64x128xf32, #tpu.memory_space<vmem>>
        %gather3A_794 = tpu.vector_load_idx %gather3A_793[%add3A_624, %and3A_788] : memref<64x128xf32, #tpu.memory_space<vmem>>[vector<16xi32>, vector<16xi32>], vector<16xf32>,
        %gather3A_795 = arith.constant 2 : i32
        %gather3A_796 = arith.constant 0 : i32
        %gather3A_797 = arith.constant 0 : i32
        %gather3A_798 = tpu.memref_slice %arg10[%gather3A_795, %gather3A_796, %gather3A_797] : memref<4x64x128xf32, #tpu.memory_space<vmem>> -> memref<1x64x128xf32, #tpu.memory_space<vmem>>
        %gather3A_799 = tpu.memref_squeeze %gather3A_798 : memref<1x64x128xf32, #tpu.memory_space<vmem>> -> memref<64x128xf32, #tpu.memory_space<vmem>>
        %gather3A_800 = tpu.vector_load_idx %gather3A_799[%add3A_624, %and3A_788] : memref<64x128xf32, #tpu.memory_space<vmem>>[vector<16xi32>, vector<16xi32>], vector<16xf32>,
        %mul3A_801 = arith.mulf %gather3A_794, %gather3A_800 : vector<16xf32>
        %add3A_802 = arith.addf %add3A_781, %mul3A_801 : vector<16xf32>
        scf.yield %add3A_802 : vector<16xf32>
      }
      %scan3A_631 = arith.constant 128 : i32
      %mul3A_632 = arith.constant 16 : i32
      %mul3A_633 = arith.muli %scan3A_620, %mul3A_632 : i32
      %add3A_634 = arith.constant 384 : i32
      %add3A_635 = arith.addi %add3A_634, %mul3A_633 : i32
      %swap3A = arith.index_cast %add3A_635 : i32 to index
      %swap3A_636 = tpu.vector_load %arg11[%swap3A] {strides = array<i32>} : memref<512xf32, #tpu.memory_space<vmem>>, vector<16xf32>,
      tpu.vector_store %arg11[%swap3A], %scan3A_630 {strides = array<i32>} : memref<512xf32, #tpu.memory_space<vmem>>, vector<16xf32>,
    }
    %scan3A_524 = arith.constant 4 : i32
    %add3A_525 = arith.constant 384 : i32
    %add3A_526 = arith.addi %mul3A_2, %add3A_525 : i32
    %dma_start3A_527 = arith.constant 384 : i32
    %dma_start3A_528 = tpu.memref_slice %arg11[%dma_start3A_527] : memref<512xf32, #tpu.memory_space<vmem>> -> memref<64xf32, #tpu.memory_space<vmem>>
    %dma_start3A_529 = tpu.memref_slice %arg6[%add3A_526] : memref<16384xf32, #tpu.memory_space<hbm>> -> memref<64xf32, #tpu.memory_space<hbm>>
    %dma_start3A_530 = tpu.memref_slice %arg6[%add3A_526] : memref<16384xf32, #tpu.memory_space<hbm>> -> memref<64xf32, #tpu.memory_space<hbm>>
    %dma_start3A_531 = arith.constant 384 : i32
    %dma_start3A_532 = tpu.memref_slice %arg11[%dma_start3A_531] : memref<512xf32, #tpu.memory_space<vmem>> -> memref<64xf32, #tpu.memory_space<vmem>>
    tpu.enqueue_dma source(%dma_start3A_532 : memref<64xf32, #tpu.memory_space<vmem>>) target(%dma_start3A_530 : memref<64xf32, #tpu.memory_space<hbm>>) target_semaphore(%arg15 : memref<!tpu.dma_semaphore, #tpu.memory_space<semaphore_mem>>)
    %dma_wait3A_533 = arith.constant 3 : i32
    %dma_wait3A_534 = arith.constant 3 : i32
    %dma_wait3A_535 = arith.constant 0 : i32
    %dma_wait3A_536 = arith.constant 0 : i32
    %dma_wait3A_537 = tpu.memref_slice %arg9[%dma_wait3A_533, %dma_wait3A_535, %dma_wait3A_536] : memref<4x64x128xf32, #tpu.memory_space<vmem>> -> memref<1x64x128xf32, #tpu.memory_space<vmem>>
    %dma_wait3A_538 = tpu.memref_squeeze %dma_wait3A_537 : memref<1x64x128xf32, #tpu.memory_space<vmem>> -> memref<64x128xf32, #tpu.memory_space<vmem>>
    %dma_wait3A_539 = arith.constant 448 : i32
    %dma_wait3A_540 = tpu.memref_slice %arg7[%dma_wait3A_539] : memref<512xi32, #tpu.memory_space<vmem>> -> memref<64xi32, #tpu.memory_space<vmem>>
    %dma_wait3A_541 = arith.constant 0 : i32
    %dma_wait3A_542 = arith.constant 0 : i32
    %dma_wait3A_543 = tpu.memref_slice %arg4[%dma_wait3A_541, %dma_wait3A_542] : memref<100000x128xf32, #tpu.memory_space<hbm>> -> memref<100000x128xf32, #tpu.memory_space<hbm>>
    %dma_wait3A_544 = tpu.memref_slice %arg13[%dma_wait3A_534] : memref<4x!tpu.dma_semaphore, #tpu.memory_space<semaphore_mem>> -> memref<1x!tpu.dma_semaphore, #tpu.memory_space<semaphore_mem>>
    %dma_wait3A_545 = tpu.memref_squeeze %dma_wait3A_544 : memref<1x!tpu.dma_semaphore, #tpu.memory_space<semaphore_mem>> -> memref<!tpu.dma_semaphore, #tpu.memory_space<semaphore_mem>>
    tpu.wait_indirect_dma semaphore(%dma_wait3A_545 : memref<!tpu.dma_semaphore, #tpu.memory_space<semaphore_mem>>) src(%dma_wait3A_543 : memref<100000x128xf32, #tpu.memory_space<hbm>>) dst(%dma_wait3A_538 : memref<64x128xf32, #tpu.memory_space<vmem>>)
    %dma_wait3A_546 = arith.constant 3 : i32
    %dma_wait3A_547 = arith.constant 3 : i32
    %dma_wait3A_548 = arith.constant 0 : i32
    %dma_wait3A_549 = arith.constant 0 : i32
    %dma_wait3A_550 = tpu.memref_slice %arg10[%dma_wait3A_546, %dma_wait3A_548, %dma_wait3A_549] : memref<4x64x128xf32, #tpu.memory_space<vmem>> -> memref<1x64x128xf32, #tpu.memory_space<vmem>>
    %dma_wait3A_551 = tpu.memref_squeeze %dma_wait3A_550 : memref<1x64x128xf32, #tpu.memory_space<vmem>> -> memref<64x128xf32, #tpu.memory_space<vmem>>
    %dma_wait3A_552 = arith.constant 448 : i32
    %dma_wait3A_553 = tpu.memref_slice %arg8[%dma_wait3A_552] : memref<512xi32, #tpu.memory_space<vmem>> -> memref<64xi32, #tpu.memory_space<vmem>>
    %dma_wait3A_554 = arith.constant 0 : i32
    %dma_wait3A_555 = arith.constant 0 : i32
    %dma_wait3A_556 = tpu.memref_slice %arg5[%dma_wait3A_554, %dma_wait3A_555] : memref<100000x128xf32, #tpu.memory_space<hbm>> -> memref<100000x128xf32, #tpu.memory_space<hbm>>
    %dma_wait3A_557 = tpu.memref_slice %arg14[%dma_wait3A_547] : memref<4x!tpu.dma_semaphore, #tpu.memory_space<semaphore_mem>> -> memref<1x!tpu.dma_semaphore, #tpu.memory_space<semaphore_mem>>
    %dma_wait3A_558 = tpu.memref_squeeze %dma_wait3A_557 : memref<1x!tpu.dma_semaphore, #tpu.memory_space<semaphore_mem>> -> memref<!tpu.dma_semaphore, #tpu.memory_space<semaphore_mem>>
    tpu.wait_indirect_dma semaphore(%dma_wait3A_558 : memref<!tpu.dma_semaphore, #tpu.memory_space<semaphore_mem>>) src(%dma_wait3A_556 : memref<100000x128xf32, #tpu.memory_space<hbm>>) dst(%dma_wait3A_551 : memref<64x128xf32, #tpu.memory_space<vmem>>)
    %scan3A_559 = arith.constant 0 : i32
    %scan3A_560 = arith.constant 4 : i32
    %scan3A_561 = arith.addi %scan3A_559, %scan3A_560 : i32
    %scan3A_562 = arith.constant 1 : i32
    scf.for %scan3A_620 = %scan3A_559 to %scan3A_561 step %scan3A_562  : i32 {
      %mul3A_621 = arith.constant 16 : i32
      %mul3A_622 = arith.muli %scan3A_620, %mul3A_621 : i32
      %add3A_623 = vector.broadcast %mul3A_622 : i32 to vector<16xi32>
      %add3A_624 = arith.addi %add3A_623, %iota3A : vector<16xi32>
      %broadcast_in_dim3A = arith.constant 0.000000e+00 : f32
      %broadcast_in_dim3A_625 = vector.broadcast %broadcast_in_dim3A : f32 to vector<16xf32>
      %scan3A_626 = arith.constant 0 : i32
      %scan3A_627 = arith.constant 128 : i32
      %scan3A_628 = arith.addi %scan3A_626, %scan3A_627 : i32
      %scan3A_629 = arith.constant 8 : i32
      %scan3A_630 = scf.for %scan3A_637 = %scan3A_626 to %scan3A_628 step %scan3A_629 iter_args(%scan3A_638 = %broadcast_in_dim3A_625) -> (vector<16xf32>)  : i32 {
        %broadcast_in_dim3A_639 = vector.broadcast %scan3A_637 : i32 to vector<16xi32>
        %add3A_640 = arith.addi %broadcast_in_dim3A_639, %iota3A : vector<16xi32>
        %and3A = arith.constant 127 : i32
        %and3A_641 = vector.broadcast %and3A : i32 to vector<16xi32>
        %and3A_642 = arith.andi %add3A_640, %and3A_641 : vector<16xi32>
        %gather3A = arith.constant 3 : i32
        %gather3A_643 = arith.constant 0 : i32
        %gather3A_644 = arith.constant 0 : i32
        %gather3A_645 = tpu.memref_slice %arg9[%gather3A, %gather3A_643, %gather3A_644] : memref<4x64x128xf32, #tpu.memory_space<vmem>> -> memref<1x64x128xf32, #tpu.memory_space<vmem>>
        %gather3A_646 = tpu.memref_squeeze %gather3A_645 : memref<1x64x128xf32, #tpu.memory_space<vmem>> -> memref<64x128xf32, #tpu.memory_space<vmem>>
        %gather3A_647 = tpu.vector_load_idx %gather3A_646[%add3A_624, %and3A_642] : memref<64x128xf32, #tpu.memory_space<vmem>>[vector<16xi32>, vector<16xi32>], vector<16xf32>,
        %gather3A_648 = arith.constant 3 : i32
        %gather3A_649 = arith.constant 0 : i32
        %gather3A_650 = arith.constant 0 : i32
        %gather3A_651 = tpu.memref_slice %arg10[%gather3A_648, %gather3A_649, %gather3A_650] : memref<4x64x128xf32, #tpu.memory_space<vmem>> -> memref<1x64x128xf32, #tpu.memory_space<vmem>>
        %gather3A_652 = tpu.memref_squeeze %gather3A_651 : memref<1x64x128xf32, #tpu.memory_space<vmem>> -> memref<64x128xf32, #tpu.memory_space<vmem>>
        %gather3A_653 = tpu.vector_load_idx %gather3A_652[%add3A_624, %and3A_642] : memref<64x128xf32, #tpu.memory_space<vmem>>[vector<16xi32>, vector<16xi32>], vector<16xf32>,
        %mul3A_654 = arith.mulf %gather3A_647, %gather3A_653 : vector<16xf32>
        %add3A_655 = arith.addf %scan3A_638, %mul3A_654 : vector<16xf32>
        %scan3A_656 = arith.constant 1 : i32
        %scan3A_657 = arith.addi %scan3A_637, %scan3A_656 : i32
        %broadcast_in_dim3A_658 = vector.broadcast %scan3A_657 : i32 to vector<16xi32>
        %add3A_659 = arith.addi %broadcast_in_dim3A_658, %iota3A : vector<16xi32>
        %and3A_660 = arith.constant 127 : i32
        %and3A_661 = vector.broadcast %and3A_660 : i32 to vector<16xi32>
        %and3A_662 = arith.andi %add3A_659, %and3A_661 : vector<16xi32>
        %gather3A_663 = arith.constant 3 : i32
        %gather3A_664 = arith.constant 0 : i32
        %gather3A_665 = arith.constant 0 : i32
        %gather3A_666 = tpu.memref_slice %arg9[%gather3A_663, %gather3A_664, %gather3A_665] : memref<4x64x128xf32, #tpu.memory_space<vmem>> -> memref<1x64x128xf32, #tpu.memory_space<vmem>>
        %gather3A_667 = tpu.memref_squeeze %gather3A_666 : memref<1x64x128xf32, #tpu.memory_space<vmem>> -> memref<64x128xf32, #tpu.memory_space<vmem>>
        %gather3A_668 = tpu.vector_load_idx %gather3A_667[%add3A_624, %and3A_662] : memref<64x128xf32, #tpu.memory_space<vmem>>[vector<16xi32>, vector<16xi32>], vector<16xf32>,
        %gather3A_669 = arith.constant 3 : i32
        %gather3A_670 = arith.constant 0 : i32
        %gather3A_671 = arith.constant 0 : i32
        %gather3A_672 = tpu.memref_slice %arg10[%gather3A_669, %gather3A_670, %gather3A_671] : memref<4x64x128xf32, #tpu.memory_space<vmem>> -> memref<1x64x128xf32, #tpu.memory_space<vmem>>
        %gather3A_673 = tpu.memref_squeeze %gather3A_672 : memref<1x64x128xf32, #tpu.memory_space<vmem>> -> memref<64x128xf32, #tpu.memory_space<vmem>>
        %gather3A_674 = tpu.vector_load_idx %gather3A_673[%add3A_624, %and3A_662] : memref<64x128xf32, #tpu.memory_space<vmem>>[vector<16xi32>, vector<16xi32>], vector<16xf32>,
        %mul3A_675 = arith.mulf %gather3A_668, %gather3A_674 : vector<16xf32>
        %add3A_676 = arith.addf %add3A_655, %mul3A_675 : vector<16xf32>
        %scan3A_677 = arith.constant 2 : i32
        %scan3A_678 = arith.addi %scan3A_637, %scan3A_677 : i32
        %broadcast_in_dim3A_679 = vector.broadcast %scan3A_678 : i32 to vector<16xi32>
        %add3A_680 = arith.addi %broadcast_in_dim3A_679, %iota3A : vector<16xi32>
        %and3A_681 = arith.constant 127 : i32
        %and3A_682 = vector.broadcast %and3A_681 : i32 to vector<16xi32>
        %and3A_683 = arith.andi %add3A_680, %and3A_682 : vector<16xi32>
        %gather3A_684 = arith.constant 3 : i32
        %gather3A_685 = arith.constant 0 : i32
        %gather3A_686 = arith.constant 0 : i32
        %gather3A_687 = tpu.memref_slice %arg9[%gather3A_684, %gather3A_685, %gather3A_686] : memref<4x64x128xf32, #tpu.memory_space<vmem>> -> memref<1x64x128xf32, #tpu.memory_space<vmem>>
        %gather3A_688 = tpu.memref_squeeze %gather3A_687 : memref<1x64x128xf32, #tpu.memory_space<vmem>> -> memref<64x128xf32, #tpu.memory_space<vmem>>
        %gather3A_689 = tpu.vector_load_idx %gather3A_688[%add3A_624, %and3A_683] : memref<64x128xf32, #tpu.memory_space<vmem>>[vector<16xi32>, vector<16xi32>], vector<16xf32>,
        %gather3A_690 = arith.constant 3 : i32
        %gather3A_691 = arith.constant 0 : i32
        %gather3A_692 = arith.constant 0 : i32
        %gather3A_693 = tpu.memref_slice %arg10[%gather3A_690, %gather3A_691, %gather3A_692] : memref<4x64x128xf32, #tpu.memory_space<vmem>> -> memref<1x64x128xf32, #tpu.memory_space<vmem>>
        %gather3A_694 = tpu.memref_squeeze %gather3A_693 : memref<1x64x128xf32, #tpu.memory_space<vmem>> -> memref<64x128xf32, #tpu.memory_space<vmem>>
        %gather3A_695 = tpu.vector_load_idx %gather3A_694[%add3A_624, %and3A_683] : memref<64x128xf32, #tpu.memory_space<vmem>>[vector<16xi32>, vector<16xi32>], vector<16xf32>,
        %mul3A_696 = arith.mulf %gather3A_689, %gather3A_695 : vector<16xf32>
        %add3A_697 = arith.addf %add3A_676, %mul3A_696 : vector<16xf32>
        %scan3A_698 = arith.constant 3 : i32
        %scan3A_699 = arith.addi %scan3A_637, %scan3A_698 : i32
        %broadcast_in_dim3A_700 = vector.broadcast %scan3A_699 : i32 to vector<16xi32>
        %add3A_701 = arith.addi %broadcast_in_dim3A_700, %iota3A : vector<16xi32>
        %and3A_702 = arith.constant 127 : i32
        %and3A_703 = vector.broadcast %and3A_702 : i32 to vector<16xi32>
        %and3A_704 = arith.andi %add3A_701, %and3A_703 : vector<16xi32>
        %gather3A_705 = arith.constant 3 : i32
        %gather3A_706 = arith.constant 0 : i32
        %gather3A_707 = arith.constant 0 : i32
        %gather3A_708 = tpu.memref_slice %arg9[%gather3A_705, %gather3A_706, %gather3A_707] : memref<4x64x128xf32, #tpu.memory_space<vmem>> -> memref<1x64x128xf32, #tpu.memory_space<vmem>>
        %gather3A_709 = tpu.memref_squeeze %gather3A_708 : memref<1x64x128xf32, #tpu.memory_space<vmem>> -> memref<64x128xf32, #tpu.memory_space<vmem>>
        %gather3A_710 = tpu.vector_load_idx %gather3A_709[%add3A_624, %and3A_704] : memref<64x128xf32, #tpu.memory_space<vmem>>[vector<16xi32>, vector<16xi32>], vector<16xf32>,
        %gather3A_711 = arith.constant 3 : i32
        %gather3A_712 = arith.constant 0 : i32
        %gather3A_713 = arith.constant 0 : i32
        %gather3A_714 = tpu.memref_slice %arg10[%gather3A_711, %gather3A_712, %gather3A_713] : memref<4x64x128xf32, #tpu.memory_space<vmem>> -> memref<1x64x128xf32, #tpu.memory_space<vmem>>
        %gather3A_715 = tpu.memref_squeeze %gather3A_714 : memref<1x64x128xf32, #tpu.memory_space<vmem>> -> memref<64x128xf32, #tpu.memory_space<vmem>>
        %gather3A_716 = tpu.vector_load_idx %gather3A_715[%add3A_624, %and3A_704] : memref<64x128xf32, #tpu.memory_space<vmem>>[vector<16xi32>, vector<16xi32>], vector<16xf32>,
        %mul3A_717 = arith.mulf %gather3A_710, %gather3A_716 : vector<16xf32>
        %add3A_718 = arith.addf %add3A_697, %mul3A_717 : vector<16xf32>
        %scan3A_719 = arith.constant 4 : i32
        %scan3A_720 = arith.addi %scan3A_637, %scan3A_719 : i32
        %broadcast_in_dim3A_721 = vector.broadcast %scan3A_720 : i32 to vector<16xi32>
        %add3A_722 = arith.addi %broadcast_in_dim3A_721, %iota3A : vector<16xi32>
        %and3A_723 = arith.constant 127 : i32
        %and3A_724 = vector.broadcast %and3A_723 : i32 to vector<16xi32>
        %and3A_725 = arith.andi %add3A_722, %and3A_724 : vector<16xi32>
        %gather3A_726 = arith.constant 3 : i32
        %gather3A_727 = arith.constant 0 : i32
        %gather3A_728 = arith.constant 0 : i32
        %gather3A_729 = tpu.memref_slice %arg9[%gather3A_726, %gather3A_727, %gather3A_728] : memref<4x64x128xf32, #tpu.memory_space<vmem>> -> memref<1x64x128xf32, #tpu.memory_space<vmem>>
        %gather3A_730 = tpu.memref_squeeze %gather3A_729 : memref<1x64x128xf32, #tpu.memory_space<vmem>> -> memref<64x128xf32, #tpu.memory_space<vmem>>
        %gather3A_731 = tpu.vector_load_idx %gather3A_730[%add3A_624, %and3A_725] : memref<64x128xf32, #tpu.memory_space<vmem>>[vector<16xi32>, vector<16xi32>], vector<16xf32>,
        %gather3A_732 = arith.constant 3 : i32
        %gather3A_733 = arith.constant 0 : i32
        %gather3A_734 = arith.constant 0 : i32
        %gather3A_735 = tpu.memref_slice %arg10[%gather3A_732, %gather3A_733, %gather3A_734] : memref<4x64x128xf32, #tpu.memory_space<vmem>> -> memref<1x64x128xf32, #tpu.memory_space<vmem>>
        %gather3A_736 = tpu.memref_squeeze %gather3A_735 : memref<1x64x128xf32, #tpu.memory_space<vmem>> -> memref<64x128xf32, #tpu.memory_space<vmem>>
        %gather3A_737 = tpu.vector_load_idx %gather3A_736[%add3A_624, %and3A_725] : memref<64x128xf32, #tpu.memory_space<vmem>>[vector<16xi32>, vector<16xi32>], vector<16xf32>,
        %mul3A_738 = arith.mulf %gather3A_731, %gather3A_737 : vector<16xf32>
        %add3A_739 = arith.addf %add3A_718, %mul3A_738 : vector<16xf32>
        %scan3A_740 = arith.constant 5 : i32
        %scan3A_741 = arith.addi %scan3A_637, %scan3A_740 : i32
        %broadcast_in_dim3A_742 = vector.broadcast %scan3A_741 : i32 to vector<16xi32>
        %add3A_743 = arith.addi %broadcast_in_dim3A_742, %iota3A : vector<16xi32>
        %and3A_744 = arith.constant 127 : i32
        %and3A_745 = vector.broadcast %and3A_744 : i32 to vector<16xi32>
        %and3A_746 = arith.andi %add3A_743, %and3A_745 : vector<16xi32>
        %gather3A_747 = arith.constant 3 : i32
        %gather3A_748 = arith.constant 0 : i32
        %gather3A_749 = arith.constant 0 : i32
        %gather3A_750 = tpu.memref_slice %arg9[%gather3A_747, %gather3A_748, %gather3A_749] : memref<4x64x128xf32, #tpu.memory_space<vmem>> -> memref<1x64x128xf32, #tpu.memory_space<vmem>>
        %gather3A_751 = tpu.memref_squeeze %gather3A_750 : memref<1x64x128xf32, #tpu.memory_space<vmem>> -> memref<64x128xf32, #tpu.memory_space<vmem>>
        %gather3A_752 = tpu.vector_load_idx %gather3A_751[%add3A_624, %and3A_746] : memref<64x128xf32, #tpu.memory_space<vmem>>[vector<16xi32>, vector<16xi32>], vector<16xf32>,
        %gather3A_753 = arith.constant 3 : i32
        %gather3A_754 = arith.constant 0 : i32
        %gather3A_755 = arith.constant 0 : i32
        %gather3A_756 = tpu.memref_slice %arg10[%gather3A_753, %gather3A_754, %gather3A_755] : memref<4x64x128xf32, #tpu.memory_space<vmem>> -> memref<1x64x128xf32, #tpu.memory_space<vmem>>
        %gather3A_757 = tpu.memref_squeeze %gather3A_756 : memref<1x64x128xf32, #tpu.memory_space<vmem>> -> memref<64x128xf32, #tpu.memory_space<vmem>>
        %gather3A_758 = tpu.vector_load_idx %gather3A_757[%add3A_624, %and3A_746] : memref<64x128xf32, #tpu.memory_space<vmem>>[vector<16xi32>, vector<16xi32>], vector<16xf32>,
        %mul3A_759 = arith.mulf %gather3A_752, %gather3A_758 : vector<16xf32>
        %add3A_760 = arith.addf %add3A_739, %mul3A_759 : vector<16xf32>
        %scan3A_761 = arith.constant 6 : i32
        %scan3A_762 = arith.addi %scan3A_637, %scan3A_761 : i32
        %broadcast_in_dim3A_763 = vector.broadcast %scan3A_762 : i32 to vector<16xi32>
        %add3A_764 = arith.addi %broadcast_in_dim3A_763, %iota3A : vector<16xi32>
        %and3A_765 = arith.constant 127 : i32
        %and3A_766 = vector.broadcast %and3A_765 : i32 to vector<16xi32>
        %and3A_767 = arith.andi %add3A_764, %and3A_766 : vector<16xi32>
        %gather3A_768 = arith.constant 3 : i32
        %gather3A_769 = arith.constant 0 : i32
        %gather3A_770 = arith.constant 0 : i32
        %gather3A_771 = tpu.memref_slice %arg9[%gather3A_768, %gather3A_769, %gather3A_770] : memref<4x64x128xf32, #tpu.memory_space<vmem>> -> memref<1x64x128xf32, #tpu.memory_space<vmem>>
        %gather3A_772 = tpu.memref_squeeze %gather3A_771 : memref<1x64x128xf32, #tpu.memory_space<vmem>> -> memref<64x128xf32, #tpu.memory_space<vmem>>
        %gather3A_773 = tpu.vector_load_idx %gather3A_772[%add3A_624, %and3A_767] : memref<64x128xf32, #tpu.memory_space<vmem>>[vector<16xi32>, vector<16xi32>], vector<16xf32>,
        %gather3A_774 = arith.constant 3 : i32
        %gather3A_775 = arith.constant 0 : i32
        %gather3A_776 = arith.constant 0 : i32
        %gather3A_777 = tpu.memref_slice %arg10[%gather3A_774, %gather3A_775, %gather3A_776] : memref<4x64x128xf32, #tpu.memory_space<vmem>> -> memref<1x64x128xf32, #tpu.memory_space<vmem>>
        %gather3A_778 = tpu.memref_squeeze %gather3A_777 : memref<1x64x128xf32, #tpu.memory_space<vmem>> -> memref<64x128xf32, #tpu.memory_space<vmem>>
        %gather3A_779 = tpu.vector_load_idx %gather3A_778[%add3A_624, %and3A_767] : memref<64x128xf32, #tpu.memory_space<vmem>>[vector<16xi32>, vector<16xi32>], vector<16xf32>,
        %mul3A_780 = arith.mulf %gather3A_773, %gather3A_779 : vector<16xf32>
        %add3A_781 = arith.addf %add3A_760, %mul3A_780 : vector<16xf32>
        %scan3A_782 = arith.constant 7 : i32
        %scan3A_783 = arith.addi %scan3A_637, %scan3A_782 : i32
        %broadcast_in_dim3A_784 = vector.broadcast %scan3A_783 : i32 to vector<16xi32>
        %add3A_785 = arith.addi %broadcast_in_dim3A_784, %iota3A : vector<16xi32>
        %and3A_786 = arith.constant 127 : i32
        %and3A_787 = vector.broadcast %and3A_786 : i32 to vector<16xi32>
        %and3A_788 = arith.andi %add3A_785, %and3A_787 : vector<16xi32>
        %gather3A_789 = arith.constant 3 : i32
        %gather3A_790 = arith.constant 0 : i32
        %gather3A_791 = arith.constant 0 : i32
        %gather3A_792 = tpu.memref_slice %arg9[%gather3A_789, %gather3A_790, %gather3A_791] : memref<4x64x128xf32, #tpu.memory_space<vmem>> -> memref<1x64x128xf32, #tpu.memory_space<vmem>>
        %gather3A_793 = tpu.memref_squeeze %gather3A_792 : memref<1x64x128xf32, #tpu.memory_space<vmem>> -> memref<64x128xf32, #tpu.memory_space<vmem>>
        %gather3A_794 = tpu.vector_load_idx %gather3A_793[%add3A_624, %and3A_788] : memref<64x128xf32, #tpu.memory_space<vmem>>[vector<16xi32>, vector<16xi32>], vector<16xf32>,
        %gather3A_795 = arith.constant 3 : i32
        %gather3A_796 = arith.constant 0 : i32
        %gather3A_797 = arith.constant 0 : i32
        %gather3A_798 = tpu.memref_slice %arg10[%gather3A_795, %gather3A_796, %gather3A_797] : memref<4x64x128xf32, #tpu.memory_space<vmem>> -> memref<1x64x128xf32, #tpu.memory_space<vmem>>
        %gather3A_799 = tpu.memref_squeeze %gather3A_798 : memref<1x64x128xf32, #tpu.memory_space<vmem>> -> memref<64x128xf32, #tpu.memory_space<vmem>>
        %gather3A_800 = tpu.vector_load_idx %gather3A_799[%add3A_624, %and3A_788] : memref<64x128xf32, #tpu.memory_space<vmem>>[vector<16xi32>, vector<16xi32>], vector<16xf32>,
        %mul3A_801 = arith.mulf %gather3A_794, %gather3A_800 : vector<16xf32>
        %add3A_802 = arith.addf %add3A_781, %mul3A_801 : vector<16xf32>
        scf.yield %add3A_802 : vector<16xf32>
      }
      %scan3A_631 = arith.constant 128 : i32
      %mul3A_632 = arith.constant 16 : i32
      %mul3A_633 = arith.muli %scan3A_620, %mul3A_632 : i32
      %add3A_634 = arith.constant 448 : i32
      %add3A_635 = arith.addi %add3A_634, %mul3A_633 : i32
      %swap3A = arith.index_cast %add3A_635 : i32 to index
      %swap3A_636 = tpu.vector_load %arg11[%swap3A] {strides = array<i32>} : memref<512xf32, #tpu.memory_space<vmem>>, vector<16xf32>,
      tpu.vector_store %arg11[%swap3A], %scan3A_630 {strides = array<i32>} : memref<512xf32, #tpu.memory_space<vmem>>, vector<16xf32>,
    }
    %scan3A_563 = arith.constant 4 : i32
    %add3A_564 = arith.constant 448 : i32
    %add3A_565 = arith.addi %mul3A_2, %add3A_564 : i32
    %dma_start3A_566 = arith.constant 448 : i32
    %dma_start3A_567 = tpu.memref_slice %arg11[%dma_start3A_566] : memref<512xf32, #tpu.memory_space<vmem>> -> memref<64xf32, #tpu.memory_space<vmem>>
    %dma_start3A_568 = tpu.memref_slice %arg6[%add3A_565] : memref<16384xf32, #tpu.memory_space<hbm>> -> memref<64xf32, #tpu.memory_space<hbm>>
    %dma_start3A_569 = tpu.memref_slice %arg6[%add3A_565] : memref<16384xf32, #tpu.memory_space<hbm>> -> memref<64xf32, #tpu.memory_space<hbm>>
    %dma_start3A_570 = arith.constant 448 : i32
    %dma_start3A_571 = tpu.memref_slice %arg11[%dma_start3A_570] : memref<512xf32, #tpu.memory_space<vmem>> -> memref<64xf32, #tpu.memory_space<vmem>>
    tpu.enqueue_dma source(%dma_start3A_571 : memref<64xf32, #tpu.memory_space<vmem>>) target(%dma_start3A_569 : memref<64xf32, #tpu.memory_space<hbm>>) target_semaphore(%arg15 : memref<!tpu.dma_semaphore, #tpu.memory_space<semaphore_mem>>)
    %dma_wait3A_572 = arith.constant 0 : i32
    %dma_wait3A_573 = tpu.memref_slice %arg11[%dma_wait3A_572] : memref<512xf32, #tpu.memory_space<vmem>> -> memref<64xf32, #tpu.memory_space<vmem>>
    %dma_wait3A_574 = tpu.memref_slice %arg6[%add3A_214] : memref<16384xf32, #tpu.memory_space<hbm>> -> memref<64xf32, #tpu.memory_space<hbm>>
    %dma_wait3A_575 = tpu.memref_slice %arg6[%add3A_214] : memref<16384xf32, #tpu.memory_space<hbm>> -> memref<64xf32, #tpu.memory_space<hbm>>
    %dma_wait3A_576 = arith.constant 0 : i32
    %dma_wait3A_577 = tpu.memref_slice %arg11[%dma_wait3A_576] : memref<512xf32, #tpu.memory_space<vmem>> -> memref<64xf32, #tpu.memory_space<vmem>>
    tpu.wait_dma2 semaphore(%arg15 : memref<!tpu.dma_semaphore, #tpu.memory_space<semaphore_mem>>) src(%dma_wait3A_577 : memref<64xf32, #tpu.memory_space<vmem>>) dst(%dma_wait3A_575 : memref<64xf32, #tpu.memory_space<hbm>>)
    %dma_wait3A_578 = arith.constant 64 : i32
    %dma_wait3A_579 = tpu.memref_slice %arg11[%dma_wait3A_578] : memref<512xf32, #tpu.memory_space<vmem>> -> memref<64xf32, #tpu.memory_space<vmem>>
    %dma_wait3A_580 = tpu.memref_slice %arg6[%add3A_279] : memref<16384xf32, #tpu.memory_space<hbm>> -> memref<64xf32, #tpu.memory_space<hbm>>
    %dma_wait3A_581 = tpu.memref_slice %arg6[%add3A_279] : memref<16384xf32, #tpu.memory_space<hbm>> -> memref<64xf32, #tpu.memory_space<hbm>>
    %dma_wait3A_582 = arith.constant 64 : i32
    %dma_wait3A_583 = tpu.memref_slice %arg11[%dma_wait3A_582] : memref<512xf32, #tpu.memory_space<vmem>> -> memref<64xf32, #tpu.memory_space<vmem>>
    tpu.wait_dma2 semaphore(%arg15 : memref<!tpu.dma_semaphore, #tpu.memory_space<semaphore_mem>>) src(%dma_wait3A_583 : memref<64xf32, #tpu.memory_space<vmem>>) dst(%dma_wait3A_581 : memref<64xf32, #tpu.memory_space<hbm>>)
    %dma_wait3A_584 = arith.constant 128 : i32
    %dma_wait3A_585 = tpu.memref_slice %arg11[%dma_wait3A_584] : memref<512xf32, #tpu.memory_space<vmem>> -> memref<64xf32, #tpu.memory_space<vmem>>
    %dma_wait3A_586 = tpu.memref_slice %arg6[%add3A_344] : memref<16384xf32, #tpu.memory_space<hbm>> -> memref<64xf32, #tpu.memory_space<hbm>>
    %dma_wait3A_587 = tpu.memref_slice %arg6[%add3A_344] : memref<16384xf32, #tpu.memory_space<hbm>> -> memref<64xf32, #tpu.memory_space<hbm>>
    %dma_wait3A_588 = arith.constant 128 : i32
    %dma_wait3A_589 = tpu.memref_slice %arg11[%dma_wait3A_588] : memref<512xf32, #tpu.memory_space<vmem>> -> memref<64xf32, #tpu.memory_space<vmem>>
    tpu.wait_dma2 semaphore(%arg15 : memref<!tpu.dma_semaphore, #tpu.memory_space<semaphore_mem>>) src(%dma_wait3A_589 : memref<64xf32, #tpu.memory_space<vmem>>) dst(%dma_wait3A_587 : memref<64xf32, #tpu.memory_space<hbm>>)
    %dma_wait3A_590 = arith.constant 192 : i32
    %dma_wait3A_591 = tpu.memref_slice %arg11[%dma_wait3A_590] : memref<512xf32, #tpu.memory_space<vmem>> -> memref<64xf32, #tpu.memory_space<vmem>>
    %dma_wait3A_592 = tpu.memref_slice %arg6[%add3A_409] : memref<16384xf32, #tpu.memory_space<hbm>> -> memref<64xf32, #tpu.memory_space<hbm>>
    %dma_wait3A_593 = tpu.memref_slice %arg6[%add3A_409] : memref<16384xf32, #tpu.memory_space<hbm>> -> memref<64xf32, #tpu.memory_space<hbm>>
    %dma_wait3A_594 = arith.constant 192 : i32
    %dma_wait3A_595 = tpu.memref_slice %arg11[%dma_wait3A_594] : memref<512xf32, #tpu.memory_space<vmem>> -> memref<64xf32, #tpu.memory_space<vmem>>
    tpu.wait_dma2 semaphore(%arg15 : memref<!tpu.dma_semaphore, #tpu.memory_space<semaphore_mem>>) src(%dma_wait3A_595 : memref<64xf32, #tpu.memory_space<vmem>>) dst(%dma_wait3A_593 : memref<64xf32, #tpu.memory_space<hbm>>)
    %dma_wait3A_596 = arith.constant 256 : i32
    %dma_wait3A_597 = tpu.memref_slice %arg11[%dma_wait3A_596] : memref<512xf32, #tpu.memory_space<vmem>> -> memref<64xf32, #tpu.memory_space<vmem>>
    %dma_wait3A_598 = tpu.memref_slice %arg6[%add3A_448] : memref<16384xf32, #tpu.memory_space<hbm>> -> memref<64xf32, #tpu.memory_space<hbm>>
    %dma_wait3A_599 = tpu.memref_slice %arg6[%add3A_448] : memref<16384xf32, #tpu.memory_space<hbm>> -> memref<64xf32, #tpu.memory_space<hbm>>
    %dma_wait3A_600 = arith.constant 256 : i32
    %dma_wait3A_601 = tpu.memref_slice %arg11[%dma_wait3A_600] : memref<512xf32, #tpu.memory_space<vmem>> -> memref<64xf32, #tpu.memory_space<vmem>>
    tpu.wait_dma2 semaphore(%arg15 : memref<!tpu.dma_semaphore, #tpu.memory_space<semaphore_mem>>) src(%dma_wait3A_601 : memref<64xf32, #tpu.memory_space<vmem>>) dst(%dma_wait3A_599 : memref<64xf32, #tpu.memory_space<hbm>>)
    %dma_wait3A_602 = arith.constant 320 : i32
    %dma_wait3A_603 = tpu.memref_slice %arg11[%dma_wait3A_602] : memref<512xf32, #tpu.memory_space<vmem>> -> memref<64xf32, #tpu.memory_space<vmem>>
    %dma_wait3A_604 = tpu.memref_slice %arg6[%add3A_487] : memref<16384xf32, #tpu.memory_space<hbm>> -> memref<64xf32, #tpu.memory_space<hbm>>
    %dma_wait3A_605 = tpu.memref_slice %arg6[%add3A_487] : memref<16384xf32, #tpu.memory_space<hbm>> -> memref<64xf32, #tpu.memory_space<hbm>>
    %dma_wait3A_606 = arith.constant 320 : i32
    %dma_wait3A_607 = tpu.memref_slice %arg11[%dma_wait3A_606] : memref<512xf32, #tpu.memory_space<vmem>> -> memref<64xf32, #tpu.memory_space<vmem>>
    tpu.wait_dma2 semaphore(%arg15 : memref<!tpu.dma_semaphore, #tpu.memory_space<semaphore_mem>>) src(%dma_wait3A_607 : memref<64xf32, #tpu.memory_space<vmem>>) dst(%dma_wait3A_605 : memref<64xf32, #tpu.memory_space<hbm>>)
    %dma_wait3A_608 = arith.constant 384 : i32
    %dma_wait3A_609 = tpu.memref_slice %arg11[%dma_wait3A_608] : memref<512xf32, #tpu.memory_space<vmem>> -> memref<64xf32, #tpu.memory_space<vmem>>
    %dma_wait3A_610 = tpu.memref_slice %arg6[%add3A_526] : memref<16384xf32, #tpu.memory_space<hbm>> -> memref<64xf32, #tpu.memory_space<hbm>>
    %dma_wait3A_611 = tpu.memref_slice %arg6[%add3A_526] : memref<16384xf32, #tpu.memory_space<hbm>> -> memref<64xf32, #tpu.memory_space<hbm>>
    %dma_wait3A_612 = arith.constant 384 : i32
    %dma_wait3A_613 = tpu.memref_slice %arg11[%dma_wait3A_612] : memref<512xf32, #tpu.memory_space<vmem>> -> memref<64xf32, #tpu.memory_space<vmem>>
    tpu.wait_dma2 semaphore(%arg15 : memref<!tpu.dma_semaphore, #tpu.memory_space<semaphore_mem>>) src(%dma_wait3A_613 : memref<64xf32, #tpu.memory_space<vmem>>) dst(%dma_wait3A_611 : memref<64xf32, #tpu.memory_space<hbm>>)
    %dma_wait3A_614 = arith.constant 448 : i32
    %dma_wait3A_615 = tpu.memref_slice %arg11[%dma_wait3A_614] : memref<512xf32, #tpu.memory_space<vmem>> -> memref<64xf32, #tpu.memory_space<vmem>>
    %dma_wait3A_616 = tpu.memref_slice %arg6[%add3A_565] : memref<16384xf32, #tpu.memory_space<hbm>> -> memref<64xf32, #tpu.memory_space<hbm>>
    %dma_wait3A_617 = tpu.memref_slice %arg6[%add3A_565] : memref<16384xf32, #tpu.memory_space<hbm>> -> memref<64xf32, #tpu.memory_space<hbm>>
    %dma_wait3A_618 = arith.constant 448 : i32
    %dma_wait3A_619 = tpu.memref_slice %arg11[%dma_wait3A_618] : memref<512xf32, #tpu.memory_space<vmem>> -> memref<64xf32, #tpu.memory_space<vmem>>
    tpu.wait_dma2 semaphore(%arg15 : memref<!tpu.dma_semaphore, #tpu.memory_space<semaphore_mem>>) src(%dma_wait3A_619 : memref<64xf32, #tpu.memory_space<vmem>>) dst(%dma_wait3A_617 : memref<64xf32, #tpu.memory_space<hbm>>)
    return
  }
}

</mosaic_0001>

<sc_bundles>
// kernel: kernel.3.cloned.1.call-start
scs
__scs_entry_jumppad:
0x0: {  	(pc) =	sbr.rel $0x88, $3  }
0x1: {  	(tag) =	ssettag $0x0;
	lr =	simm.s32 $0x1  }
0x2: {  	[smem:$0x3F9D] =	sst lr;
	_ =	strace $0xD0000000  }
0x3: {  	_ = 	snop  }
0x4: {  	_ = 	snop  }
0x5: {  	_ = 	snop  }
0x6: {  	_ = 	snop  }
0x7: {  	_ = 	snop  }
__scs_overlays_trampoline_lowered:
0x8: {  	[smem:$0x3FAC] =	sst s0  }
0x9: {  	[smem:$0x3FAD] =	sst s1  }
0xa: {  	[smem:$0x3FAE] =	sst s2  }
0xb: {  	[smem:$0x3FAF] =	sst s3  }
0xc: {  	[smem:$0x3FB0] =	sst s4  }
0xd: {  	[smem:$0x3FB1] =	sst s5  }
0xe: {  	[smem:$0x3FB2] =	sst s6  }
0xf: {  	[smem:$0x3FB3] =	sst s7  }
0x10: {  	[smem:$0x3FB4] =	sst s8  }
0x11: {  	[smem:$0x3FB5] =	sst s9;
	s0 =	simm.s32 @!p0 $0x0  }
0x12: {  	s1 =	sld [smem:$0x3F9B];
	s0 =	simm.s32 @p0 $0x1  }
0x13: {  	[smem:$0x3FB6] =	sst s0;
	s0 =	simm.s32 @!p1 $0x0  }
0x14: {  	s2 =	sld [smem:$0x3F9A];
	s0 =	simm.s32 @p1 $0x1  }
0x15: {  	[smem:$0x3FB7] =	sst s0;
	s0 =	simm.s32 @!p2 $0x0  }
0x16: {  	s3 =	sld [smem:$0x3FDB];
	s0 =	simm.s32 @p2 $0x1  }
0x17: {  	s4 =	simm.s32 $0x1BF5;
	[smem:$0x3FB9] =	sst s0  }
0x18: {  	s0 =	sld [smem:$0x3F9C];
	_ =	swait.ge [sflag:s4], $0x0  }
0x19: {  	s7 =	sld [smem:$0x3F9D]  }
0x1a: {  	s8 =	sadd.s32 $0xFFFFE003, lr  }
0x1b: {  	s9 =	sadd.s32 $0xFFFFFEF7, lr;
	s5 =	simm.s32 $0xFFFFFFFF;
	p2 =	slt.u32 s8, $0xFFFFF086  }
0x1c: {  	p1 =	slt.u32 s9, $0xF7A;
	s5 =	simm.s32 @!p2 $0x0  }
0x1d: {  	s5 =	simm.s32 @p1 $0x1;
	p0 =	seq.s32 s7, s2  }
0x1e: {  	s7 =	smul.u32 @!p0 $0xF7A, s2;
	p2 =	seq.s32 @!p0 s5, $0x0  }
0x1f: {  	s9 =	smul.u32 $0xF7A, s1;
	s8 =	simm.s32 @!p0 $0x1BF5;
	p2 =	por !p2, p0  }
0x20: {  	[sflag:s8] =	ssyncset.s32 @!p0 $0xFFFFF086;
	s6 =	sadd.s32 @!p0 s3, s7;
	s7 =	simm.s32 @!p0 $0x108  }
0x21: {  	s3 =	sadd.s32 s3, s9;
	s6 =	sadd.s32 @!p0 $0x88, s6;
	s7 =	simm.s32 @p2 $0x1082  }
0x22: {  	[simem:s7], [sflag:s8] =	dma.local @!p0 [hbm:s6], $0xF7A  }
0x23: {  	s9 =	sor.u32 $0xD0000000, s2;
	s6 =	simm.s32 $0x108;
	_ =	swait.ge @!p0 [sflag:s8], $0x0  }
0x24: {  	s3 =	sadd.s32 $0x88, s3;
	s6 =	simm.s32 @!p1 $0x1082;
	[sflag:s4] =	ssyncset.s32 $0xFFFFF086  }
0x25: {  	[simem:s6], [sflag:s4] =	dma.local [hbm:s3], $0xF7A  }
0x26: {  	[smem:$0x3F9D] =	sst s1;
	(tag) =	ssettag s2;
	_ =	strace s9  }
0x27: {  	s1 =	sld [smem:$0x3FAD]  }
0x28: {  	s2 =	sld [smem:$0x3FAE]  }
0x29: {  	s4 =	sld [smem:$0x3FB0]  }
0x2a: {  	p0 =	seq.s32 s5, $0x0;
	s5 =	sld [smem:$0x3FB1]  }
0x2b: {  	s6 =	sld [smem:$0x3FB2]  }
0x2c: {  	s7 =	sld [smem:$0x3FB3]  }
0x2d: {  	s3 =	simm.s32 $0x108;
	s8 =	sld [smem:$0x3FB4]  }
0x2e: {  	s3 =	simm.s32 @!p0 $0x1082;
	s9 =	sld [smem:$0x3FB5]  }
0x2f: {  	lr =	sadd.s32 s0, s3;
	s0 =	sld [smem:$0x3FAC]  }
0x30: {  	s3 =	sld [smem:$0x3FAF]  }
0x31: {  	[smem:$0x3FB8] =	sst s10  }
0x32: {  	s10 =	sld [smem:$0x3FB6];
	_ =	sdelay $0x3  }
0x33: {  	p0 =	seq.s32 s10, $0x1;
	s10 =	sld [smem:$0x3FB8];
	_ =	sdelay $0x3  }
0x34: {  	[smem:$0x3FB8] =	sst s10  }
0x35: {  	s10 =	sld [smem:$0x3FB7];
	_ =	sdelay $0x3  }
0x36: {  	p1 =	seq.s32 s10, $0x1;
	s10 =	sld [smem:$0x3FB8];
	_ =	sdelay $0x3  }
0x37: {  	[smem:$0x3FB8] =	sst s10  }
0x38: {  	s10 =	sld [smem:$0x3FB9]  }
0x39: {  	_ = 	snop;
	(pc) =	sbr.ind lr, $3  }
0x3a: {  	_ = 	snop  }
0x3b: {  	_ = 	snop  }
0x3c: {  	p2 =	seq.s32 s10, $0x1;
	s10 =	sld [smem:$0x3FB8]  }
0x3d: {  	_ =	shalt  }
0x3e: {  	_ =	shalt  }
0x3f: {  	_ =	shalt  }
0x40: {  	_ =	shalt  }
0x41: {  	_ =	shalt  }
0x42: {  	_ =	shalt  }
0x43: {  	_ =	shalt  }
0x44: {  	_ =	shalt  }
0x45: {  	_ =	shalt  }
0x46: {  	_ =	shalt  }
0x47: {  	_ =	shalt  }
0x48: {  	_ =	shalt  }
0x49: {  	_ =	shalt  }
0x4a: {  	_ =	shalt  }
0x4b: {  	_ =	shalt  }
0x4c: {  	_ =	shalt  }
0x4d: {  	_ =	shalt  }
0x4e: {  	_ =	shalt  }
0x4f: {  	_ =	shalt  }
0x50: {  	_ =	shalt  }
0x51: {  	_ =	shalt  }
0x52: {  	_ =	shalt  }
0x53: {  	_ =	shalt  }
0x54: {  	_ =	shalt  }
0x55: {  	_ =	shalt  }
0x56: {  	_ =	shalt  }
0x57: {  	_ =	shalt  }
0x58: {  	_ =	shalt  }
0x59: {  	_ =	shalt  }
0x5a: {  	_ =	shalt  }
0x5b: {  	_ =	shalt  }
0x5c: {  	_ =	shalt  }
0x5d: {  	_ =	shalt  }
0x5e: {  	_ =	shalt  }
0x5f: {  	_ =	shalt  }
0x60: {  	_ =	shalt  }
0x61: {  	_ =	shalt  }
0x62: {  	_ =	shalt  }
0x63: {  	_ =	shalt  }
0x64: {  	_ =	shalt  }
0x65: {  	_ =	shalt  }
0x66: {  	_ =	shalt  }
0x67: {  	_ =	shalt  }
0x68: {  	_ =	shalt  }
0x69: {  	_ =	shalt  }
0x6a: {  	_ =	shalt  }
0x6b: {  	_ =	shalt  }
0x6c: {  	_ =	shalt  }
0x6d: {  	_ =	shalt  }
0x6e: {  	_ =	shalt  }
0x6f: {  	_ =	shalt  }
0x70: {  	_ =	shalt  }
0x71: {  	_ =	shalt  }
0x72: {  	_ =	shalt  }
0x73: {  	_ =	shalt  }
0x74: {  	_ =	shalt  }
0x75: {  	_ =	shalt  }
0x76: {  	_ =	shalt  }
0x77: {  	_ =	shalt  }
0x78: {  	_ =	shalt  }
0x79: {  	_ =	shalt  }
0x7a: {  	_ =	shalt  }
0x7b: {  	_ =	shalt  }
0x7c: {  	_ =	shalt  }
0x7d: {  	_ =	shalt  }
0x7e: {  	_ =	shalt  }
0x7f: {  	_ =	shalt  }
0x80: {  	_ =	shalt  }
0x81: {  	_ =	shalt  }
0x82: {  	_ =	shalt  }
0x83: {  	_ =	shalt  }
0x84: {  	_ =	shalt  }
0x85: {  	_ =	shalt  }
0x86: {  	_ =	shalt  }
0x87: {  	_ =	shalt  }
.Lfunc_end0:
.L_simem_size_0:
called_computation_lowered:
.L_overlay_start_0:
0x88: {  	s2 =	sld [smem:$0x3FD9]  }
0x89: {  	s3 =	sld [smem:$0x3FFE];
	_ =	sdelay $0x1  }
0x8a: {  	s1 =	srdreg.scid  }
0x8b: {  	s0 =	sand.u32 $0x1, s1  }
0x8c: {  	s18 =	sshll.u32 s0, $0xA;
	s2 =	sadd.s32 s3, s2  }
0x8d: {  	s2 =	sadd.s32 s2, s18  }
0x8e: {  	[smem:$0x3FC4] =	sst s2  }
0x8f: {  	_ = 	snop  }
0x90: {  	s2 =	sld [smem:$0x3FC9]  }
0x91: {  	s19 =	sld [smem:$0x3FC8]  }
0x92: {  	s4 =	sld [smem:$0x3FC7]  }
0x93: {  	s5 =	sld [smem:$0x3FC6]  }
0x94: {  	s6 =	sld [smem:$0x3FD0];
	(tm) =	ssettm $0x1  }
0x95: {  	s7 =	sld [smem:$0x3FFB];
	_ =	sdelay $0x3  }
0x96: {  	_ =	strace s7  }
0x97: {  	s7 =	sld [smem:$0x3FFC];
	_ =	sdelay $0x3  }
0x98: {  	_ =	strace s7  }
0x99: {  	s7 =	sld [smem:$0x3FFD];
	_ =	sdelay $0x3  }
0x9a: {  	_ =	strace s7  }
0x9b: {  	_ =	strace $0x8FFFFFFF  }
0x9c: {  	s20 =	sld [smem:$0x3FDB];
	_ =	sdelay $0x1  }
0x9d: {  	s8 =	simm.s32 $_scs_section_size  }
0x9e: {  	s9 =	simm.s32 $_size__tile_overlayer_lowered;
	s10 =	simm.s32 $_tile_overlayer_lowered  }
0x9f: {  	s23 =	simm.s32 $0x1BFF;
	s22 =	sshll.u32 s10, $0x1;
	s7 =	sadd.s32 s8, s20  }
0xa0: {  	s11 =	simm.s32 $0x0;
	s21 =	sshll.u32 s9, $0x1;
	s9 =	sadd.s32 s22, s7  }
0xa1: {  	[timem:s11], [sflag:s23] =	dma.local [hbm:s9], s21  }
0xa2: {  	_ =	swait.ge [sflag:s23], s21  }
0xa3: {  	s8 =	ssub.s32 $0x0, s21;
	[sflag:s23] =	ssyncset.done $0x0  }
0xa4: {  	[sflag:s23] =	ssyncadd.s32 s8;
	_ =	sdelay $0x1  }
0xa5: {  	s24 =	simm.s32 $0x1B8B  }
0xa6: {  	_ =	swait.ge [sflag:s24], $0x1  }
0xa7: {  	[sflag:s24] =	ssyncset.done $0x0  }
0xa8: {  	s25 =	simm.s32 $0x1B8E;
	[sflag:s24] =	ssyncadd.s32 $0xFFFFFFFF  }
0xa9: {  	s26 =	simm.s32 $execute0_lowered;
	[smem:$0x3FD2] =	sst s25  }
0xaa: {  	s8 =	sshll.u32 s26, $0x1;
	_ =	strace $0x80000046;
	[dreg:$0x1] =	wrdreg $0xFFFFFFFF  }
0xab: {  	s28 =	simm.s32 $_size_execute0_lowered;
	s7 =	sadd.s32 s7, s8;
	[dreg:$0x0] =	wrdreg $0x0  }
0xac: {  	s8 =	sshll.u32 s28, $0x1;
	[dreg:$0x2] =	wrdreg s7  }
0xad: {  	[dreg:$0x3] =	wrdreg s8  }
0xae: {  	[dreg:$0x4] =	wrdreg $0xC0  }
0xaf: {  	_ =	task [dreg:s11], $0x5FFFF  }
0xb0: {  	[dreg:$0x1] =	wrdreg $0xFFFFFFFF  }
0xb1: {  	[dreg:$0x0] =	wrdreg $0x60  }
0xb2: {  	[dreg:$0x2] =	wrdreg s2  }
0xb3: {  	[dreg:$0x3] =	wrdreg s19  }
0xb4: {  	[dreg:$0x4] =	wrdreg s4  }
0xb5: {  	[dreg:$0x5] =	wrdreg s5  }
0xb6: {  	[dreg:$0x6] =	wrdreg s6  }
0xb7: {  	[dreg:$0x7] =	wrdreg $0x9  }
0xb8: {  	_ =	task.clear_ibuf [dreg:s11], $0x8FFFF;
	_ =	strace $0x90000046  }
0xb9: {  	s29 =	simm.s32 $0x9;
	_ =	strace $0x80000048  }
0xba: {  	_ =	swait.ge [sflag:s29], $0x1  }
0xbb: {  	[sflag:s29] =	ssyncadd.s32 $0xFFFFFFFF  }
0xbc: {  	_ =	strace $0x90000048  }
0xbd: {  	_ =	sfence  }
0xbe: {  	s30 =	sld [smem:$0x0];
	_ =	sdelay $0x2  }
0xbf: {  	s31 =	sshll.u32 s1, $0xD;
	s1 =	sshrl.u32 s1, $0x2  }
0xc0: {  	s3 =	sand.u32 $0x4000, s31;
	s1 =	sadd.s32 s1, s30  }
0xc1: {  	s0 =	sor.u32 s3, s0;
	s1 =	sshll.u32 s1, $0x11  }
0xc2: {  	s0 =	sor.u32 s1, s0  }
0xc3: {  	s0 =	sadd.s32 $0x8F2B, s0  }
0xc4: {  	[sflag:s0] =	ssyncadd.remote.s32 $0x1  }
0xc5: {  	_ =	sfence.sel $0xFFFF  }
0xc6: {  	[dreg:$0x0] =	wrdreg $0xFFFFFFFF;
	(pc) =	sbr.abs _section_cstart, $3  }
0xc7: {  	[dreg:$0x1] =	wrdreg $0xFFFFFFFF  }
0xc8: {  	_ =	task.clear_ibuf [dreg:s11], $0x2FFFF;
	_ =	strace $0x9FFFFFFF  }
0xc9: {  	(tm) =	ssettm $0x7FFFFFFF  }
tec
execute0_lowered:
.L_overlay_start_1:
0x0: {  	(tag) =	ssettag $0x1  }
0x1: {  	s0 =	rddreg [dreg:$0x0]  }
0x2: {  	s3 =	rddreg [dreg:$0x1]  }
0x3: {  	s1 =	rddreg [dreg:$0x2]  }
0x4: {  	s2 =	rddreg [dreg:$0x3]  }
0x5: {  	s5 =	rddreg [dreg:$0x4]  }
0x6: {  	s4 =	simm.s32 $0x0;
	s6 =	srdreg.scid;
	s8 =	stileid.u32  }
0x7: {  	s28 =	simm.s32 $0x4400;
	s30 =	simm.s32 $0xC400;
	s29 =	simm.s32 $0x2  }
0x8: {  	s31 =	simm.s32 $0x6;
	s10 =	simm.s32 $0x0;
	s6 =	sand.u32 $0x1, s6  }
0x9: {  	s8 =	sshll.u32 s8, $0x7;
	s7 =	ssub.s32 $0x2, s6;
	s6 =	sshll.u32 s6, $0x6  }
0xa: {  	[smem:$0x7FF] =	sst s4;
	s9 =	sshrl.u32 s7, $0x1;
	s6 =	sor.u32 s6, s8  }
0xb: {  	_ =	strace $0x80000047;
	s7 =	ssub.s32 s7, s9;
	s8 =	sadd.s32 s0, s6  }
0xc: {  	s17 =	sor.u32 $0x8, s6;
	s18 =	sadd.s32 s3, s6;
	[dreg:$0x6] =	wrdreg s8  }
0xd: {  	s9 =	simm.s32 $0xA;
	[dreg:$0x7] =	wrdreg s18;
	s0 =	sadd.s32 s0, s17  }
0xe: {  	s8 =	sadd.s32 s5, s6;
	s19 =	sadd.s32 s3, s17;
	[dreg:$0x8] =	wrdreg s0  }
0xf: {  	s20 =	sadd.s32 s5, s17;
	s17 =	smax.u32 s7, $0x1;
	[dreg:$0x9] =	wrdreg s19  }
0x10: {  	s3 =	simm.s32 $0x3;
	[dreg:$0xa] =	wrdreg s20;
	s21 =	sadd.s32 $0x10, s8  }
0x11: {  	s18 =	simm.s32 $0x7;
	s22 =	sadd.s32 $0x18, s8;
	[dreg:$0xb] =	wrdreg s21  }
0x12: {  	s5 =	simm.s32 $0x8;
	s23 =	sadd.s32 $0x20, s8;
	[dreg:$0xc] =	wrdreg s22  }
0x13: {  	s6 =	simm.s32 $0x5;
	s24 =	sadd.s32 $0x28, s8;
	[dreg:$0xd] =	wrdreg s23  }
0x14: {  	s7 =	simm.s32 $0x9;
	s25 =	sadd.s32 $0x30, s8;
	[dreg:$0xe] =	wrdreg s24  }
0x15: {  	s26 =	sadd.s32 $0x38, s8;
	s19 =	simm.s32 $0x40;
	[dreg:$0xf] =	wrdreg s25  }
0x16: {  	s0 =	simm.s32 $0x6400;
	s20 =	simm.s32 $0x4;
	[dreg:$0x10] =	wrdreg s26  }
0x17: {  	v0 =	vlaneseq.u32;
	s21 =	simm.s32 $0x1;
	s22 =	simm.s32 $0x400;
	s23 =	simm.s32 $0x8400  }
0x18: {  	v1 =	vmul.u32 $0x80, v0;
	s24 =	simm.s32 $0x2400;
	s25 =	simm.s32 $0xA400;
	s26 =	simm.s32 $0xE400  }
.LBB2_1:
0x19: {  	s11 =	rddreg [dreg:$0x6]  }
0x1a: {  	[tilespmem:s4], [sflag:$0x1] =	stream.linear.gather [hbm4b:s11+s4], $0x40, $0x38;
	[tilespmem:$0x10600] =	vst v63  }
0x1b: {  	s14 =	rddreg [dreg:$0x7];
	s12 =	simm.s32 $0x200  }
0x1c: {  	[tilespmem:s12], [sflag:$0x1] =	stream.linear.gather [hbm4b:s14+s4], $0x40, $0x38;
	[tilespmem:$0x10600] =	vst v63  }
0x1d: {  	s15 =	rddreg [dreg:$0x8]  }
0x1e: {  	[tilespmem:s19], [sflag:$0x1] =	stream.linear.gather [hbm4b:s15+s4], $0x1C0, $0x38;
	[tilespmem:$0x10600] =	vst v63  }
0x1f: {  	s16 =	rddreg [dreg:$0x9];
	s13 =	simm.s32 $0x240  }
0x20: {  	[tilespmem:s13], [sflag:$0x1] =	stream.linear.gather [hbm4b:s16+s4], $0x1C0, $0x38;
	[tilespmem:$0x10600] =	vst v63  }
0x21: {  	_ =	swait.ge [sflag:s21], $0x40  }
0x22: {  	[sflag:s21] =	ssyncset.done $0x0  }
0x23: {  	[sflag:s21] =	ssyncadd.s32 $0xFFFFFFC0  }
0x24: {  	_ =	swait.ge [sflag:s21], $0x40  }
0x25: {  	[sflag:s21] =	ssyncset.done $0x0  }
0x26: {  	[sflag:s21] =	ssyncadd.s32 $0xFFFFFFC0  }
0x27: {  	[tilespmem:s22], [sflag:$0x2] =	stream.indirect.gather [hbm4b:s1+s19], $0x80, s4, s19, $0xb8;
	[tilespmem:$0x10600] =	vst v63  }
0x28: {  	_ = 	snop  }
0x29: {  	[tilespmem:s23], [sflag:$0x6] =	stream.indirect.gather [hbm4b:s2+s19], $0x80, s12, s19, $0xb8;
	[tilespmem:$0x10600] =	vst v63  }
0x2a: {  	_ =	swait.ge [sflag:s21], $0x1C0  }
0x2b: {  	[sflag:s21] =	ssyncset.done $0x0  }
0x2c: {  	[sflag:s21] =	ssyncadd.s32 $0xFFFFFE40  }
0x2d: {  	_ =	swait.ge [sflag:s21], $0x1C0  }
0x2e: {  	[sflag:s21] =	ssyncset.done $0x0  }
0x2f: {  	[sflag:s21] =	ssyncadd.s32 $0xFFFFFE40  }
0x30: {  	[tilespmem:s24], [sflag:$0x3] =	stream.indirect.gather [hbm4b:s1+s19], $0x80, s19, s19, $0xb8;
	[tilespmem:$0x10600] =	vst v63  }
0x31: {  	_ = 	snop  }
0x32: {  	[tilespmem:s25], [sflag:$0x7] =	stream.indirect.gather [hbm4b:s2+s19], $0x80, s13, s19, $0xb8;
	[tilespmem:$0x10600] =	vst v63  }
0x33: {  	s13 =	simm.s32 $0x80  }
0x34: {  	[tilespmem:s28], [sflag:$0x4] =	stream.indirect.gather [hbm4b:s1+s19], $0x80, s13, s19, $0xb8;
	[tilespmem:$0x10600] =	vst v63  }
0x35: {  	s14 =	simm.s32 $0x280  }
0x36: {  	[tilespmem:s30], [sflag:$0x8] =	stream.indirect.gather [hbm4b:s2+s19], $0x80, s14, s19, $0xb8;
	[tilespmem:$0x10600] =	vst v63  }
0x37: {  	s15 =	simm.s32 $0xC0  }
0x38: {  	[tilespmem:s0], [sflag:$0x5] =	stream.indirect.gather [hbm4b:s1+s19], $0x80, s15, s19, $0xb8;
	[tilespmem:$0x10600] =	vst v63  }
0x39: {  	s16 =	simm.s32 $0x2C0  }
0x3a: {  	[tilespmem:s26], [sflag:$0x9] =	stream.indirect.gather [hbm4b:s2+s19], $0x80, s16, s19, $0xb8;
	[tilespmem:$0x10600] =	vst v63  }
0x3b: {  	_ =	swait.ge [sflag:s29], $0x2000  }
0x3c: {  	[sflag:s29] =	ssyncset.done $0x0  }
0x3d: {  	[sflag:s29] =	ssyncadd.s32 $0xFFFFE000  }
0x3e: {  	_ =	swait.ge [sflag:s31], $0x2000  }
0x3f: {  	[sflag:s31] =	ssyncset.done $0x0  }
0x40: {  	s11 =	simm.s32 $0x0;
	[sflag:s31] =	ssyncadd.s32 $0xFFFFE000  }
.LBB2_2:
0x41: {  	s12 =	sshll.u32 s11, $0x4  }
0x42: {  	s13 =	simm.s32 $0x0;
	v2 =	vmov s12  }
0x43: {  	v3 =	vadd.s32 s13, v0;
	v2 =	vshll.u32 v2, $0x7  }
0x44: {  	s16 =	simm.s32 $0x1;
	v3 =	vand.u32 $0x7F, v3;
	v2 =	vor.u32 v1, v2  }
0x45: {  	v4 =	vadd.s32 s16, v0;
	v3 =	vor.u32 v2, v3  }
0x46: {  	s14 =	simm.s32 $0x2;
	v4 =	vand.u32 $0x7F, v4  }
0x47: {  	v5 =	vadd.s32 s14, v0;
	v4 =	vor.u32 v2, v4  }
0x48: {  	s15 =	simm.s32 $0x3;
	v5 =	vand.u32 $0x7F, v5  }
0x49: {  	v6 =	vadd.s32 s15, v0;
	v5 =	vor.u32 v2, v5  }
0x4a: {  	s16 =	simm.s32 $0x4;
	v6 =	vand.u32 $0x7F, v6;
	v9 =	vld.idx.msk [tilespmem:v3+s22+$0x0], $0xffff  }
0x4b: {  	v7 =	vadd.s32 s16, v0;
	v6 =	vor.u32 v2, v6;
	v10 =	vld.idx.msk [tilespmem:v3+s23+$0x0], $0xffff  }
0x4c: {  	s14 =	simm.s32 $0x5;
	v11 =	vld.idx.msk [tilespmem:v4+s22+$0x0], $0xffff;
	v3 =	vand.u32 $0x7F, v7  }
0x4d: {  	v7 =	vadd.s32 s14, v0;
	v12 =	vld.idx.msk [tilespmem:v4+s23+$0x0], $0xffff;
	v15 =	vor.u32 v2, v3  }
0x4e: {  	s15 =	simm.s32 $0x6;
	v8 =	vld.idx.msk [tilespmem:v5+s23+$0x0], $0xffff;
	v4 =	vand.u32 $0x7F, v7  }
0x4f: {  	v3 =	vld.idx.msk [tilespmem:v5+s22+$0x0], $0xffff;
	v5 =	vadd.s32 s15, v0;
	v7 =	vor.u32 v2, v4  }
0x50: {  	s14 =	simm.s32 $0x7;
	v4 =	vld.idx.msk [tilespmem:v6+s22+$0x0], $0xffff;
	v5 =	vand.u32 $0x7F, v5  }
0x51: {  	s13 =	simm.s32 $0x8;
	v14 =	vmul.f32 v10, v9;
	v10 =	vld.idx.msk [tilespmem:v6+s23+$0x0], $0xffff;
	v6 =	vadd.s32 s14, v0;
	v9 =	vor.u32 v2, v5  }
0x52: {  	v13 =	vimm.f32 $0.0e+00;
	v16 =	vadd.s32 s13, v0;
	v5 =	vld.idx.msk [tilespmem:v15+s22+$0x0], $0xffff;
	v6 =	vand.u32 $0x7F, v6  }
0x53: {  	s16 =	simm.s32 $0x9;
	v13 =	vadd.f32 v14, v13;
	v14 =	vmul.f32 v12, v11;
	v12 =	vld.idx.msk [tilespmem:v15+s23+$0x0], $0xffff;
	v11 =	vor.u32 v2, v6  }
0x54: {  	v16 =	vand.u32 $0x7F, v16;
	s14 =	simm.s32 $0x10;
	v15 =	vadd.s32 s16, v0;
	v6 =	vld.idx.msk [tilespmem:v7+s22+$0x0], $0xffff  }
.LBB2_3:
0x55: {  	p0 =	slt.u32 s14, $0x78;
	v16 =	vor.u32 v2, v16;
	s15 =	sadd.s32 $0x2, s13;
	v13 =	vadd.f32 v14, v13;
	v3 =	vmul.f32 v8, v3;
	v7 =	vld.idx.msk [tilespmem:v7+s23+$0x0], $0xffff  }
0x56: {  	v8 =	vand.u32 $0x7F, v15;
	v14 =	vadd.s32 s15, v0;
	v15 =	vld.idx.msk [tilespmem:v9+s22+$0x0], $0xffff  }
0x57: {  	v8 =	vor.u32 v2, v8;
	s15 =	sadd.s32 $0x3, s13;
	v4 =	vmul.f32 v10, v4;
	v3 =	vadd.f32 v3, v13;
	v9 =	vld.idx.msk [tilespmem:v9+s23+$0x0], $0xffff  }
0x58: {  	v10 =	vand.u32 $0x7F, v14;
	v13 =	vadd.s32 s15, v0;
	v14 =	vld.idx.msk [tilespmem:v11+s22+$0x0], $0xffff  }
0x59: {  	s15 =	sadd.s32 $0x4, s13;
	v10 =	vor.u32 v2, v10;
	v3 =	vadd.f32 v4, v3;
	v4 =	vmul.f32 v12, v5;
	v5 =	vld.idx.msk [tilespmem:v11+s23+$0x0], $0xffff  }
0x5a: {  	v12 =	vand.u32 $0x7F, v13;
	v13 =	vadd.s32 s15, v0;
	v11 =	vld.idx.msk [tilespmem:v16+s22+$0x0], $0xffff  }
0x5b: {  	s15 =	sadd.s32 $0x5, s13;
	v12 =	vor.u32 v2, v12;
	v16 =	vld.idx.msk [tilespmem:v16+s23+$0x0], $0xffff;
	v3 =	vadd.f32 v4, v3;
	v4 =	vmul.f32 v7, v6  }
0x5c: {  	v7 =	vand.u32 $0x7F, v13;
	v13 =	vadd.s32 s15, v0;
	v6 =	vld.idx.msk [tilespmem:v8+s22+$0x0], $0xffff  }
0x5d: {  	s15 =	sadd.s32 $0x6, s13;
	v18 =	vor.u32 v2, v7;
	v9 =	vmul.f32 v9, v15;
	v17 =	vld.idx.msk [tilespmem:v8+s23+$0x0], $0xffff;
	v4 =	vadd.f32 v4, v3  }
0x5e: {  	v7 =	vand.u32 $0x7F, v13;
	v13 =	vadd.s32 s15, v0;
	v3 =	vld.idx.msk [tilespmem:v10+s22+$0x0], $0xffff  }
0x5f: {  	s15 =	sadd.s32 $0x7, s13;
	s13 =	smov.u32 s14;
	v7 =	vor.u32 v2, v7;
	v5 =	vmul.f32 v5, v14;
	v8 =	vld.idx.msk [tilespmem:v10+s23+$0x0], $0xffff;
	v15 =	vadd.f32 v9, v4  }
.Ltmp0:
0x60: {  	v9 =	vand.u32 $0x7F, v13;
	v13 =	vadd.s32 s15, v0;
	v4 =	vld.idx.msk [tilespmem:v12+s22+$0x0], $0xffff;
	(pc) =	sbr.rel @p0 .LBB2_3-.Ltmp0, $4  }
0x61: {  	v11 =	vmul.f32 v16, v11;
	v9 =	vor.u32 v2, v9;
	v10 =	vld.idx.msk [tilespmem:v12+s23+$0x0], $0xffff;
	v12 =	vadd.f32 v5, v15  }
0x62: {  	v16 =	vand.u32 $0x7F, v13;
	v15 =	vadd.s32 s14, v0;
	v5 =	vld.idx.msk [tilespmem:v18+s22+$0x0], $0xffff  }
0x63: {  	s15 =	sadd.s32 $0x1, s14;
	v14 =	vmul.f32 v17, v6;
	v13 =	vadd.f32 v11, v12;
	v12 =	vld.idx.msk [tilespmem:v18+s23+$0x0], $0xffff;
	v11 =	vor.u32 v2, v16  }
0x64: {  	s14 =	sadd.s32 $0x8, s14;
	v16 =	vand.u32 $0x7F, v15;
	v15 =	vadd.s32 s15, v0;
	v6 =	vld.idx.msk [tilespmem:v7+s22+$0x0], $0xffff  }
0x65: {  	_ =	sdelay $0x2  }
0x66: {  	v13 =	vadd.f32 v14, v13;
	v3 =	vmul.f32 v8, v3  }
0x67: {  	v32 =	vor.u32 v2, v16;
	v7 =	vld.idx.msk [tilespmem:v7+s23+$0x0], $0xffff  }
0x68: {  	s14 =	sadd.s32 $0x2, s13;
	v33 =	vand.u32 $0x7F, v15;
	v34 =	vld.idx.msk [tilespmem:v9+s22+$0x0], $0xffff;
	v4 =	vmul.f32 v10, v4;
	v3 =	vadd.f32 v3, v13  }
0x69: {  	v37 =	vld.idx.msk [tilespmem:v9+s23+$0x0], $0xffff;
	v35 =	vadd.s32 s14, v0;
	v36 =	vor.u32 v2, v33  }
0x6a: {  	s16 =	sadd.s32 $0x3, s13;
	v38 =	vld.idx.msk [tilespmem:v11+s22+$0x0], $0xffff;
	v10 =	vand.u32 $0x7F, v35;
	v39 =	vmul.f32 v12, v5;
	v3 =	vadd.f32 v4, v3  }
0x6b: {  	v41 =	vld.idx.msk [tilespmem:v11+s23+$0x0], $0xffff;
	v40 =	vadd.s32 s16, v0;
	v10 =	vor.u32 v2, v10  }
0x6c: {  	s15 =	sadd.s32 $0x4, s13;
	v5 =	vand.u32 $0x7F, v40;
	v42 =	vld.idx.msk [tilespmem:v32+s22+$0x0], $0xffff;
	v43 =	vmul.f32 v7, v6;
	v3 =	vadd.f32 v39, v3  }
0x6d: {  	v44 =	vadd.s32 s15, v0;
	v5 =	vor.u32 v2, v5;
	v45 =	vld.idx.msk [tilespmem:v32+s23+$0x0], $0xffff  }
0x6e: {  	s16 =	sadd.s32 $0x5, s13;
	v6 =	vand.u32 $0x7F, v44;
	v47 =	vmul.f32 v37, v34;
	v46 =	vld.idx.msk [tilespmem:v36+s22+$0x0], $0xffff;
	v3 =	vadd.f32 v43, v3  }
0x6f: {  	v48 =	vadd.s32 s16, v0;
	v13 =	vld.idx.msk [tilespmem:v36+s23+$0x0], $0xffff;
	v6 =	vor.u32 v2, v6  }
0x70: {  	s15 =	sadd.s32 $0x6, s13;
	v9 =	vand.u32 $0x7F, v48;
	v50 =	vmul.f32 v41, v38;
	v49 =	vld.idx.msk [tilespmem:v10+s22+$0x0], $0xffff;
	v3 =	vadd.f32 v47, v3  }
0x71: {  	v51 =	vadd.s32 s15, v0;
	v9 =	vor.u32 v2, v9;
	v10 =	vld.idx.msk [tilespmem:v10+s23+$0x0], $0xffff  }
0x72: {  	s16 =	sadd.s32 $0x7, s13;
	v11 =	vand.u32 $0x7F, v51;
	v52 =	vld.idx.msk [tilespmem:v5+s22+$0x0], $0xffff;
	v7 =	vmul.f32 v45, v42;
	v3 =	vadd.f32 v50, v3  }
0x73: {  	v53 =	vadd.s32 s16, v0;
	v11 =	vor.u32 v2, v11;
	v5 =	vld.idx.msk [tilespmem:v5+s23+$0x0], $0xffff  }
0x74: {  	v4 =	vand.u32 $0x7F, v53;
	v54 =	vld.idx.msk [tilespmem:v6+s22+$0x0], $0xffff;
	v55 =	vmul.f32 v13, v46;
	v3 =	vadd.f32 v7, v3  }
0x75: {  	v2 =	vor.u32 v2, v4;
	v6 =	vld.idx.msk [tilespmem:v6+s23+$0x0], $0xffff  }
0x76: {  	v56 =	vld.idx.msk [tilespmem:v9+s22+$0x0], $0xffff;
	v57 =	vmul.f32 v10, v49;
	v3 =	vadd.f32 v55, v3  }
0x77: {  	v58 =	vld.idx.msk [tilespmem:v9+s23+$0x0], $0xffff  }
0x78: {  	v59 =	vld.idx.msk [tilespmem:v11+s22+$0x0], $0xffff;
	v5 =	vmul.f32 v5, v52;
	v3 =	vadd.f32 v57, v3  }
0x79: {  	v60 =	vld.idx.msk [tilespmem:v11+s23+$0x0], $0xffff  }
0x7a: {  	v61 =	vld.idx.msk [tilespmem:v2+s22+$0x0], $0xffff;
	v62 =	vmul.f32 v6, v54;
	v3 =	vadd.f32 v5, v3  }
0x7b: {  	v2 =	vld.idx.msk [tilespmem:v2+s23+$0x0], $0xffff  }
0x7c: {  	v4 =	vmul.f32 v58, v56;
	v3 =	vadd.f32 v62, v3;
	_ =	sdelay $0x1  }
0x7d: {  	s11 =	sadd.s32 $0x1, s11;
	v63 =	vmul.f32 v60, v59;
	v3 =	vadd.f32 v4, v3  }
0x7e: {  	p0 =	sne.s32 s11, $0x4  }
.Ltmp1:
0x7f: {  	v2 =	vmul.f32 v2, v61;
	v3 =	vadd.f32 v63, v3;
	(pc) =	sbr.rel @p0 .LBB2_2-.Ltmp1, $3  }
0x80: {  	_ = 	snop  }
0x81: {  	v2 =	vadd.f32 v2, v3;
	_ =	sdelay $0x1  }
0x82: {  	[tilespmem:s12+$0x10400] =	vst v2  }
0x83: {  	s11 =	simm.s32 $0x100  }
0x84: {  	[tilespmem:s22], [sflag:$0x2] =	stream.indirect.gather [hbm4b:s1+s19], $0x80, s11, s19, $0xb8;
	[tilespmem:$0x10600] =	vst v63  }
0x85: {  	s16 =	simm.s32 $0x300  }
0x86: {  	[tilespmem:s23], [sflag:$0x6] =	stream.indirect.gather [hbm4b:s2+s19], $0x80, s16, s19, $0xb8;
	[tilespmem:$0x10600] =	vst v63  }
0x87: {  	s12 =	simm.s32 $0x10400;
	s11 =	simm.s32 $0x0  }
0x88: {  	[hbm4b:s8+s11] =	stream.linear.scatter [tilespmem:s12], [sflag:$0xA], $0x40, $0x38;
	[tilespmem:$0x10600] =	vst v63  }
0x89: {  	_ =	swait.ge [sflag:s3], $0x2000  }
0x8a: {  	[sflag:s3] =	ssyncset.done $0x0  }
0x8b: {  	[sflag:s3] =	ssyncadd.s32 $0xFFFFE000  }
0x8c: {  	_ =	swait.ge [sflag:s18], $0x2000  }
0x8d: {  	[sflag:s18] =	ssyncset.done $0x0  }
0x8e: {  	s12 =	simm.s32 $0x0;
	[sflag:s18] =	ssyncadd.s32 $0xFFFFE000  }
.LBB2_6:
0x8f: {  	s13 =	sshll.u32 s12, $0x4  }
0x90: {  	v2 =	vmov s13  }
0x91: {  	v3 =	vadd.s32 s11, v0;
	v2 =	vshll.u32 v2, $0x7  }
0x92: {  	s14 =	simm.s32 $0x1;
	v3 =	vand.u32 $0x7F, v3;
	v2 =	vor.u32 v1, v2  }
0x93: {  	v4 =	vadd.s32 s14, v0;
	v3 =	vor.u32 v2, v3  }
0x94: {  	s15 =	simm.s32 $0x2;
	v4 =	vand.u32 $0x7F, v4  }
0x95: {  	v5 =	vadd.s32 s15, v0;
	v4 =	vor.u32 v2, v4  }
0x96: {  	s16 =	simm.s32 $0x3;
	v5 =	vand.u32 $0x7F, v5  }
0x97: {  	v6 =	vadd.s32 s16, v0;
	v5 =	vor.u32 v2, v5  }
0x98: {  	s15 =	simm.s32 $0x4;
	v6 =	vand.u32 $0x7F, v6;
	v9 =	vld.idx.msk [tilespmem:v3+s24+$0x0], $0xffff  }
0x99: {  	v7 =	vadd.s32 s15, v0;
	v6 =	vor.u32 v2, v6;
	v10 =	vld.idx.msk [tilespmem:v3+s25+$0x0], $0xffff  }
0x9a: {  	s16 =	simm.s32 $0x5;
	v11 =	vld.idx.msk [tilespmem:v4+s24+$0x0], $0xffff;
	v3 =	vand.u32 $0x7F, v7  }
0x9b: {  	v7 =	vadd.s32 s16, v0;
	v12 =	vld.idx.msk [tilespmem:v4+s25+$0x0], $0xffff;
	v15 =	vor.u32 v2, v3  }
0x9c: {  	s15 =	simm.s32 $0x6;
	v8 =	vld.idx.msk [tilespmem:v5+s25+$0x0], $0xffff;
	v4 =	vand.u32 $0x7F, v7  }
0x9d: {  	v3 =	vld.idx.msk [tilespmem:v5+s24+$0x0], $0xffff;
	v5 =	vadd.s32 s15, v0;
	v7 =	vor.u32 v2, v4  }
0x9e: {  	s15 =	simm.s32 $0x7;
	v4 =	vld.idx.msk [tilespmem:v6+s24+$0x0], $0xffff;
	v5 =	vand.u32 $0x7F, v5  }
0x9f: {  	s14 =	simm.s32 $0x8;
	v14 =	vmul.f32 v10, v9;
	v10 =	vld.idx.msk [tilespmem:v6+s25+$0x0], $0xffff;
	v6 =	vadd.s32 s15, v0;
	v9 =	vor.u32 v2, v5  }
0xa0: {  	v13 =	vimm.f32 $0.0e+00;
	v16 =	vadd.s32 s14, v0;
	v5 =	vld.idx.msk [tilespmem:v15+s24+$0x0], $0xffff;
	v6 =	vand.u32 $0x7F, v6  }
0xa1: {  	s16 =	simm.s32 $0x9;
	v13 =	vadd.f32 v14, v13;
	v14 =	vmul.f32 v12, v11;
	v12 =	vld.idx.msk [tilespmem:v15+s25+$0x0], $0xffff;
	v11 =	vor.u32 v2, v6  }
0xa2: {  	v16 =	vand.u32 $0x7F, v16;
	s15 =	simm.s32 $0x10;
	v15 =	vadd.s32 s16, v0;
	v6 =	vld.idx.msk [tilespmem:v7+s24+$0x0], $0xffff  }
.LBB2_7:
0xa3: {  	p0 =	slt.u32 s15, $0x78;
	v16 =	vor.u32 v2, v16;
	s16 =	sadd.s32 $0x2, s14;
	v13 =	vadd.f32 v14, v13;
	v3 =	vmul.f32 v8, v3;
	v7 =	vld.idx.msk [tilespmem:v7+s25+$0x0], $0xffff  }
0xa4: {  	v8 =	vand.u32 $0x7F, v15;
	v14 =	vadd.s32 s16, v0;
	v15 =	vld.idx.msk [tilespmem:v9+s24+$0x0], $0xffff  }
0xa5: {  	v8 =	vor.u32 v2, v8;
	s16 =	sadd.s32 $0x3, s14;
	v4 =	vmul.f32 v10, v4;
	v3 =	vadd.f32 v3, v13;
	v9 =	vld.idx.msk [tilespmem:v9+s25+$0x0], $0xffff  }
0xa6: {  	v10 =	vand.u32 $0x7F, v14;
	v13 =	vadd.s32 s16, v0;
	v14 =	vld.idx.msk [tilespmem:v11+s24+$0x0], $0xffff  }
0xa7: {  	s16 =	sadd.s32 $0x4, s14;
	v10 =	vor.u32 v2, v10;
	v3 =	vadd.f32 v4, v3;
	v4 =	vmul.f32 v12, v5;
	v5 =	vld.idx.msk [tilespmem:v11+s25+$0x0], $0xffff  }
0xa8: {  	v12 =	vand.u32 $0x7F, v13;
	v13 =	vadd.s32 s16, v0;
	v11 =	vld.idx.msk [tilespmem:v16+s24+$0x0], $0xffff  }
0xa9: {  	s16 =	sadd.s32 $0x5, s14;
	v12 =	vor.u32 v2, v12;
	v16 =	vld.idx.msk [tilespmem:v16+s25+$0x0], $0xffff;
	v3 =	vadd.f32 v4, v3;
	v4 =	vmul.f32 v7, v6  }
0xaa: {  	v7 =	vand.u32 $0x7F, v13;
	v13 =	vadd.s32 s16, v0;
	v6 =	vld.idx.msk [tilespmem:v8+s24+$0x0], $0xffff  }
0xab: {  	s16 =	sadd.s32 $0x6, s14;
	v18 =	vor.u32 v2, v7;
	v9 =	vmul.f32 v9, v15;
	v17 =	vld.idx.msk [tilespmem:v8+s25+$0x0], $0xffff;
	v4 =	vadd.f32 v4, v3  }
0xac: {  	v7 =	vand.u32 $0x7F, v13;
	v13 =	vadd.s32 s16, v0;
	v3 =	vld.idx.msk [tilespmem:v10+s24+$0x0], $0xffff  }
0xad: {  	s16 =	sadd.s32 $0x7, s14;
	s14 =	smov.u32 s15;
	v7 =	vor.u32 v2, v7;
	v5 =	vmul.f32 v5, v14;
	v8 =	vld.idx.msk [tilespmem:v10+s25+$0x0], $0xffff;
	v15 =	vadd.f32 v9, v4  }
.Ltmp2:
0xae: {  	v9 =	vand.u32 $0x7F, v13;
	v13 =	vadd.s32 s16, v0;
	v4 =	vld.idx.msk [tilespmem:v12+s24+$0x0], $0xffff;
	(pc) =	sbr.rel @p0 .LBB2_7-.Ltmp2, $4  }
0xaf: {  	v11 =	vmul.f32 v16, v11;
	v9 =	vor.u32 v2, v9;
	v10 =	vld.idx.msk [tilespmem:v12+s25+$0x0], $0xffff;
	v12 =	vadd.f32 v5, v15  }
0xb0: {  	v16 =	vand.u32 $0x7F, v13;
	v15 =	vadd.s32 s15, v0;
	v5 =	vld.idx.msk [tilespmem:v18+s24+$0x0], $0xffff  }
0xb1: {  	s16 =	sadd.s32 $0x1, s15;
	v14 =	vmul.f32 v17, v6;
	v13 =	vadd.f32 v11, v12;
	v12 =	vld.idx.msk [tilespmem:v18+s25+$0x0], $0xffff;
	v11 =	vor.u32 v2, v16  }
0xb2: {  	s15 =	sadd.s32 $0x8, s15;
	v16 =	vand.u32 $0x7F, v15;
	v15 =	vadd.s32 s16, v0;
	v6 =	vld.idx.msk [tilespmem:v7+s24+$0x0], $0xffff  }
0xb3: {  	_ =	sdelay $0x2  }
0xb4: {  	v13 =	vadd.f32 v14, v13;
	v3 =	vmul.f32 v8, v3  }
0xb5: {  	v32 =	vor.u32 v2, v16;
	v7 =	vld.idx.msk [tilespmem:v7+s25+$0x0], $0xffff  }
0xb6: {  	s15 =	sadd.s32 $0x2, s14;
	v33 =	vand.u32 $0x7F, v15;
	v34 =	vld.idx.msk [tilespmem:v9+s24+$0x0], $0xffff;
	v4 =	vmul.f32 v10, v4;
	v3 =	vadd.f32 v3, v13  }
0xb7: {  	v37 =	vld.idx.msk [tilespmem:v9+s25+$0x0], $0xffff;
	v35 =	vadd.s32 s15, v0;
	v36 =	vor.u32 v2, v33  }
0xb8: {  	s16 =	sadd.s32 $0x3, s14;
	v38 =	vld.idx.msk [tilespmem:v11+s24+$0x0], $0xffff;
	v10 =	vand.u32 $0x7F, v35;
	v39 =	vmul.f32 v12, v5;
	v3 =	vadd.f32 v4, v3  }
0xb9: {  	v41 =	vld.idx.msk [tilespmem:v11+s25+$0x0], $0xffff;
	v40 =	vadd.s32 s16, v0;
	v10 =	vor.u32 v2, v10  }
0xba: {  	s16 =	sadd.s32 $0x4, s14;
	v5 =	vand.u32 $0x7F, v40;
	v42 =	vld.idx.msk [tilespmem:v32+s24+$0x0], $0xffff;
	v43 =	vmul.f32 v7, v6;
	v3 =	vadd.f32 v39, v3  }
0xbb: {  	v44 =	vadd.s32 s16, v0;
	v5 =	vor.u32 v2, v5;
	v45 =	vld.idx.msk [tilespmem:v32+s25+$0x0], $0xffff  }
0xbc: {  	s16 =	sadd.s32 $0x5, s14;
	v6 =	vand.u32 $0x7F, v44;
	v47 =	vmul.f32 v37, v34;
	v46 =	vld.idx.msk [tilespmem:v36+s24+$0x0], $0xffff;
	v3 =	vadd.f32 v43, v3  }
0xbd: {  	v48 =	vadd.s32 s16, v0;
	v13 =	vld.idx.msk [tilespmem:v36+s25+$0x0], $0xffff;
	v6 =	vor.u32 v2, v6  }
0xbe: {  	s16 =	sadd.s32 $0x6, s14;
	v9 =	vand.u32 $0x7F, v48;
	v50 =	vmul.f32 v41, v38;
	v49 =	vld.idx.msk [tilespmem:v10+s24+$0x0], $0xffff;
	v3 =	vadd.f32 v47, v3  }
0xbf: {  	v51 =	vadd.s32 s16, v0;
	v9 =	vor.u32 v2, v9;
	v10 =	vld.idx.msk [tilespmem:v10+s25+$0x0], $0xffff  }
0xc0: {  	s16 =	sadd.s32 $0x7, s14;
	v11 =	vand.u32 $0x7F, v51;
	v52 =	vld.idx.msk [tilespmem:v5+s24+$0x0], $0xffff;
	v7 =	vmul.f32 v45, v42;
	v3 =	vadd.f32 v50, v3  }
0xc1: {  	v53 =	vadd.s32 s16, v0;
	v11 =	vor.u32 v2, v11;
	v5 =	vld.idx.msk [tilespmem:v5+s25+$0x0], $0xffff  }
0xc2: {  	v4 =	vand.u32 $0x7F, v53;
	v54 =	vld.idx.msk [tilespmem:v6+s24+$0x0], $0xffff;
	v55 =	vmul.f32 v13, v46;
	v3 =	vadd.f32 v7, v3  }
0xc3: {  	v2 =	vor.u32 v2, v4;
	v6 =	vld.idx.msk [tilespmem:v6+s25+$0x0], $0xffff  }
0xc4: {  	v56 =	vld.idx.msk [tilespmem:v9+s24+$0x0], $0xffff;
	v57 =	vmul.f32 v10, v49;
	v3 =	vadd.f32 v55, v3  }
0xc5: {  	v58 =	vld.idx.msk [tilespmem:v9+s25+$0x0], $0xffff  }
0xc6: {  	v59 =	vld.idx.msk [tilespmem:v11+s24+$0x0], $0xffff;
	v5 =	vmul.f32 v5, v52;
	v3 =	vadd.f32 v57, v3  }
0xc7: {  	v60 =	vld.idx.msk [tilespmem:v11+s25+$0x0], $0xffff  }
0xc8: {  	v61 =	vld.idx.msk [tilespmem:v2+s24+$0x0], $0xffff;
	v62 =	vmul.f32 v6, v54;
	v3 =	vadd.f32 v5, v3  }
0xc9: {  	v2 =	vld.idx.msk [tilespmem:v2+s25+$0x0], $0xffff  }
0xca: {  	v4 =	vmul.f32 v58, v56;
	v3 =	vadd.f32 v62, v3;
	_ =	sdelay $0x1  }
0xcb: {  	s12 =	sadd.s32 $0x1, s12;
	v63 =	vmul.f32 v60, v59;
	v3 =	vadd.f32 v4, v3  }
0xcc: {  	p0 =	sne.s32 s12, $0x4  }
.Ltmp3:
0xcd: {  	v2 =	vmul.f32 v2, v61;
	v3 =	vadd.f32 v63, v3;
	(pc) =	sbr.rel @p0 .LBB2_6-.Ltmp3, $3  }
0xce: {  	_ = 	snop  }
0xcf: {  	v2 =	vadd.f32 v2, v3;
	_ =	sdelay $0x1  }
0xd0: {  	[tilespmem:s13+$0x10440] =	vst v2  }
0xd1: {  	s11 =	simm.s32 $0x140  }
0xd2: {  	[tilespmem:s24], [sflag:$0x3] =	stream.indirect.gather [hbm4b:s1+s19], $0x80, s11, s19, $0xb8;
	[tilespmem:$0x10600] =	vst v63  }
0xd3: {  	s16 =	simm.s32 $0x340  }
0xd4: {  	[tilespmem:s25], [sflag:$0x7] =	stream.indirect.gather [hbm4b:s2+s19], $0x80, s16, s19, $0xb8;
	[tilespmem:$0x10600] =	vst v63  }
0xd5: {  	s12 =	rddreg [dreg:$0xa];
	s13 =	simm.s32 $0x10440;
	s11 =	simm.s32 $0x0  }
0xd6: {  	[hbm4b:s12+s11] =	stream.linear.scatter [tilespmem:s13], [sflag:$0xA], $0x40, $0x38;
	[tilespmem:$0x10600] =	vst v63  }
0xd7: {  	_ =	swait.ge [sflag:s20], $0x2000  }
0xd8: {  	[sflag:s20] =	ssyncset.done $0x0  }
0xd9: {  	[sflag:s20] =	ssyncadd.s32 $0xFFFFE000  }
0xda: {  	_ =	swait.ge [sflag:s5], $0x2000  }
0xdb: {  	[sflag:s5] =	ssyncset.done $0x0  }
0xdc: {  	s12 =	simm.s32 $0x0;
	[sflag:s5] =	ssyncadd.s32 $0xFFFFE000  }
.LBB2_10:
0xdd: {  	s13 =	sshll.u32 s12, $0x4  }
0xde: {  	v2 =	vmov s13  }
0xdf: {  	v3 =	vadd.s32 s11, v0;
	v2 =	vshll.u32 v2, $0x7  }
0xe0: {  	s14 =	simm.s32 $0x1;
	v3 =	vand.u32 $0x7F, v3;
	v2 =	vor.u32 v1, v2  }
0xe1: {  	v4 =	vadd.s32 s14, v0;
	v3 =	vor.u32 v2, v3  }
0xe2: {  	s15 =	simm.s32 $0x2;
	v4 =	vand.u32 $0x7F, v4  }
0xe3: {  	v5 =	vadd.s32 s15, v0;
	v4 =	vor.u32 v2, v4  }
0xe4: {  	s16 =	simm.s32 $0x3;
	v5 =	vand.u32 $0x7F, v5  }
0xe5: {  	v6 =	vadd.s32 s16, v0;
	v5 =	vor.u32 v2, v5  }
0xe6: {  	s15 =	simm.s32 $0x4;
	v6 =	vand.u32 $0x7F, v6;
	v9 =	vld.idx.msk [tilespmem:v3+s28+$0x0], $0xffff  }
0xe7: {  	v7 =	vadd.s32 s15, v0;
	v6 =	vor.u32 v2, v6;
	v10 =	vld.idx.msk [tilespmem:v3+s30+$0x0], $0xffff  }
0xe8: {  	s16 =	simm.s32 $0x5;
	v11 =	vld.idx.msk [tilespmem:v4+s28+$0x0], $0xffff;
	v3 =	vand.u32 $0x7F, v7  }
0xe9: {  	v7 =	vadd.s32 s16, v0;
	v12 =	vld.idx.msk [tilespmem:v4+s30+$0x0], $0xffff;
	v15 =	vor.u32 v2, v3  }
0xea: {  	s15 =	simm.s32 $0x6;
	v8 =	vld.idx.msk [tilespmem:v5+s30+$0x0], $0xffff;
	v4 =	vand.u32 $0x7F, v7  }
0xeb: {  	v3 =	vld.idx.msk [tilespmem:v5+s28+$0x0], $0xffff;
	v5 =	vadd.s32 s15, v0;
	v7 =	vor.u32 v2, v4  }
0xec: {  	s15 =	simm.s32 $0x7;
	v4 =	vld.idx.msk [tilespmem:v6+s28+$0x0], $0xffff;
	v5 =	vand.u32 $0x7F, v5  }
0xed: {  	s14 =	simm.s32 $0x8;
	v14 =	vmul.f32 v10, v9;
	v10 =	vld.idx.msk [tilespmem:v6+s30+$0x0], $0xffff;
	v6 =	vadd.s32 s15, v0;
	v9 =	vor.u32 v2, v5  }
0xee: {  	v13 =	vimm.f32 $0.0e+00;
	v16 =	vadd.s32 s14, v0;
	v5 =	vld.idx.msk [tilespmem:v15+s28+$0x0], $0xffff;
	v6 =	vand.u32 $0x7F, v6  }
0xef: {  	s16 =	simm.s32 $0x9;
	v13 =	vadd.f32 v14, v13;
	v14 =	vmul.f32 v12, v11;
	v12 =	vld.idx.msk [tilespmem:v15+s30+$0x0], $0xffff;
	v11 =	vor.u32 v2, v6  }
0xf0: {  	v16 =	vand.u32 $0x7F, v16;
	s15 =	simm.s32 $0x10;
	v15 =	vadd.s32 s16, v0;
	v6 =	vld.idx.msk [tilespmem:v7+s28+$0x0], $0xffff  }
.LBB2_11:
0xf1: {  	p0 =	slt.u32 s15, $0x78;
	v16 =	vor.u32 v2, v16;
	s16 =	sadd.s32 $0x2, s14;
	v13 =	vadd.f32 v14, v13;
	v3 =	vmul.f32 v8, v3;
	v7 =	vld.idx.msk [tilespmem:v7+s30+$0x0], $0xffff  }
0xf2: {  	v8 =	vand.u32 $0x7F, v15;
	v14 =	vadd.s32 s16, v0;
	v15 =	vld.idx.msk [tilespmem:v9+s28+$0x0], $0xffff  }
0xf3: {  	v8 =	vor.u32 v2, v8;
	s16 =	sadd.s32 $0x3, s14;
	v4 =	vmul.f32 v10, v4;
	v3 =	vadd.f32 v3, v13;
	v9 =	vld.idx.msk [tilespmem:v9+s30+$0x0], $0xffff  }
0xf4: {  	v10 =	vand.u32 $0x7F, v14;
	v13 =	vadd.s32 s16, v0;
	v14 =	vld.idx.msk [tilespmem:v11+s28+$0x0], $0xffff  }
0xf5: {  	s16 =	sadd.s32 $0x4, s14;
	v10 =	vor.u32 v2, v10;
	v3 =	vadd.f32 v4, v3;
	v4 =	vmul.f32 v12, v5;
	v5 =	vld.idx.msk [tilespmem:v11+s30+$0x0], $0xffff  }
0xf6: {  	v12 =	vand.u32 $0x7F, v13;
	v13 =	vadd.s32 s16, v0;
	v11 =	vld.idx.msk [tilespmem:v16+s28+$0x0], $0xffff  }
0xf7: {  	s16 =	sadd.s32 $0x5, s14;
	v12 =	vor.u32 v2, v12;
	v16 =	vld.idx.msk [tilespmem:v16+s30+$0x0], $0xffff;
	v3 =	vadd.f32 v4, v3;
	v4 =	vmul.f32 v7, v6  }
0xf8: {  	v7 =	vand.u32 $0x7F, v13;
	v13 =	vadd.s32 s16, v0;
	v6 =	vld.idx.msk [tilespmem:v8+s28+$0x0], $0xffff  }
0xf9: {  	s16 =	sadd.s32 $0x6, s14;
	v18 =	vor.u32 v2, v7;
	v9 =	vmul.f32 v9, v15;
	v17 =	vld.idx.msk [tilespmem:v8+s30+$0x0], $0xffff;
	v4 =	vadd.f32 v4, v3  }
0xfa: {  	v7 =	vand.u32 $0x7F, v13;
	v13 =	vadd.s32 s16, v0;
	v3 =	vld.idx.msk [tilespmem:v10+s28+$0x0], $0xffff  }
0xfb: {  	s16 =	sadd.s32 $0x7, s14;
	s14 =	smov.u32 s15;
	v7 =	vor.u32 v2, v7;
	v5 =	vmul.f32 v5, v14;
	v8 =	vld.idx.msk [tilespmem:v10+s30+$0x0], $0xffff;
	v15 =	vadd.f32 v9, v4  }
.Ltmp4:
0xfc: {  	v9 =	vand.u32 $0x7F, v13;
	v13 =	vadd.s32 s16, v0;
	v4 =	vld.idx.msk [tilespmem:v12+s28+$0x0], $0xffff;
	(pc) =	sbr.rel @p0 .LBB2_11-.Ltmp4, $4  }
0xfd: {  	v11 =	vmul.f32 v16, v11;
	v9 =	vor.u32 v2, v9;
	v10 =	vld.idx.msk [tilespmem:v12+s30+$0x0], $0xffff;
	v12 =	vadd.f32 v5, v15  }
0xfe: {  	v16 =	vand.u32 $0x7F, v13;
	v15 =	vadd.s32 s15, v0;
	v5 =	vld.idx.msk [tilespmem:v18+s28+$0x0], $0xffff  }
0xff: {  	s16 =	sadd.s32 $0x1, s15;
	v14 =	vmul.f32 v17, v6;
	v13 =	vadd.f32 v11, v12;
	v12 =	vld.idx.msk [tilespmem:v18+s30+$0x0], $0xffff;
	v11 =	vor.u32 v2, v16  }
0x100: {  	s15 =	sadd.s32 $0x8, s15;
	v16 =	vand.u32 $0x7F, v15;
	v15 =	vadd.s32 s16, v0;
	v6 =	vld.idx.msk [tilespmem:v7+s28+$0x0], $0xffff  }
0x101: {  	_ =	sdelay $0x2  }
0x102: {  	v13 =	vadd.f32 v14, v13;
	v3 =	vmul.f32 v8, v3  }
0x103: {  	v32 =	vor.u32 v2, v16;
	v7 =	vld.idx.msk [tilespmem:v7+s30+$0x0], $0xffff  }
0x104: {  	s15 =	sadd.s32 $0x2, s14;
	v33 =	vand.u32 $0x7F, v15;
	v34 =	vld.idx.msk [tilespmem:v9+s28+$0x0], $0xffff;
	v4 =	vmul.f32 v10, v4;
	v3 =	vadd.f32 v3, v13  }
0x105: {  	v37 =	vld.idx.msk [tilespmem:v9+s30+$0x0], $0xffff;
	v35 =	vadd.s32 s15, v0;
	v36 =	vor.u32 v2, v33  }
0x106: {  	s16 =	sadd.s32 $0x3, s14;
	v38 =	vld.idx.msk [tilespmem:v11+s28+$0x0], $0xffff;
	v10 =	vand.u32 $0x7F, v35;
	v39 =	vmul.f32 v12, v5;
	v3 =	vadd.f32 v4, v3  }
0x107: {  	v41 =	vld.idx.msk [tilespmem:v11+s30+$0x0], $0xffff;
	v40 =	vadd.s32 s16, v0;
	v10 =	vor.u32 v2, v10  }
0x108: {  	s16 =	sadd.s32 $0x4, s14;
	v5 =	vand.u32 $0x7F, v40;
	v42 =	vld.idx.msk [tilespmem:v32+s28+$0x0], $0xffff;
	v43 =	vmul.f32 v7, v6;
	v3 =	vadd.f32 v39, v3  }
0x109: {  	v44 =	vadd.s32 s16, v0;
	v5 =	vor.u32 v2, v5;
	v45 =	vld.idx.msk [tilespmem:v32+s30+$0x0], $0xffff  }
0x10a: {  	s16 =	sadd.s32 $0x5, s14;
	v6 =	vand.u32 $0x7F, v44;
	v47 =	vmul.f32 v37, v34;
	v46 =	vld.idx.msk [tilespmem:v36+s28+$0x0], $0xffff;
	v3 =	vadd.f32 v43, v3  }
0x10b: {  	v48 =	vadd.s32 s16, v0;
	v13 =	vld.idx.msk [tilespmem:v36+s30+$0x0], $0xffff;
	v6 =	vor.u32 v2, v6  }
0x10c: {  	s16 =	sadd.s32 $0x6, s14;
	v9 =	vand.u32 $0x7F, v48;
	v50 =	vmul.f32 v41, v38;
	v49 =	vld.idx.msk [tilespmem:v10+s28+$0x0], $0xffff;
	v3 =	vadd.f32 v47, v3  }
0x10d: {  	v51 =	vadd.s32 s16, v0;
	v9 =	vor.u32 v2, v9;
	v10 =	vld.idx.msk [tilespmem:v10+s30+$0x0], $0xffff  }
0x10e: {  	s16 =	sadd.s32 $0x7, s14;
	v11 =	vand.u32 $0x7F, v51;
	v52 =	vld.idx.msk [tilespmem:v5+s28+$0x0], $0xffff;
	v7 =	vmul.f32 v45, v42;
	v3 =	vadd.f32 v50, v3  }
0x10f: {  	v53 =	vadd.s32 s16, v0;
	v11 =	vor.u32 v2, v11;
	v5 =	vld.idx.msk [tilespmem:v5+s30+$0x0], $0xffff  }
0x110: {  	v4 =	vand.u32 $0x7F, v53;
	v54 =	vld.idx.msk [tilespmem:v6+s28+$0x0], $0xffff;
	v55 =	vmul.f32 v13, v46;
	v3 =	vadd.f32 v7, v3  }
0x111: {  	v2 =	vor.u32 v2, v4;
	v6 =	vld.idx.msk [tilespmem:v6+s30+$0x0], $0xffff  }
0x112: {  	v56 =	vld.idx.msk [tilespmem:v9+s28+$0x0], $0xffff;
	v57 =	vmul.f32 v10, v49;
	v3 =	vadd.f32 v55, v3  }
0x113: {  	v58 =	vld.idx.msk [tilespmem:v9+s30+$0x0], $0xffff  }
0x114: {  	v59 =	vld.idx.msk [tilespmem:v11+s28+$0x0], $0xffff;
	v5 =	vmul.f32 v5, v52;
	v3 =	vadd.f32 v57, v3  }
0x115: {  	v60 =	vld.idx.msk [tilespmem:v11+s30+$0x0], $0xffff  }
0x116: {  	v61 =	vld.idx.msk [tilespmem:v2+s28+$0x0], $0xffff;
	v62 =	vmul.f32 v6, v54;
	v3 =	vadd.f32 v5, v3  }
0x117: {  	v2 =	vld.idx.msk [tilespmem:v2+s30+$0x0], $0xffff  }
0x118: {  	v4 =	vmul.f32 v58, v56;
	v3 =	vadd.f32 v62, v3;
	_ =	sdelay $0x1  }
0x119: {  	s12 =	sadd.s32 $0x1, s12;
	v63 =	vmul.f32 v60, v59;
	v3 =	vadd.f32 v4, v3  }
0x11a: {  	p0 =	sne.s32 s12, $0x4  }
.Ltmp5:
0x11b: {  	v2 =	vmul.f32 v2, v61;
	v3 =	vadd.f32 v63, v3;
	(pc) =	sbr.rel @p0 .LBB2_10-.Ltmp5, $3  }
0x11c: {  	_ = 	snop  }
0x11d: {  	v2 =	vadd.f32 v2, v3;
	_ =	sdelay $0x1  }
0x11e: {  	[tilespmem:s13+$0x10480] =	vst v2  }
0x11f: {  	s11 =	simm.s32 $0x180  }
0x120: {  	[tilespmem:s28], [sflag:$0x4] =	stream.indirect.gather [hbm4b:s1+s19], $0x80, s11, s19, $0xb8;
	[tilespmem:$0x10600] =	vst v63  }
0x121: {  	s16 =	simm.s32 $0x380  }
0x122: {  	[tilespmem:s30], [sflag:$0x8] =	stream.indirect.gather [hbm4b:s2+s19], $0x80, s16, s19, $0xb8;
	[tilespmem:$0x10600] =	vst v63  }
0x123: {  	s12 =	rddreg [dreg:$0xb];
	s13 =	simm.s32 $0x10480;
	s11 =	simm.s32 $0x0  }
0x124: {  	[hbm4b:s12+s11] =	stream.linear.scatter [tilespmem:s13], [sflag:$0xA], $0x40, $0x38;
	[tilespmem:$0x10600] =	vst v63  }
0x125: {  	_ =	swait.ge [sflag:s6], $0x2000  }
0x126: {  	[sflag:s6] =	ssyncset.done $0x0  }
0x127: {  	[sflag:s6] =	ssyncadd.s32 $0xFFFFE000  }
0x128: {  	_ =	swait.ge [sflag:s7], $0x2000  }
0x129: {  	[sflag:s7] =	ssyncset.done $0x0  }
0x12a: {  	s12 =	simm.s32 $0x0;
	[sflag:s7] =	ssyncadd.s32 $0xFFFFE000  }
.LBB2_14:
0x12b: {  	s13 =	sshll.u32 s12, $0x4  }
0x12c: {  	v2 =	vmov s13  }
0x12d: {  	v3 =	vadd.s32 s11, v0;
	v2 =	vshll.u32 v2, $0x7  }
0x12e: {  	s14 =	simm.s32 $0x1;
	v3 =	vand.u32 $0x7F, v3;
	v2 =	vor.u32 v1, v2  }
0x12f: {  	v4 =	vadd.s32 s14, v0;
	v3 =	vor.u32 v2, v3  }
0x130: {  	s15 =	simm.s32 $0x2;
	v4 =	vand.u32 $0x7F, v4  }
0x131: {  	v5 =	vadd.s32 s15, v0;
	v4 =	vor.u32 v2, v4  }
0x132: {  	s16 =	simm.s32 $0x3;
	v5 =	vand.u32 $0x7F, v5  }
0x133: {  	v6 =	vadd.s32 s16, v0;
	v5 =	vor.u32 v2, v5  }
0x134: {  	s15 =	simm.s32 $0x4;
	v6 =	vand.u32 $0x7F, v6;
	v9 =	vld.idx.msk [tilespmem:v3+s0+$0x0], $0xffff  }
0x135: {  	v7 =	vadd.s32 s15, v0;
	v6 =	vor.u32 v2, v6;
	v10 =	vld.idx.msk [tilespmem:v3+s26+$0x0], $0xffff  }
0x136: {  	s16 =	simm.s32 $0x5;
	v11 =	vld.idx.msk [tilespmem:v4+s0+$0x0], $0xffff;
	v3 =	vand.u32 $0x7F, v7  }
0x137: {  	v7 =	vadd.s32 s16, v0;
	v12 =	vld.idx.msk [tilespmem:v4+s26+$0x0], $0xffff;
	v15 =	vor.u32 v2, v3  }
0x138: {  	s15 =	simm.s32 $0x6;
	v8 =	vld.idx.msk [tilespmem:v5+s26+$0x0], $0xffff;
	v4 =	vand.u32 $0x7F, v7  }
0x139: {  	v3 =	vld.idx.msk [tilespmem:v5+s0+$0x0], $0xffff;
	v5 =	vadd.s32 s15, v0;
	v7 =	vor.u32 v2, v4  }
0x13a: {  	s15 =	simm.s32 $0x7;
	v4 =	vld.idx.msk [tilespmem:v6+s0+$0x0], $0xffff;
	v5 =	vand.u32 $0x7F, v5  }
0x13b: {  	s14 =	simm.s32 $0x8;
	v14 =	vmul.f32 v10, v9;
	v10 =	vld.idx.msk [tilespmem:v6+s26+$0x0], $0xffff;
	v6 =	vadd.s32 s15, v0;
	v9 =	vor.u32 v2, v5  }
0x13c: {  	v13 =	vimm.f32 $0.0e+00;
	v16 =	vadd.s32 s14, v0;
	v5 =	vld.idx.msk [tilespmem:v15+s0+$0x0], $0xffff;
	v6 =	vand.u32 $0x7F, v6  }
0x13d: {  	s16 =	simm.s32 $0x9;
	v13 =	vadd.f32 v14, v13;
	v14 =	vmul.f32 v12, v11;
	v12 =	vld.idx.msk [tilespmem:v15+s26+$0x0], $0xffff;
	v11 =	vor.u32 v2, v6  }
0x13e: {  	v16 =	vand.u32 $0x7F, v16;
	s15 =	simm.s32 $0x10;
	v15 =	vadd.s32 s16, v0;
	v6 =	vld.idx.msk [tilespmem:v7+s0+$0x0], $0xffff  }
.LBB2_15:
0x13f: {  	p0 =	slt.u32 s15, $0x78;
	v16 =	vor.u32 v2, v16;
	s16 =	sadd.s32 $0x2, s14;
	v13 =	vadd.f32 v14, v13;
	v3 =	vmul.f32 v8, v3;
	v7 =	vld.idx.msk [tilespmem:v7+s26+$0x0], $0xffff  }
0x140: {  	v8 =	vand.u32 $0x7F, v15;
	v14 =	vadd.s32 s16, v0;
	v15 =	vld.idx.msk [tilespmem:v9+s0+$0x0], $0xffff  }
0x141: {  	v8 =	vor.u32 v2, v8;
	s16 =	sadd.s32 $0x3, s14;
	v4 =	vmul.f32 v10, v4;
	v3 =	vadd.f32 v3, v13;
	v9 =	vld.idx.msk [tilespmem:v9+s26+$0x0], $0xffff  }
0x142: {  	v10 =	vand.u32 $0x7F, v14;
	v13 =	vadd.s32 s16, v0;
	v14 =	vld.idx.msk [tilespmem:v11+s0+$0x0], $0xffff  }
0x143: {  	s16 =	sadd.s32 $0x4, s14;
	v10 =	vor.u32 v2, v10;
	v3 =	vadd.f32 v4, v3;
	v4 =	vmul.f32 v12, v5;
	v5 =	vld.idx.msk [tilespmem:v11+s26+$0x0], $0xffff  }
0x144: {  	v12 =	vand.u32 $0x7F, v13;
	v13 =	vadd.s32 s16, v0;
	v11 =	vld.idx.msk [tilespmem:v16+s0+$0x0], $0xffff  }
0x145: {  	s16 =	sadd.s32 $0x5, s14;
	v12 =	vor.u32 v2, v12;
	v16 =	vld.idx.msk [tilespmem:v16+s26+$0x0], $0xffff;
	v3 =	vadd.f32 v4, v3;
	v4 =	vmul.f32 v7, v6  }
0x146: {  	v7 =	vand.u32 $0x7F, v13;
	v13 =	vadd.s32 s16, v0;
	v6 =	vld.idx.msk [tilespmem:v8+s0+$0x0], $0xffff  }
0x147: {  	s16 =	sadd.s32 $0x6, s14;
	v18 =	vor.u32 v2, v7;
	v9 =	vmul.f32 v9, v15;
	v17 =	vld.idx.msk [tilespmem:v8+s26+$0x0], $0xffff;
	v4 =	vadd.f32 v4, v3  }
0x148: {  	v7 =	vand.u32 $0x7F, v13;
	v13 =	vadd.s32 s16, v0;
	v3 =	vld.idx.msk [tilespmem:v10+s0+$0x0], $0xffff  }
0x149: {  	s16 =	sadd.s32 $0x7, s14;
	s14 =	smov.u32 s15;
	v7 =	vor.u32 v2, v7;
	v5 =	vmul.f32 v5, v14;
	v8 =	vld.idx.msk [tilespmem:v10+s26+$0x0], $0xffff;
	v15 =	vadd.f32 v9, v4  }
.Ltmp6:
0x14a: {  	v9 =	vand.u32 $0x7F, v13;
	v13 =	vadd.s32 s16, v0;
	v4 =	vld.idx.msk [tilespmem:v12+s0+$0x0], $0xffff;
	(pc) =	sbr.rel @p0 .LBB2_15-.Ltmp6, $4  }
0x14b: {  	v11 =	vmul.f32 v16, v11;
	v9 =	vor.u32 v2, v9;
	v10 =	vld.idx.msk [tilespmem:v12+s26+$0x0], $0xffff;
	v12 =	vadd.f32 v5, v15  }
0x14c: {  	v16 =	vand.u32 $0x7F, v13;
	v15 =	vadd.s32 s15, v0;
	v5 =	vld.idx.msk [tilespmem:v18+s0+$0x0], $0xffff  }
0x14d: {  	s16 =	sadd.s32 $0x1, s15;
	v14 =	vmul.f32 v17, v6;
	v13 =	vadd.f32 v11, v12;
	v12 =	vld.idx.msk [tilespmem:v18+s26+$0x0], $0xffff;
	v11 =	vor.u32 v2, v16  }
0x14e: {  	s15 =	sadd.s32 $0x8, s15;
	v16 =	vand.u32 $0x7F, v15;
	v15 =	vadd.s32 s16, v0;
	v6 =	vld.idx.msk [tilespmem:v7+s0+$0x0], $0xffff  }
0x14f: {  	_ =	sdelay $0x2  }
0x150: {  	v13 =	vadd.f32 v14, v13;
	v3 =	vmul.f32 v8, v3  }
0x151: {  	v32 =	vor.u32 v2, v16;
	v7 =	vld.idx.msk [tilespmem:v7+s26+$0x0], $0xffff  }
0x152: {  	s15 =	sadd.s32 $0x2, s14;
	v33 =	vand.u32 $0x7F, v15;
	v34 =	vld.idx.msk [tilespmem:v9+s0+$0x0], $0xffff;
	v4 =	vmul.f32 v10, v4;
	v3 =	vadd.f32 v3, v13  }
0x153: {  	v37 =	vld.idx.msk [tilespmem:v9+s26+$0x0], $0xffff;
	v35 =	vadd.s32 s15, v0;
	v36 =	vor.u32 v2, v33  }
0x154: {  	s16 =	sadd.s32 $0x3, s14;
	v38 =	vld.idx.msk [tilespmem:v11+s0+$0x0], $0xffff;
	v10 =	vand.u32 $0x7F, v35;
	v39 =	vmul.f32 v12, v5;
	v3 =	vadd.f32 v4, v3  }
0x155: {  	v41 =	vld.idx.msk [tilespmem:v11+s26+$0x0], $0xffff;
	v40 =	vadd.s32 s16, v0;
	v10 =	vor.u32 v2, v10  }
0x156: {  	s16 =	sadd.s32 $0x4, s14;
	v5 =	vand.u32 $0x7F, v40;
	v42 =	vld.idx.msk [tilespmem:v32+s0+$0x0], $0xffff;
	v43 =	vmul.f32 v7, v6;
	v3 =	vadd.f32 v39, v3  }
0x157: {  	v44 =	vadd.s32 s16, v0;
	v5 =	vor.u32 v2, v5;
	v45 =	vld.idx.msk [tilespmem:v32+s26+$0x0], $0xffff  }
0x158: {  	s16 =	sadd.s32 $0x5, s14;
	v6 =	vand.u32 $0x7F, v44;
	v47 =	vmul.f32 v37, v34;
	v46 =	vld.idx.msk [tilespmem:v36+s0+$0x0], $0xffff;
	v3 =	vadd.f32 v43, v3  }
0x159: {  	v48 =	vadd.s32 s16, v0;
	v13 =	vld.idx.msk [tilespmem:v36+s26+$0x0], $0xffff;
	v6 =	vor.u32 v2, v6  }
0x15a: {  	s16 =	sadd.s32 $0x6, s14;
	v9 =	vand.u32 $0x7F, v48;
	v50 =	vmul.f32 v41, v38;
	v49 =	vld.idx.msk [tilespmem:v10+s0+$0x0], $0xffff;
	v3 =	vadd.f32 v47, v3  }
0x15b: {  	v51 =	vadd.s32 s16, v0;
	v9 =	vor.u32 v2, v9;
	v10 =	vld.idx.msk [tilespmem:v10+s26+$0x0], $0xffff  }
0x15c: {  	s16 =	sadd.s32 $0x7, s14;
	v11 =	vand.u32 $0x7F, v51;
	v52 =	vld.idx.msk [tilespmem:v5+s0+$0x0], $0xffff;
	v7 =	vmul.f32 v45, v42;
	v3 =	vadd.f32 v50, v3  }
0x15d: {  	v53 =	vadd.s32 s16, v0;
	v11 =	vor.u32 v2, v11;
	v5 =	vld.idx.msk [tilespmem:v5+s26+$0x0], $0xffff  }
0x15e: {  	v4 =	vand.u32 $0x7F, v53;
	v54 =	vld.idx.msk [tilespmem:v6+s0+$0x0], $0xffff;
	v55 =	vmul.f32 v13, v46;
	v3 =	vadd.f32 v7, v3  }
0x15f: {  	v2 =	vor.u32 v2, v4;
	v6 =	vld.idx.msk [tilespmem:v6+s26+$0x0], $0xffff  }
0x160: {  	v56 =	vld.idx.msk [tilespmem:v9+s0+$0x0], $0xffff;
	v57 =	vmul.f32 v10, v49;
	v3 =	vadd.f32 v55, v3  }
0x161: {  	v58 =	vld.idx.msk [tilespmem:v9+s26+$0x0], $0xffff  }
0x162: {  	v59 =	vld.idx.msk [tilespmem:v11+s0+$0x0], $0xffff;
	v5 =	vmul.f32 v5, v52;
	v3 =	vadd.f32 v57, v3  }
0x163: {  	v60 =	vld.idx.msk [tilespmem:v11+s26+$0x0], $0xffff  }
0x164: {  	v61 =	vld.idx.msk [tilespmem:v2+s0+$0x0], $0xffff;
	v62 =	vmul.f32 v6, v54;
	v3 =	vadd.f32 v5, v3  }
0x165: {  	v2 =	vld.idx.msk [tilespmem:v2+s26+$0x0], $0xffff  }
0x166: {  	v4 =	vmul.f32 v58, v56;
	v3 =	vadd.f32 v62, v3;
	_ =	sdelay $0x1  }
0x167: {  	s12 =	sadd.s32 $0x1, s12;
	v63 =	vmul.f32 v60, v59;
	v3 =	vadd.f32 v4, v3  }
0x168: {  	p0 =	sne.s32 s12, $0x4  }
.Ltmp7:
0x169: {  	v2 =	vmul.f32 v2, v61;
	v3 =	vadd.f32 v63, v3;
	(pc) =	sbr.rel @p0 .LBB2_14-.Ltmp7, $3  }
0x16a: {  	_ = 	snop  }
0x16b: {  	v2 =	vadd.f32 v2, v3;
	_ =	sdelay $0x1  }
0x16c: {  	[tilespmem:s13+$0x104C0] =	vst v2  }
0x16d: {  	s11 =	simm.s32 $0x1C0  }
0x16e: {  	[tilespmem:s0], [sflag:$0x5] =	stream.indirect.gather [hbm4b:s1+s19], $0x80, s11, s19, $0xb8;
	[tilespmem:$0x10600] =	vst v63  }
0x16f: {  	s16 =	simm.s32 $0x3C0  }
0x170: {  	[tilespmem:s26], [sflag:$0x9] =	stream.indirect.gather [hbm4b:s2+s19], $0x80, s16, s19, $0xb8;
	[tilespmem:$0x10600] =	vst v63  }
0x171: {  	s12 =	rddreg [dreg:$0xc];
	s13 =	simm.s32 $0x104C0;
	s11 =	simm.s32 $0x0  }
0x172: {  	[hbm4b:s12+s11] =	stream.linear.scatter [tilespmem:s13], [sflag:$0xA], $0x40, $0x38;
	[tilespmem:$0x10600] =	vst v63  }
0x173: {  	_ =	swait.ge [sflag:s29], $0x2000  }
0x174: {  	[sflag:s29] =	ssyncset.done $0x0  }
0x175: {  	[sflag:s29] =	ssyncadd.s32 $0xFFFFE000  }
0x176: {  	_ =	swait.ge [sflag:s31], $0x2000  }
0x177: {  	[sflag:s31] =	ssyncset.done $0x0  }
0x178: {  	s12 =	simm.s32 $0x0;
	[sflag:s31] =	ssyncadd.s32 $0xFFFFE000  }
.LBB2_18:
0x179: {  	s13 =	sshll.u32 s12, $0x4  }
0x17a: {  	v2 =	vmov s13  }
0x17b: {  	v3 =	vadd.s32 s11, v0;
	v2 =	vshll.u32 v2, $0x7  }
0x17c: {  	s14 =	simm.s32 $0x1;
	v3 =	vand.u32 $0x7F, v3;
	v2 =	vor.u32 v1, v2  }
0x17d: {  	v4 =	vadd.s32 s14, v0;
	v3 =	vor.u32 v2, v3  }
0x17e: {  	s15 =	simm.s32 $0x2;
	v4 =	vand.u32 $0x7F, v4  }
0x17f: {  	v5 =	vadd.s32 s15, v0;
	v4 =	vor.u32 v2, v4  }
0x180: {  	s16 =	simm.s32 $0x3;
	v5 =	vand.u32 $0x7F, v5  }
0x181: {  	v6 =	vadd.s32 s16, v0;
	v5 =	vor.u32 v2, v5  }
0x182: {  	s15 =	simm.s32 $0x4;
	v6 =	vand.u32 $0x7F, v6;
	v9 =	vld.idx.msk [tilespmem:v3+s22+$0x0], $0xffff  }
0x183: {  	v7 =	vadd.s32 s15, v0;
	v6 =	vor.u32 v2, v6;
	v10 =	vld.idx.msk [tilespmem:v3+s23+$0x0], $0xffff  }
0x184: {  	s16 =	simm.s32 $0x5;
	v11 =	vld.idx.msk [tilespmem:v4+s22+$0x0], $0xffff;
	v3 =	vand.u32 $0x7F, v7  }
0x185: {  	v7 =	vadd.s32 s16, v0;
	v12 =	vld.idx.msk [tilespmem:v4+s23+$0x0], $0xffff;
	v15 =	vor.u32 v2, v3  }
0x186: {  	s15 =	simm.s32 $0x6;
	v8 =	vld.idx.msk [tilespmem:v5+s23+$0x0], $0xffff;
	v4 =	vand.u32 $0x7F, v7  }
0x187: {  	v3 =	vld.idx.msk [tilespmem:v5+s22+$0x0], $0xffff;
	v5 =	vadd.s32 s15, v0;
	v7 =	vor.u32 v2, v4  }
0x188: {  	s15 =	simm.s32 $0x7;
	v4 =	vld.idx.msk [tilespmem:v6+s22+$0x0], $0xffff;
	v5 =	vand.u32 $0x7F, v5  }
0x189: {  	s14 =	simm.s32 $0x8;
	v14 =	vmul.f32 v10, v9;
	v10 =	vld.idx.msk [tilespmem:v6+s23+$0x0], $0xffff;
	v6 =	vadd.s32 s15, v0;
	v9 =	vor.u32 v2, v5  }
0x18a: {  	v13 =	vimm.f32 $0.0e+00;
	v16 =	vadd.s32 s14, v0;
	v5 =	vld.idx.msk [tilespmem:v15+s22+$0x0], $0xffff;
	v6 =	vand.u32 $0x7F, v6  }
0x18b: {  	s16 =	simm.s32 $0x9;
	v13 =	vadd.f32 v14, v13;
	v14 =	vmul.f32 v12, v11;
	v12 =	vld.idx.msk [tilespmem:v15+s23+$0x0], $0xffff;
	v11 =	vor.u32 v2, v6  }
0x18c: {  	v16 =	vand.u32 $0x7F, v16;
	s15 =	simm.s32 $0x10;
	v15 =	vadd.s32 s16, v0;
	v6 =	vld.idx.msk [tilespmem:v7+s22+$0x0], $0xffff  }
.LBB2_19:
0x18d: {  	p0 =	slt.u32 s15, $0x78;
	v16 =	vor.u32 v2, v16;
	s16 =	sadd.s32 $0x2, s14;
	v13 =	vadd.f32 v14, v13;
	v3 =	vmul.f32 v8, v3;
	v7 =	vld.idx.msk [tilespmem:v7+s23+$0x0], $0xffff  }
0x18e: {  	v8 =	vand.u32 $0x7F, v15;
	v14 =	vadd.s32 s16, v0;
	v15 =	vld.idx.msk [tilespmem:v9+s22+$0x0], $0xffff  }
0x18f: {  	v8 =	vor.u32 v2, v8;
	s16 =	sadd.s32 $0x3, s14;
	v4 =	vmul.f32 v10, v4;
	v3 =	vadd.f32 v3, v13;
	v9 =	vld.idx.msk [tilespmem:v9+s23+$0x0], $0xffff  }
0x190: {  	v10 =	vand.u32 $0x7F, v14;
	v13 =	vadd.s32 s16, v0;
	v14 =	vld.idx.msk [tilespmem:v11+s22+$0x0], $0xffff  }
0x191: {  	s16 =	sadd.s32 $0x4, s14;
	v10 =	vor.u32 v2, v10;
	v3 =	vadd.f32 v4, v3;
	v4 =	vmul.f32 v12, v5;
	v5 =	vld.idx.msk [tilespmem:v11+s23+$0x0], $0xffff  }
0x192: {  	v12 =	vand.u32 $0x7F, v13;
	v13 =	vadd.s32 s16, v0;
	v11 =	vld.idx.msk [tilespmem:v16+s22+$0x0], $0xffff  }
0x193: {  	s16 =	sadd.s32 $0x5, s14;
	v12 =	vor.u32 v2, v12;
	v16 =	vld.idx.msk [tilespmem:v16+s23+$0x0], $0xffff;
	v3 =	vadd.f32 v4, v3;
	v4 =	vmul.f32 v7, v6  }
0x194: {  	v7 =	vand.u32 $0x7F, v13;
	v13 =	vadd.s32 s16, v0;
	v6 =	vld.idx.msk [tilespmem:v8+s22+$0x0], $0xffff  }
0x195: {  	s16 =	sadd.s32 $0x6, s14;
	v18 =	vor.u32 v2, v7;
	v9 =	vmul.f32 v9, v15;
	v17 =	vld.idx.msk [tilespmem:v8+s23+$0x0], $0xffff;
	v4 =	vadd.f32 v4, v3  }
0x196: {  	v7 =	vand.u32 $0x7F, v13;
	v13 =	vadd.s32 s16, v0;
	v3 =	vld.idx.msk [tilespmem:v10+s22+$0x0], $0xffff  }
0x197: {  	s16 =	sadd.s32 $0x7, s14;
	s14 =	smov.u32 s15;
	v7 =	vor.u32 v2, v7;
	v5 =	vmul.f32 v5, v14;
	v8 =	vld.idx.msk [tilespmem:v10+s23+$0x0], $0xffff;
	v15 =	vadd.f32 v9, v4  }
.Ltmp8:
0x198: {  	v9 =	vand.u32 $0x7F, v13;
	v13 =	vadd.s32 s16, v0;
	v4 =	vld.idx.msk [tilespmem:v12+s22+$0x0], $0xffff;
	(pc) =	sbr.rel @p0 .LBB2_19-.Ltmp8, $4  }
0x199: {  	v11 =	vmul.f32 v16, v11;
	v9 =	vor.u32 v2, v9;
	v10 =	vld.idx.msk [tilespmem:v12+s23+$0x0], $0xffff;
	v12 =	vadd.f32 v5, v15  }
0x19a: {  	v16 =	vand.u32 $0x7F, v13;
	v15 =	vadd.s32 s15, v0;
	v5 =	vld.idx.msk [tilespmem:v18+s22+$0x0], $0xffff  }
0x19b: {  	s16 =	sadd.s32 $0x1, s15;
	v14 =	vmul.f32 v17, v6;
	v13 =	vadd.f32 v11, v12;
	v12 =	vld.idx.msk [tilespmem:v18+s23+$0x0], $0xffff;
	v11 =	vor.u32 v2, v16  }
0x19c: {  	s15 =	sadd.s32 $0x8, s15;
	v16 =	vand.u32 $0x7F, v15;
	v15 =	vadd.s32 s16, v0;
	v6 =	vld.idx.msk [tilespmem:v7+s22+$0x0], $0xffff  }
0x19d: {  	_ =	sdelay $0x2  }
0x19e: {  	v13 =	vadd.f32 v14, v13;
	v3 =	vmul.f32 v8, v3  }
0x19f: {  	v32 =	vor.u32 v2, v16;
	v7 =	vld.idx.msk [tilespmem:v7+s23+$0x0], $0xffff  }
0x1a0: {  	s15 =	sadd.s32 $0x2, s14;
	v33 =	vand.u32 $0x7F, v15;
	v34 =	vld.idx.msk [tilespmem:v9+s22+$0x0], $0xffff;
	v4 =	vmul.f32 v10, v4;
	v3 =	vadd.f32 v3, v13  }
0x1a1: {  	v37 =	vld.idx.msk [tilespmem:v9+s23+$0x0], $0xffff;
	v35 =	vadd.s32 s15, v0;
	v36 =	vor.u32 v2, v33  }
0x1a2: {  	s16 =	sadd.s32 $0x3, s14;
	v38 =	vld.idx.msk [tilespmem:v11+s22+$0x0], $0xffff;
	v10 =	vand.u32 $0x7F, v35;
	v39 =	vmul.f32 v12, v5;
	v3 =	vadd.f32 v4, v3  }
0x1a3: {  	v41 =	vld.idx.msk [tilespmem:v11+s23+$0x0], $0xffff;
	v40 =	vadd.s32 s16, v0;
	v10 =	vor.u32 v2, v10  }
0x1a4: {  	s16 =	sadd.s32 $0x4, s14;
	v5 =	vand.u32 $0x7F, v40;
	v42 =	vld.idx.msk [tilespmem:v32+s22+$0x0], $0xffff;
	v43 =	vmul.f32 v7, v6;
	v3 =	vadd.f32 v39, v3  }
0x1a5: {  	v44 =	vadd.s32 s16, v0;
	v5 =	vor.u32 v2, v5;
	v45 =	vld.idx.msk [tilespmem:v32+s23+$0x0], $0xffff  }
0x1a6: {  	s16 =	sadd.s32 $0x5, s14;
	v6 =	vand.u32 $0x7F, v44;
	v47 =	vmul.f32 v37, v34;
	v46 =	vld.idx.msk [tilespmem:v36+s22+$0x0], $0xffff;
	v3 =	vadd.f32 v43, v3  }
0x1a7: {  	v48 =	vadd.s32 s16, v0;
	v13 =	vld.idx.msk [tilespmem:v36+s23+$0x0], $0xffff;
	v6 =	vor.u32 v2, v6  }
0x1a8: {  	s16 =	sadd.s32 $0x6, s14;
	v9 =	vand.u32 $0x7F, v48;
	v50 =	vmul.f32 v41, v38;
	v49 =	vld.idx.msk [tilespmem:v10+s22+$0x0], $0xffff;
	v3 =	vadd.f32 v47, v3  }
0x1a9: {  	v51 =	vadd.s32 s16, v0;
	v9 =	vor.u32 v2, v9;
	v10 =	vld.idx.msk [tilespmem:v10+s23+$0x0], $0xffff  }
0x1aa: {  	s16 =	sadd.s32 $0x7, s14;
	v11 =	vand.u32 $0x7F, v51;
	v52 =	vld.idx.msk [tilespmem:v5+s22+$0x0], $0xffff;
	v7 =	vmul.f32 v45, v42;
	v3 =	vadd.f32 v50, v3  }
0x1ab: {  	v53 =	vadd.s32 s16, v0;
	v11 =	vor.u32 v2, v11;
	v5 =	vld.idx.msk [tilespmem:v5+s23+$0x0], $0xffff  }
0x1ac: {  	v4 =	vand.u32 $0x7F, v53;
	v54 =	vld.idx.msk [tilespmem:v6+s22+$0x0], $0xffff;
	v55 =	vmul.f32 v13, v46;
	v3 =	vadd.f32 v7, v3  }
0x1ad: {  	v2 =	vor.u32 v2, v4;
	v6 =	vld.idx.msk [tilespmem:v6+s23+$0x0], $0xffff  }
0x1ae: {  	v56 =	vld.idx.msk [tilespmem:v9+s22+$0x0], $0xffff;
	v57 =	vmul.f32 v10, v49;
	v3 =	vadd.f32 v55, v3  }
0x1af: {  	v58 =	vld.idx.msk [tilespmem:v9+s23+$0x0], $0xffff  }
0x1b0: {  	v59 =	vld.idx.msk [tilespmem:v11+s22+$0x0], $0xffff;
	v5 =	vmul.f32 v5, v52;
	v3 =	vadd.f32 v57, v3  }
0x1b1: {  	v60 =	vld.idx.msk [tilespmem:v11+s23+$0x0], $0xffff  }
0x1b2: {  	v61 =	vld.idx.msk [tilespmem:v2+s22+$0x0], $0xffff;
	v62 =	vmul.f32 v6, v54;
	v3 =	vadd.f32 v5, v3  }
0x1b3: {  	v2 =	vld.idx.msk [tilespmem:v2+s23+$0x0], $0xffff  }
0x1b4: {  	v4 =	vmul.f32 v58, v56;
	v3 =	vadd.f32 v62, v3;
	_ =	sdelay $0x1  }
0x1b5: {  	s12 =	sadd.s32 $0x1, s12;
	v63 =	vmul.f32 v60, v59;
	v3 =	vadd.f32 v4, v3  }
0x1b6: {  	p0 =	sne.s32 s12, $0x4  }
.Ltmp9:
0x1b7: {  	v2 =	vmul.f32 v2, v61;
	v3 =	vadd.f32 v63, v3;
	(pc) =	sbr.rel @p0 .LBB2_18-.Ltmp9, $3  }
0x1b8: {  	_ = 	snop  }
0x1b9: {  	v2 =	vadd.f32 v2, v3;
	_ =	sdelay $0x1  }
0x1ba: {  	[tilespmem:s13+$0x10500] =	vst v2  }
0x1bb: {  	s11 =	simm.s32 $0x0;
	s12 =	rddreg [dreg:$0xd];
	s13 =	simm.s32 $0x10500  }
0x1bc: {  	[hbm4b:s12+s11] =	stream.linear.scatter [tilespmem:s13], [sflag:$0xA], $0x40, $0x38;
	[tilespmem:$0x10600] =	vst v63  }
0x1bd: {  	_ =	swait.ge [sflag:s3], $0x2000  }
0x1be: {  	[sflag:s3] =	ssyncset.done $0x0  }
0x1bf: {  	[sflag:s3] =	ssyncadd.s32 $0xFFFFE000  }
0x1c0: {  	_ =	swait.ge [sflag:s18], $0x2000  }
0x1c1: {  	[sflag:s18] =	ssyncset.done $0x0  }
0x1c2: {  	s12 =	simm.s32 $0x0;
	[sflag:s18] =	ssyncadd.s32 $0xFFFFE000  }
.LBB2_22:
0x1c3: {  	s13 =	sshll.u32 s12, $0x4  }
0x1c4: {  	v2 =	vmov s13  }
0x1c5: {  	v3 =	vadd.s32 s11, v0;
	v2 =	vshll.u32 v2, $0x7  }
0x1c6: {  	s14 =	simm.s32 $0x1;
	v3 =	vand.u32 $0x7F, v3;
	v2 =	vor.u32 v1, v2  }
0x1c7: {  	v4 =	vadd.s32 s14, v0;
	v3 =	vor.u32 v2, v3  }
0x1c8: {  	s15 =	simm.s32 $0x2;
	v4 =	vand.u32 $0x7F, v4  }
0x1c9: {  	v5 =	vadd.s32 s15, v0;
	v4 =	vor.u32 v2, v4  }
0x1ca: {  	s16 =	simm.s32 $0x3;
	v5 =	vand.u32 $0x7F, v5  }
0x1cb: {  	v6 =	vadd.s32 s16, v0;
	v5 =	vor.u32 v2, v5  }
0x1cc: {  	s15 =	simm.s32 $0x4;
	v6 =	vand.u32 $0x7F, v6;
	v9 =	vld.idx.msk [tilespmem:v3+s24+$0x0], $0xffff  }
0x1cd: {  	v7 =	vadd.s32 s15, v0;
	v6 =	vor.u32 v2, v6;
	v10 =	vld.idx.msk [tilespmem:v3+s25+$0x0], $0xffff  }
0x1ce: {  	s16 =	simm.s32 $0x5;
	v11 =	vld.idx.msk [tilespmem:v4+s24+$0x0], $0xffff;
	v3 =	vand.u32 $0x7F, v7  }
0x1cf: {  	v7 =	vadd.s32 s16, v0;
	v12 =	vld.idx.msk [tilespmem:v4+s25+$0x0], $0xffff;
	v15 =	vor.u32 v2, v3  }
0x1d0: {  	s15 =	simm.s32 $0x6;
	v8 =	vld.idx.msk [tilespmem:v5+s25+$0x0], $0xffff;
	v4 =	vand.u32 $0x7F, v7  }
0x1d1: {  	v3 =	vld.idx.msk [tilespmem:v5+s24+$0x0], $0xffff;
	v5 =	vadd.s32 s15, v0;
	v7 =	vor.u32 v2, v4  }
0x1d2: {  	s15 =	simm.s32 $0x7;
	v4 =	vld.idx.msk [tilespmem:v6+s24+$0x0], $0xffff;
	v5 =	vand.u32 $0x7F, v5  }
0x1d3: {  	s14 =	simm.s32 $0x8;
	v14 =	vmul.f32 v10, v9;
	v10 =	vld.idx.msk [tilespmem:v6+s25+$0x0], $0xffff;
	v6 =	vadd.s32 s15, v0;
	v9 =	vor.u32 v2, v5  }
0x1d4: {  	v13 =	vimm.f32 $0.0e+00;
	v16 =	vadd.s32 s14, v0;
	v5 =	vld.idx.msk [tilespmem:v15+s24+$0x0], $0xffff;
	v6 =	vand.u32 $0x7F, v6  }
0x1d5: {  	s16 =	simm.s32 $0x9;
	v13 =	vadd.f32 v14, v13;
	v14 =	vmul.f32 v12, v11;
	v12 =	vld.idx.msk [tilespmem:v15+s25+$0x0], $0xffff;
	v11 =	vor.u32 v2, v6  }
0x1d6: {  	v16 =	vand.u32 $0x7F, v16;
	s15 =	simm.s32 $0x10;
	v15 =	vadd.s32 s16, v0;
	v6 =	vld.idx.msk [tilespmem:v7+s24+$0x0], $0xffff  }
.LBB2_23:
0x1d7: {  	p0 =	slt.u32 s15, $0x78;
	v16 =	vor.u32 v2, v16;
	s16 =	sadd.s32 $0x2, s14;
	v13 =	vadd.f32 v14, v13;
	v3 =	vmul.f32 v8, v3;
	v7 =	vld.idx.msk [tilespmem:v7+s25+$0x0], $0xffff  }
0x1d8: {  	v8 =	vand.u32 $0x7F, v15;
	v14 =	vadd.s32 s16, v0;
	v15 =	vld.idx.msk [tilespmem:v9+s24+$0x0], $0xffff  }
0x1d9: {  	v8 =	vor.u32 v2, v8;
	s16 =	sadd.s32 $0x3, s14;
	v4 =	vmul.f32 v10, v4;
	v3 =	vadd.f32 v3, v13;
	v9 =	vld.idx.msk [tilespmem:v9+s25+$0x0], $0xffff  }
0x1da: {  	v10 =	vand.u32 $0x7F, v14;
	v13 =	vadd.s32 s16, v0;
	v14 =	vld.idx.msk [tilespmem:v11+s24+$0x0], $0xffff  }
0x1db: {  	s16 =	sadd.s32 $0x4, s14;
	v10 =	vor.u32 v2, v10;
	v3 =	vadd.f32 v4, v3;
	v4 =	vmul.f32 v12, v5;
	v5 =	vld.idx.msk [tilespmem:v11+s25+$0x0], $0xffff  }
0x1dc: {  	v12 =	vand.u32 $0x7F, v13;
	v13 =	vadd.s32 s16, v0;
	v11 =	vld.idx.msk [tilespmem:v16+s24+$0x0], $0xffff  }
0x1dd: {  	s16 =	sadd.s32 $0x5, s14;
	v12 =	vor.u32 v2, v12;
	v16 =	vld.idx.msk [tilespmem:v16+s25+$0x0], $0xffff;
	v3 =	vadd.f32 v4, v3;
	v4 =	vmul.f32 v7, v6  }
0x1de: {  	v7 =	vand.u32 $0x7F, v13;
	v13 =	vadd.s32 s16, v0;
	v6 =	vld.idx.msk [tilespmem:v8+s24+$0x0], $0xffff  }
0x1df: {  	s16 =	sadd.s32 $0x6, s14;
	v18 =	vor.u32 v2, v7;
	v9 =	vmul.f32 v9, v15;
	v17 =	vld.idx.msk [tilespmem:v8+s25+$0x0], $0xffff;
	v4 =	vadd.f32 v4, v3  }
0x1e0: {  	v7 =	vand.u32 $0x7F, v13;
	v13 =	vadd.s32 s16, v0;
	v3 =	vld.idx.msk [tilespmem:v10+s24+$0x0], $0xffff  }
0x1e1: {  	s16 =	sadd.s32 $0x7, s14;
	s14 =	smov.u32 s15;
	v7 =	vor.u32 v2, v7;
	v5 =	vmul.f32 v5, v14;
	v8 =	vld.idx.msk [tilespmem:v10+s25+$0x0], $0xffff;
	v15 =	vadd.f32 v9, v4  }
.Ltmp10:
0x1e2: {  	v9 =	vand.u32 $0x7F, v13;
	v13 =	vadd.s32 s16, v0;
	v4 =	vld.idx.msk [tilespmem:v12+s24+$0x0], $0xffff;
	(pc) =	sbr.rel @p0 .LBB2_23-.Ltmp10, $4  }
0x1e3: {  	v11 =	vmul.f32 v16, v11;
	v9 =	vor.u32 v2, v9;
	v10 =	vld.idx.msk [tilespmem:v12+s25+$0x0], $0xffff;
	v12 =	vadd.f32 v5, v15  }
0x1e4: {  	v16 =	vand.u32 $0x7F, v13;
	v15 =	vadd.s32 s15, v0;
	v5 =	vld.idx.msk [tilespmem:v18+s24+$0x0], $0xffff  }
0x1e5: {  	s16 =	sadd.s32 $0x1, s15;
	v14 =	vmul.f32 v17, v6;
	v13 =	vadd.f32 v11, v12;
	v12 =	vld.idx.msk [tilespmem:v18+s25+$0x0], $0xffff;
	v11 =	vor.u32 v2, v16  }
0x1e6: {  	s15 =	sadd.s32 $0x8, s15;
	v16 =	vand.u32 $0x7F, v15;
	v15 =	vadd.s32 s16, v0;
	v6 =	vld.idx.msk [tilespmem:v7+s24+$0x0], $0xffff  }
0x1e7: {  	_ =	sdelay $0x2  }
0x1e8: {  	v13 =	vadd.f32 v14, v13;
	v3 =	vmul.f32 v8, v3  }
0x1e9: {  	v32 =	vor.u32 v2, v16;
	v7 =	vld.idx.msk [tilespmem:v7+s25+$0x0], $0xffff  }
0x1ea: {  	s15 =	sadd.s32 $0x2, s14;
	v33 =	vand.u32 $0x7F, v15;
	v34 =	vld.idx.msk [tilespmem:v9+s24+$0x0], $0xffff;
	v4 =	vmul.f32 v10, v4;
	v3 =	vadd.f32 v3, v13  }
0x1eb: {  	v37 =	vld.idx.msk [tilespmem:v9+s25+$0x0], $0xffff;
	v35 =	vadd.s32 s15, v0;
	v36 =	vor.u32 v2, v33  }
0x1ec: {  	s16 =	sadd.s32 $0x3, s14;
	v38 =	vld.idx.msk [tilespmem:v11+s24+$0x0], $0xffff;
	v10 =	vand.u32 $0x7F, v35;
	v39 =	vmul.f32 v12, v5;
	v3 =	vadd.f32 v4, v3  }
0x1ed: {  	v41 =	vld.idx.msk [tilespmem:v11+s25+$0x0], $0xffff;
	v40 =	vadd.s32 s16, v0;
	v10 =	vor.u32 v2, v10  }
0x1ee: {  	s16 =	sadd.s32 $0x4, s14;
	v5 =	vand.u32 $0x7F, v40;
	v42 =	vld.idx.msk [tilespmem:v32+s24+$0x0], $0xffff;
	v43 =	vmul.f32 v7, v6;
	v3 =	vadd.f32 v39, v3  }
0x1ef: {  	v44 =	vadd.s32 s16, v0;
	v5 =	vor.u32 v2, v5;
	v45 =	vld.idx.msk [tilespmem:v32+s25+$0x0], $0xffff  }
0x1f0: {  	s16 =	sadd.s32 $0x5, s14;
	v6 =	vand.u32 $0x7F, v44;
	v47 =	vmul.f32 v37, v34;
	v46 =	vld.idx.msk [tilespmem:v36+s24+$0x0], $0xffff;
	v3 =	vadd.f32 v43, v3  }
0x1f1: {  	v48 =	vadd.s32 s16, v0;
	v13 =	vld.idx.msk [tilespmem:v36+s25+$0x0], $0xffff;
	v6 =	vor.u32 v2, v6  }
0x1f2: {  	s16 =	sadd.s32 $0x6, s14;
	v9 =	vand.u32 $0x7F, v48;
	v50 =	vmul.f32 v41, v38;
	v49 =	vld.idx.msk [tilespmem:v10+s24+$0x0], $0xffff;
	v3 =	vadd.f32 v47, v3  }
0x1f3: {  	v51 =	vadd.s32 s16, v0;
	v9 =	vor.u32 v2, v9;
	v10 =	vld.idx.msk [tilespmem:v10+s25+$0x0], $0xffff  }
0x1f4: {  	s16 =	sadd.s32 $0x7, s14;
	v11 =	vand.u32 $0x7F, v51;
	v52 =	vld.idx.msk [tilespmem:v5+s24+$0x0], $0xffff;
	v7 =	vmul.f32 v45, v42;
	v3 =	vadd.f32 v50, v3  }
0x1f5: {  	v53 =	vadd.s32 s16, v0;
	v11 =	vor.u32 v2, v11;
	v5 =	vld.idx.msk [tilespmem:v5+s25+$0x0], $0xffff  }
0x1f6: {  	v4 =	vand.u32 $0x7F, v53;
	v54 =	vld.idx.msk [tilespmem:v6+s24+$0x0], $0xffff;
	v55 =	vmul.f32 v13, v46;
	v3 =	vadd.f32 v7, v3  }
0x1f7: {  	v2 =	vor.u32 v2, v4;
	v6 =	vld.idx.msk [tilespmem:v6+s25+$0x0], $0xffff  }
0x1f8: {  	v56 =	vld.idx.msk [tilespmem:v9+s24+$0x0], $0xffff;
	v57 =	vmul.f32 v10, v49;
	v3 =	vadd.f32 v55, v3  }
0x1f9: {  	v58 =	vld.idx.msk [tilespmem:v9+s25+$0x0], $0xffff  }
0x1fa: {  	v59 =	vld.idx.msk [tilespmem:v11+s24+$0x0], $0xffff;
	v5 =	vmul.f32 v5, v52;
	v3 =	vadd.f32 v57, v3  }
0x1fb: {  	v60 =	vld.idx.msk [tilespmem:v11+s25+$0x0], $0xffff  }
0x1fc: {  	v61 =	vld.idx.msk [tilespmem:v2+s24+$0x0], $0xffff;
	v62 =	vmul.f32 v6, v54;
	v3 =	vadd.f32 v5, v3  }
0x1fd: {  	v2 =	vld.idx.msk [tilespmem:v2+s25+$0x0], $0xffff  }
0x1fe: {  	v4 =	vmul.f32 v58, v56;
	v3 =	vadd.f32 v62, v3;
	_ =	sdelay $0x1  }
0x1ff: {  	s12 =	sadd.s32 $0x1, s12;
	v63 =	vmul.f32 v60, v59;
	v3 =	vadd.f32 v4, v3  }
0x200: {  	p0 =	sne.s32 s12, $0x4  }
.Ltmp11:
0x201: {  	v2 =	vmul.f32 v2, v61;
	v3 =	vadd.f32 v63, v3;
	(pc) =	sbr.rel @p0 .LBB2_22-.Ltmp11, $3  }
0x202: {  	_ = 	snop  }
0x203: {  	v2 =	vadd.f32 v2, v3;
	_ =	sdelay $0x1  }
0x204: {  	[tilespmem:s13+$0x10540] =	vst v2  }
0x205: {  	s11 =	simm.s32 $0x0;
	s12 =	rddreg [dreg:$0xe];
	s13 =	simm.s32 $0x10540  }
0x206: {  	[hbm4b:s12+s11] =	stream.linear.scatter [tilespmem:s13], [sflag:$0xA], $0x40, $0x38;
	[tilespmem:$0x10600] =	vst v63  }
0x207: {  	_ =	swait.ge [sflag:s20], $0x2000  }
0x208: {  	[sflag:s20] =	ssyncset.done $0x0  }
0x209: {  	[sflag:s20] =	ssyncadd.s32 $0xFFFFE000  }
0x20a: {  	_ =	swait.ge [sflag:s5], $0x2000  }
0x20b: {  	[sflag:s5] =	ssyncset.done $0x0  }
0x20c: {  	s12 =	simm.s32 $0x0;
	[sflag:s5] =	ssyncadd.s32 $0xFFFFE000  }
.LBB2_26:
0x20d: {  	s13 =	sshll.u32 s12, $0x4  }
0x20e: {  	v2 =	vmov s13  }
0x20f: {  	v3 =	vadd.s32 s11, v0;
	v2 =	vshll.u32 v2, $0x7  }
0x210: {  	s14 =	simm.s32 $0x1;
	v3 =	vand.u32 $0x7F, v3;
	v2 =	vor.u32 v1, v2  }
0x211: {  	v4 =	vadd.s32 s14, v0;
	v3 =	vor.u32 v2, v3  }
0x212: {  	s15 =	simm.s32 $0x2;
	v4 =	vand.u32 $0x7F, v4  }
0x213: {  	v5 =	vadd.s32 s15, v0;
	v4 =	vor.u32 v2, v4  }
0x214: {  	s16 =	simm.s32 $0x3;
	v5 =	vand.u32 $0x7F, v5  }
0x215: {  	v6 =	vadd.s32 s16, v0;
	v5 =	vor.u32 v2, v5  }
0x216: {  	s15 =	simm.s32 $0x4;
	v6 =	vand.u32 $0x7F, v6;
	v9 =	vld.idx.msk [tilespmem:v3+s28+$0x0], $0xffff  }
0x217: {  	v7 =	vadd.s32 s15, v0;
	v6 =	vor.u32 v2, v6;
	v10 =	vld.idx.msk [tilespmem:v3+s30+$0x0], $0xffff  }
0x218: {  	s16 =	simm.s32 $0x5;
	v11 =	vld.idx.msk [tilespmem:v4+s28+$0x0], $0xffff;
	v3 =	vand.u32 $0x7F, v7  }
0x219: {  	v7 =	vadd.s32 s16, v0;
	v12 =	vld.idx.msk [tilespmem:v4+s30+$0x0], $0xffff;
	v15 =	vor.u32 v2, v3  }
0x21a: {  	s15 =	simm.s32 $0x6;
	v8 =	vld.idx.msk [tilespmem:v5+s30+$0x0], $0xffff;
	v4 =	vand.u32 $0x7F, v7  }
0x21b: {  	v3 =	vld.idx.msk [tilespmem:v5+s28+$0x0], $0xffff;
	v5 =	vadd.s32 s15, v0;
	v7 =	vor.u32 v2, v4  }
0x21c: {  	s15 =	simm.s32 $0x7;
	v4 =	vld.idx.msk [tilespmem:v6+s28+$0x0], $0xffff;
	v5 =	vand.u32 $0x7F, v5  }
0x21d: {  	s14 =	simm.s32 $0x8;
	v14 =	vmul.f32 v10, v9;
	v10 =	vld.idx.msk [tilespmem:v6+s30+$0x0], $0xffff;
	v6 =	vadd.s32 s15, v0;
	v9 =	vor.u32 v2, v5  }
0x21e: {  	v13 =	vimm.f32 $0.0e+00;
	v16 =	vadd.s32 s14, v0;
	v5 =	vld.idx.msk [tilespmem:v15+s28+$0x0], $0xffff;
	v6 =	vand.u32 $0x7F, v6  }
0x21f: {  	s16 =	simm.s32 $0x9;
	v13 =	vadd.f32 v14, v13;
	v14 =	vmul.f32 v12, v11;
	v12 =	vld.idx.msk [tilespmem:v15+s30+$0x0], $0xffff;
	v11 =	vor.u32 v2, v6  }
0x220: {  	v16 =	vand.u32 $0x7F, v16;
	s15 =	simm.s32 $0x10;
	v15 =	vadd.s32 s16, v0;
	v6 =	vld.idx.msk [tilespmem:v7+s28+$0x0], $0xffff  }
.LBB2_27:
0x221: {  	p0 =	slt.u32 s15, $0x78;
	v16 =	vor.u32 v2, v16;
	s16 =	sadd.s32 $0x2, s14;
	v13 =	vadd.f32 v14, v13;
	v3 =	vmul.f32 v8, v3;
	v7 =	vld.idx.msk [tilespmem:v7+s30+$0x0], $0xffff  }
0x222: {  	v8 =	vand.u32 $0x7F, v15;
	v14 =	vadd.s32 s16, v0;
	v15 =	vld.idx.msk [tilespmem:v9+s28+$0x0], $0xffff  }
0x223: {  	v8 =	vor.u32 v2, v8;
	s16 =	sadd.s32 $0x3, s14;
	v4 =	vmul.f32 v10, v4;
	v3 =	vadd.f32 v3, v13;
	v9 =	vld.idx.msk [tilespmem:v9+s30+$0x0], $0xffff  }
0x224: {  	v10 =	vand.u32 $0x7F, v14;
	v13 =	vadd.s32 s16, v0;
	v14 =	vld.idx.msk [tilespmem:v11+s28+$0x0], $0xffff  }
0x225: {  	s16 =	sadd.s32 $0x4, s14;
	v10 =	vor.u32 v2, v10;
	v3 =	vadd.f32 v4, v3;
	v4 =	vmul.f32 v12, v5;
	v5 =	vld.idx.msk [tilespmem:v11+s30+$0x0], $0xffff  }
0x226: {  	v12 =	vand.u32 $0x7F, v13;
	v13 =	vadd.s32 s16, v0;
	v11 =	vld.idx.msk [tilespmem:v16+s28+$0x0], $0xffff  }
0x227: {  	s16 =	sadd.s32 $0x5, s14;
	v12 =	vor.u32 v2, v12;
	v16 =	vld.idx.msk [tilespmem:v16+s30+$0x0], $0xffff;
	v3 =	vadd.f32 v4, v3;
	v4 =	vmul.f32 v7, v6  }
0x228: {  	v7 =	vand.u32 $0x7F, v13;
	v13 =	vadd.s32 s16, v0;
	v6 =	vld.idx.msk [tilespmem:v8+s28+$0x0], $0xffff  }
0x229: {  	s16 =	sadd.s32 $0x6, s14;
	v18 =	vor.u32 v2, v7;
	v9 =	vmul.f32 v9, v15;
	v17 =	vld.idx.msk [tilespmem:v8+s30+$0x0], $0xffff;
	v4 =	vadd.f32 v4, v3  }
0x22a: {  	v7 =	vand.u32 $0x7F, v13;
	v13 =	vadd.s32 s16, v0;
	v3 =	vld.idx.msk [tilespmem:v10+s28+$0x0], $0xffff  }
0x22b: {  	s16 =	sadd.s32 $0x7, s14;
	s14 =	smov.u32 s15;
	v7 =	vor.u32 v2, v7;
	v5 =	vmul.f32 v5, v14;
	v8 =	vld.idx.msk [tilespmem:v10+s30+$0x0], $0xffff;
	v15 =	vadd.f32 v9, v4  }
.Ltmp12:
0x22c: {  	v9 =	vand.u32 $0x7F, v13;
	v13 =	vadd.s32 s16, v0;
	v4 =	vld.idx.msk [tilespmem:v12+s28+$0x0], $0xffff;
	(pc) =	sbr.rel @p0 .LBB2_27-.Ltmp12, $4  }
0x22d: {  	v11 =	vmul.f32 v16, v11;
	v9 =	vor.u32 v2, v9;
	v10 =	vld.idx.msk [tilespmem:v12+s30+$0x0], $0xffff;
	v12 =	vadd.f32 v5, v15  }
0x22e: {  	v16 =	vand.u32 $0x7F, v13;
	v15 =	vadd.s32 s15, v0;
	v5 =	vld.idx.msk [tilespmem:v18+s28+$0x0], $0xffff  }
0x22f: {  	s16 =	sadd.s32 $0x1, s15;
	v14 =	vmul.f32 v17, v6;
	v13 =	vadd.f32 v11, v12;
	v12 =	vld.idx.msk [tilespmem:v18+s30+$0x0], $0xffff;
	v11 =	vor.u32 v2, v16  }
0x230: {  	s15 =	sadd.s32 $0x8, s15;
	v16 =	vand.u32 $0x7F, v15;
	v15 =	vadd.s32 s16, v0;
	v6 =	vld.idx.msk [tilespmem:v7+s28+$0x0], $0xffff  }
0x231: {  	_ =	sdelay $0x2  }
0x232: {  	v13 =	vadd.f32 v14, v13;
	v3 =	vmul.f32 v8, v3  }
0x233: {  	v32 =	vor.u32 v2, v16;
	v7 =	vld.idx.msk [tilespmem:v7+s30+$0x0], $0xffff  }
0x234: {  	s15 =	sadd.s32 $0x2, s14;
	v33 =	vand.u32 $0x7F, v15;
	v34 =	vld.idx.msk [tilespmem:v9+s28+$0x0], $0xffff;
	v4 =	vmul.f32 v10, v4;
	v3 =	vadd.f32 v3, v13  }
0x235: {  	v37 =	vld.idx.msk [tilespmem:v9+s30+$0x0], $0xffff;
	v35 =	vadd.s32 s15, v0;
	v36 =	vor.u32 v2, v33  }
0x236: {  	s16 =	sadd.s32 $0x3, s14;
	v38 =	vld.idx.msk [tilespmem:v11+s28+$0x0], $0xffff;
	v10 =	vand.u32 $0x7F, v35;
	v39 =	vmul.f32 v12, v5;
	v3 =	vadd.f32 v4, v3  }
0x237: {  	v41 =	vld.idx.msk [tilespmem:v11+s30+$0x0], $0xffff;
	v40 =	vadd.s32 s16, v0;
	v10 =	vor.u32 v2, v10  }
0x238: {  	s16 =	sadd.s32 $0x4, s14;
	v5 =	vand.u32 $0x7F, v40;
	v42 =	vld.idx.msk [tilespmem:v32+s28+$0x0], $0xffff;
	v43 =	vmul.f32 v7, v6;
	v3 =	vadd.f32 v39, v3  }
0x239: {  	v44 =	vadd.s32 s16, v0;
	v5 =	vor.u32 v2, v5;
	v45 =	vld.idx.msk [tilespmem:v32+s30+$0x0], $0xffff  }
0x23a: {  	s16 =	sadd.s32 $0x5, s14;
	v6 =	vand.u32 $0x7F, v44;
	v47 =	vmul.f32 v37, v34;
	v46 =	vld.idx.msk [tilespmem:v36+s28+$0x0], $0xffff;
	v3 =	vadd.f32 v43, v3  }
0x23b: {  	v48 =	vadd.s32 s16, v0;
	v13 =	vld.idx.msk [tilespmem:v36+s30+$0x0], $0xffff;
	v6 =	vor.u32 v2, v6  }
0x23c: {  	s16 =	sadd.s32 $0x6, s14;
	v9 =	vand.u32 $0x7F, v48;
	v50 =	vmul.f32 v41, v38;
	v49 =	vld.idx.msk [tilespmem:v10+s28+$0x0], $0xffff;
	v3 =	vadd.f32 v47, v3  }
0x23d: {  	v51 =	vadd.s32 s16, v0;
	v9 =	vor.u32 v2, v9;
	v10 =	vld.idx.msk [tilespmem:v10+s30+$0x0], $0xffff  }
0x23e: {  	s16 =	sadd.s32 $0x7, s14;
	v11 =	vand.u32 $0x7F, v51;
	v52 =	vld.idx.msk [tilespmem:v5+s28+$0x0], $0xffff;
	v7 =	vmul.f32 v45, v42;
	v3 =	vadd.f32 v50, v3  }
0x23f: {  	v53 =	vadd.s32 s16, v0;
	v11 =	vor.u32 v2, v11;
	v5 =	vld.idx.msk [tilespmem:v5+s30+$0x0], $0xffff  }
0x240: {  	v4 =	vand.u32 $0x7F, v53;
	v54 =	vld.idx.msk [tilespmem:v6+s28+$0x0], $0xffff;
	v55 =	vmul.f32 v13, v46;
	v3 =	vadd.f32 v7, v3  }
0x241: {  	v2 =	vor.u32 v2, v4;
	v6 =	vld.idx.msk [tilespmem:v6+s30+$0x0], $0xffff  }
0x242: {  	v56 =	vld.idx.msk [tilespmem:v9+s28+$0x0], $0xffff;
	v57 =	vmul.f32 v10, v49;
	v3 =	vadd.f32 v55, v3  }
0x243: {  	v58 =	vld.idx.msk [tilespmem:v9+s30+$0x0], $0xffff  }
0x244: {  	v59 =	vld.idx.msk [tilespmem:v11+s28+$0x0], $0xffff;
	v5 =	vmul.f32 v5, v52;
	v3 =	vadd.f32 v57, v3  }
0x245: {  	v60 =	vld.idx.msk [tilespmem:v11+s30+$0x0], $0xffff  }
0x246: {  	v61 =	vld.idx.msk [tilespmem:v2+s28+$0x0], $0xffff;
	v62 =	vmul.f32 v6, v54;
	v3 =	vadd.f32 v5, v3  }
0x247: {  	v2 =	vld.idx.msk [tilespmem:v2+s30+$0x0], $0xffff  }
0x248: {  	v4 =	vmul.f32 v58, v56;
	v3 =	vadd.f32 v62, v3;
	_ =	sdelay $0x1  }
0x249: {  	s12 =	sadd.s32 $0x1, s12;
	v63 =	vmul.f32 v60, v59;
	v3 =	vadd.f32 v4, v3  }
0x24a: {  	p0 =	sne.s32 s12, $0x4  }
.Ltmp13:
0x24b: {  	v2 =	vmul.f32 v2, v61;
	v3 =	vadd.f32 v63, v3;
	(pc) =	sbr.rel @p0 .LBB2_26-.Ltmp13, $3  }
0x24c: {  	_ = 	snop  }
0x24d: {  	v2 =	vadd.f32 v2, v3;
	_ =	sdelay $0x1  }
0x24e: {  	[tilespmem:s13+$0x10580] =	vst v2  }
0x24f: {  	s11 =	simm.s32 $0x0;
	s12 =	rddreg [dreg:$0xf];
	s13 =	simm.s32 $0x10580  }
0x250: {  	[hbm4b:s12+s11] =	stream.linear.scatter [tilespmem:s13], [sflag:$0xA], $0x40, $0x38;
	[tilespmem:$0x10600] =	vst v63  }
0x251: {  	_ =	swait.ge [sflag:s6], $0x2000  }
0x252: {  	[sflag:s6] =	ssyncset.done $0x0  }
0x253: {  	[sflag:s6] =	ssyncadd.s32 $0xFFFFE000  }
0x254: {  	_ =	swait.ge [sflag:s7], $0x2000  }
0x255: {  	[sflag:s7] =	ssyncset.done $0x0  }
0x256: {  	s12 =	simm.s32 $0x0;
	[sflag:s7] =	ssyncadd.s32 $0xFFFFE000  }
.LBB2_30:
0x257: {  	s13 =	sshll.u32 s12, $0x4  }
0x258: {  	v2 =	vmov s13  }
0x259: {  	v3 =	vadd.s32 s11, v0;
	v2 =	vshll.u32 v2, $0x7  }
0x25a: {  	s14 =	simm.s32 $0x1;
	v3 =	vand.u32 $0x7F, v3;
	v2 =	vor.u32 v1, v2  }
0x25b: {  	v4 =	vadd.s32 s14, v0;
	v3 =	vor.u32 v2, v3  }
0x25c: {  	s15 =	simm.s32 $0x2;
	v4 =	vand.u32 $0x7F, v4  }
0x25d: {  	v5 =	vadd.s32 s15, v0;
	v4 =	vor.u32 v2, v4  }
0x25e: {  	s16 =	simm.s32 $0x3;
	v5 =	vand.u32 $0x7F, v5  }
0x25f: {  	v6 =	vadd.s32 s16, v0;
	v5 =	vor.u32 v2, v5  }
0x260: {  	s15 =	simm.s32 $0x4;
	v6 =	vand.u32 $0x7F, v6;
	v9 =	vld.idx.msk [tilespmem:v3+s0+$0x0], $0xffff  }
0x261: {  	v7 =	vadd.s32 s15, v0;
	v6 =	vor.u32 v2, v6;
	v10 =	vld.idx.msk [tilespmem:v3+s26+$0x0], $0xffff  }
0x262: {  	s16 =	simm.s32 $0x5;
	v11 =	vld.idx.msk [tilespmem:v4+s0+$0x0], $0xffff;
	v3 =	vand.u32 $0x7F, v7  }
0x263: {  	v7 =	vadd.s32 s16, v0;
	v12 =	vld.idx.msk [tilespmem:v4+s26+$0x0], $0xffff;
	v15 =	vor.u32 v2, v3  }
0x264: {  	s15 =	simm.s32 $0x6;
	v8 =	vld.idx.msk [tilespmem:v5+s26+$0x0], $0xffff;
	v4 =	vand.u32 $0x7F, v7  }
0x265: {  	v3 =	vld.idx.msk [tilespmem:v5+s0+$0x0], $0xffff;
	v5 =	vadd.s32 s15, v0;
	v7 =	vor.u32 v2, v4  }
0x266: {  	s15 =	simm.s32 $0x7;
	v4 =	vld.idx.msk [tilespmem:v6+s0+$0x0], $0xffff;
	v5 =	vand.u32 $0x7F, v5  }
0x267: {  	s14 =	simm.s32 $0x8;
	v14 =	vmul.f32 v10, v9;
	v10 =	vld.idx.msk [tilespmem:v6+s26+$0x0], $0xffff;
	v6 =	vadd.s32 s15, v0;
	v9 =	vor.u32 v2, v5  }
0x268: {  	v13 =	vimm.f32 $0.0e+00;
	v16 =	vadd.s32 s14, v0;
	v5 =	vld.idx.msk [tilespmem:v15+s0+$0x0], $0xffff;
	v6 =	vand.u32 $0x7F, v6  }
0x269: {  	s16 =	simm.s32 $0x9;
	v13 =	vadd.f32 v14, v13;
	v14 =	vmul.f32 v12, v11;
	v12 =	vld.idx.msk [tilespmem:v15+s26+$0x0], $0xffff;
	v11 =	vor.u32 v2, v6  }
0x26a: {  	v16 =	vand.u32 $0x7F, v16;
	s15 =	simm.s32 $0x10;
	v15 =	vadd.s32 s16, v0;
	v6 =	vld.idx.msk [tilespmem:v7+s0+$0x0], $0xffff  }
.LBB2_31:
0x26b: {  	p0 =	slt.u32 s15, $0x78;
	v16 =	vor.u32 v2, v16;
	s16 =	sadd.s32 $0x2, s14;
	v13 =	vadd.f32 v14, v13;
	v3 =	vmul.f32 v8, v3;
	v7 =	vld.idx.msk [tilespmem:v7+s26+$0x0], $0xffff  }
0x26c: {  	v8 =	vand.u32 $0x7F, v15;
	v14 =	vadd.s32 s16, v0;
	v15 =	vld.idx.msk [tilespmem:v9+s0+$0x0], $0xffff  }
0x26d: {  	v8 =	vor.u32 v2, v8;
	s16 =	sadd.s32 $0x3, s14;
	v4 =	vmul.f32 v10, v4;
	v3 =	vadd.f32 v3, v13;
	v9 =	vld.idx.msk [tilespmem:v9+s26+$0x0], $0xffff  }
0x26e: {  	v10 =	vand.u32 $0x7F, v14;
	v13 =	vadd.s32 s16, v0;
	v14 =	vld.idx.msk [tilespmem:v11+s0+$0x0], $0xffff  }
0x26f: {  	s16 =	sadd.s32 $0x4, s14;
	v10 =	vor.u32 v2, v10;
	v3 =	vadd.f32 v4, v3;
	v4 =	vmul.f32 v12, v5;
	v5 =	vld.idx.msk [tilespmem:v11+s26+$0x0], $0xffff  }
0x270: {  	v12 =	vand.u32 $0x7F, v13;
	v13 =	vadd.s32 s16, v0;
	v11 =	vld.idx.msk [tilespmem:v16+s0+$0x0], $0xffff  }
0x271: {  	s16 =	sadd.s32 $0x5, s14;
	v12 =	vor.u32 v2, v12;
	v16 =	vld.idx.msk [tilespmem:v16+s26+$0x0], $0xffff;
	v3 =	vadd.f32 v4, v3;
	v4 =	vmul.f32 v7, v6  }
0x272: {  	v7 =	vand.u32 $0x7F, v13;
	v13 =	vadd.s32 s16, v0;
	v6 =	vld.idx.msk [tilespmem:v8+s0+$0x0], $0xffff  }
0x273: {  	s16 =	sadd.s32 $0x6, s14;
	v18 =	vor.u32 v2, v7;
	v9 =	vmul.f32 v9, v15;
	v17 =	vld.idx.msk [tilespmem:v8+s26+$0x0], $0xffff;
	v4 =	vadd.f32 v4, v3  }
0x274: {  	v7 =	vand.u32 $0x7F, v13;
	v13 =	vadd.s32 s16, v0;
	v3 =	vld.idx.msk [tilespmem:v10+s0+$0x0], $0xffff  }
0x275: {  	s16 =	sadd.s32 $0x7, s14;
	s14 =	smov.u32 s15;
	v7 =	vor.u32 v2, v7;
	v5 =	vmul.f32 v5, v14;
	v8 =	vld.idx.msk [tilespmem:v10+s26+$0x0], $0xffff;
	v15 =	vadd.f32 v9, v4  }
.Ltmp14:
0x276: {  	v9 =	vand.u32 $0x7F, v13;
	v13 =	vadd.s32 s16, v0;
	v4 =	vld.idx.msk [tilespmem:v12+s0+$0x0], $0xffff;
	(pc) =	sbr.rel @p0 .LBB2_31-.Ltmp14, $4  }
0x277: {  	v11 =	vmul.f32 v16, v11;
	v9 =	vor.u32 v2, v9;
	v10 =	vld.idx.msk [tilespmem:v12+s26+$0x0], $0xffff;
	v12 =	vadd.f32 v5, v15  }
0x278: {  	v16 =	vand.u32 $0x7F, v13;
	v15 =	vadd.s32 s15, v0;
	v5 =	vld.idx.msk [tilespmem:v18+s0+$0x0], $0xffff  }
0x279: {  	s16 =	sadd.s32 $0x1, s15;
	v14 =	vmul.f32 v17, v6;
	v13 =	vadd.f32 v11, v12;
	v12 =	vld.idx.msk [tilespmem:v18+s26+$0x0], $0xffff;
	v11 =	vor.u32 v2, v16  }
0x27a: {  	s15 =	sadd.s32 $0x8, s15;
	v16 =	vand.u32 $0x7F, v15;
	v15 =	vadd.s32 s16, v0;
	v6 =	vld.idx.msk [tilespmem:v7+s0+$0x0], $0xffff  }
0x27b: {  	_ =	sdelay $0x2  }
0x27c: {  	v13 =	vadd.f32 v14, v13;
	v3 =	vmul.f32 v8, v3  }
0x27d: {  	v32 =	vor.u32 v2, v16;
	v7 =	vld.idx.msk [tilespmem:v7+s26+$0x0], $0xffff  }
0x27e: {  	s15 =	sadd.s32 $0x2, s14;
	v33 =	vand.u32 $0x7F, v15;
	v34 =	vld.idx.msk [tilespmem:v9+s0+$0x0], $0xffff;
	v4 =	vmul.f32 v10, v4;
	v3 =	vadd.f32 v3, v13  }
0x27f: {  	v37 =	vld.idx.msk [tilespmem:v9+s26+$0x0], $0xffff;
	v35 =	vadd.s32 s15, v0;
	v36 =	vor.u32 v2, v33  }
0x280: {  	s16 =	sadd.s32 $0x3, s14;
	v38 =	vld.idx.msk [tilespmem:v11+s0+$0x0], $0xffff;
	v10 =	vand.u32 $0x7F, v35;
	v39 =	vmul.f32 v12, v5;
	v3 =	vadd.f32 v4, v3  }
0x281: {  	v41 =	vld.idx.msk [tilespmem:v11+s26+$0x0], $0xffff;
	v40 =	vadd.s32 s16, v0;
	v10 =	vor.u32 v2, v10  }
0x282: {  	s16 =	sadd.s32 $0x4, s14;
	v5 =	vand.u32 $0x7F, v40;
	v42 =	vld.idx.msk [tilespmem:v32+s0+$0x0], $0xffff;
	v43 =	vmul.f32 v7, v6;
	v3 =	vadd.f32 v39, v3  }
0x283: {  	v44 =	vadd.s32 s16, v0;
	v5 =	vor.u32 v2, v5;
	v45 =	vld.idx.msk [tilespmem:v32+s26+$0x0], $0xffff  }
0x284: {  	s16 =	sadd.s32 $0x5, s14;
	v6 =	vand.u32 $0x7F, v44;
	v47 =	vmul.f32 v37, v34;
	v46 =	vld.idx.msk [tilespmem:v36+s0+$0x0], $0xffff;
	v3 =	vadd.f32 v43, v3  }
0x285: {  	v48 =	vadd.s32 s16, v0;
	v13 =	vld.idx.msk [tilespmem:v36+s26+$0x0], $0xffff;
	v6 =	vor.u32 v2, v6  }
0x286: {  	s16 =	sadd.s32 $0x6, s14;
	v9 =	vand.u32 $0x7F, v48;
	v50 =	vmul.f32 v41, v38;
	v49 =	vld.idx.msk [tilespmem:v10+s0+$0x0], $0xffff;
	v3 =	vadd.f32 v47, v3  }
0x287: {  	v51 =	vadd.s32 s16, v0;
	v9 =	vor.u32 v2, v9;
	v10 =	vld.idx.msk [tilespmem:v10+s26+$0x0], $0xffff  }
0x288: {  	s16 =	sadd.s32 $0x7, s14;
	v11 =	vand.u32 $0x7F, v51;
	v52 =	vld.idx.msk [tilespmem:v5+s0+$0x0], $0xffff;
	v7 =	vmul.f32 v45, v42;
	v3 =	vadd.f32 v50, v3  }
0x289: {  	v53 =	vadd.s32 s16, v0;
	v11 =	vor.u32 v2, v11;
	v5 =	vld.idx.msk [tilespmem:v5+s26+$0x0], $0xffff  }
0x28a: {  	v4 =	vand.u32 $0x7F, v53;
	v54 =	vld.idx.msk [tilespmem:v6+s0+$0x0], $0xffff;
	v55 =	vmul.f32 v13, v46;
	v3 =	vadd.f32 v7, v3  }
0x28b: {  	v2 =	vor.u32 v2, v4;
	v6 =	vld.idx.msk [tilespmem:v6+s26+$0x0], $0xffff  }
0x28c: {  	v56 =	vld.idx.msk [tilespmem:v9+s0+$0x0], $0xffff;
	v57 =	vmul.f32 v10, v49;
	v3 =	vadd.f32 v55, v3  }
0x28d: {  	v58 =	vld.idx.msk [tilespmem:v9+s26+$0x0], $0xffff  }
0x28e: {  	v59 =	vld.idx.msk [tilespmem:v11+s0+$0x0], $0xffff;
	v5 =	vmul.f32 v5, v52;
	v3 =	vadd.f32 v57, v3  }
0x28f: {  	v60 =	vld.idx.msk [tilespmem:v11+s26+$0x0], $0xffff  }
0x290: {  	v61 =	vld.idx.msk [tilespmem:v2+s0+$0x0], $0xffff;
	v62 =	vmul.f32 v6, v54;
	v3 =	vadd.f32 v5, v3  }
0x291: {  	v2 =	vld.idx.msk [tilespmem:v2+s26+$0x0], $0xffff  }
0x292: {  	v4 =	vmul.f32 v58, v56;
	v3 =	vadd.f32 v62, v3;
	_ =	sdelay $0x1  }
0x293: {  	s12 =	sadd.s32 $0x1, s12;
	v63 =	vmul.f32 v60, v59;
	v3 =	vadd.f32 v4, v3  }
0x294: {  	p0 =	sne.s32 s12, $0x4  }
.Ltmp15:
0x295: {  	v2 =	vmul.f32 v2, v61;
	v3 =	vadd.f32 v63, v3;
	(pc) =	sbr.rel @p0 .LBB2_30-.Ltmp15, $3  }
0x296: {  	_ = 	snop  }
0x297: {  	v2 =	vadd.f32 v2, v3;
	_ =	sdelay $0x1  }
0x298: {  	[tilespmem:s13+$0x105C0] =	vst v2  }
0x299: {  	s11 =	rddreg [dreg:$0x10];
	s12 =	simm.s32 $0x105C0  }
0x29a: {  	[hbm4b:s11+s4] =	stream.linear.scatter [tilespmem:s12], [sflag:$0xA], $0x40, $0x38;
	[tilespmem:$0x10600] =	vst v63  }
0x29b: {  	_ =	swait.ge [sflag:s9], $0x40  }
0x29c: {  	[sflag:s9] =	ssyncset.done $0x0  }
0x29d: {  	[sflag:s9] =	ssyncadd.s32 $0xFFFFFFC0  }
0x29e: {  	_ =	swait.ge [sflag:s9], $0x40  }
0x29f: {  	[sflag:s9] =	ssyncset.done $0x0  }
0x2a0: {  	[sflag:s9] =	ssyncadd.s32 $0xFFFFFFC0  }
0x2a1: {  	_ =	swait.ge [sflag:s9], $0x40  }
0x2a2: {  	[sflag:s9] =	ssyncset.done $0x0  }
0x2a3: {  	[sflag:s9] =	ssyncadd.s32 $0xFFFFFFC0  }
0x2a4: {  	_ =	swait.ge [sflag:s9], $0x40  }
0x2a5: {  	[sflag:s9] =	ssyncset.done $0x0  }
0x2a6: {  	[sflag:s9] =	ssyncadd.s32 $0xFFFFFFC0  }
0x2a7: {  	_ =	swait.ge [sflag:s9], $0x40  }
0x2a8: {  	[sflag:s9] =	ssyncset.done $0x0  }
0x2a9: {  	[sflag:s9] =	ssyncadd.s32 $0xFFFFFFC0  }
0x2aa: {  	_ =	swait.ge [sflag:s9], $0x40  }
0x2ab: {  	[sflag:s9] =	ssyncset.done $0x0  }
0x2ac: {  	s10 =	sadd.s32 $0x1, s10;
	[sflag:s9] =	ssyncadd.s32 $0xFFFFFFC0  }
0x2ad: {  	p0 =	sne.s32 s10, s17;
	_ =	swait.ge [sflag:s9], $0x40  }
.Ltmp16:
0x2ae: {  	[sflag:s9] =	ssyncset.done $0x0;
	(pc) =	sbr.rel @p0 .LBB2_1-.Ltmp16, $4  }
0x2af: {  	[sflag:s9] =	ssyncadd.s32 $0xFFFFFFC0  }
0x2b0: {  	_ =	swait.ge [sflag:s9], $0x40  }
0x2b1: {  	[sflag:s9] =	ssyncset.done $0x0  }
0x2b2: {  	[sflag:s9] =	ssyncadd.s32 $0xFFFFFFC0  }
0x2b3: {  	_ =	sfence.sel $0x180000  }
0x2b4: {  	[bflag:$0x0] =	sbarrier.arrive $0xFFFF  }
0x2b5: {  	_ =	strace $0x90000047  }
0x2b6: {  	s0 =	stileid.u32;
	[bflag:$0x2] =	sbarrier.arrive $0xFFFF  }
0x2b7: {  	p0 =	sne.s32 s0, $0x0;
	s0 =	rddreg [dreg:$0x5]  }
0x2b8: {  	s0 =	sadd.s32 @!p0 $0x100000, s0  }
0x2b9: {  	[sflag:s0] =	ssyncadd.tile.s32 @!p0 $0x1;
	_ =	shalt  }
.Lfunc_end2:
_tile_overlayer_lowered:
.L_overlay_start_2:
0x2ba: {  	(tag) =	ssettag $0x2  }
0x2bb: {  	s0 =	rddreg [dreg:$0x0];
	s2 =	stileid.u32  }
0x2bc: {  	s1 =	rddreg [dreg:$0x1];
	p0 =	sne.s32 s2, $0x0  }
0x2bd: {  	s3 =	rddreg [dreg:$0x2];
	[bflag:$0x3] =	sbarrier.arrive $0xFFFF;
	s2 =	simm.s32 @!p0 $0x1C0B  }
0x2be: {  	[timem:s3], [sflag:s2] =	dma.local @!p0 [hbm:s0], s1  }
0x2bf: {  	s0 =	simm.s32 @!p0 $0xB  }
0x2c0: {  	_ =	swait.ge @!p0 [sflag:s0], s1  }
0x2c1: {  	s1 =	ssub.s32 @!p0 $0x0, s1;
	[sflag:s0] =	ssyncset.done @!p0 $0x0  }
0x2c2: {  	[sflag:s0] =	ssyncadd.s32 @!p0 s1  }
0x2c3: {  	[bflag:$0x3] =	sbarrier.arrive $0xFFFF  }
0x2c4: {  	_ =	shalt  }

</sc_bundles>
